<compile_context>
chip_gen: v7x
topology: tpu7x:2x2x1
jax: 0.10.2.dev20260603
libtpu: 0.0.44.dev20260713+nightly
codegen_flags: <defaults>
</compile_context>

<pallas_src>
import functools

import jax
import jax.numpy as jnp
from jax import lax
from jax.experimental import pallas as pl
from jax.experimental.pallas import tpu as pltpu
from jax.experimental.pallas import tpu_sc as plsc

_NC = 2
_NS = 16
_NW = _NC * _NS

_ROWS = 8
_NSETS = 3


def kernel(x, pe_table):
    B, L, D = x.shape
    rows_w = L // _NW
    n_chunks = rows_w // _ROWS

    mesh = plsc.VectorSubcoreMesh(
        core_axis_name="c", subcore_axis_name="s",
        num_cores=_NC, num_subcores=_NS)

    @functools.partial(
        pl.kernel,
        out_type=jax.ShapeDtypeStruct((B * L, D), jnp.float32),
        mesh=mesh,
        scratch_types=(
            [pltpu.VMEM((B * _ROWS, D), jnp.float32)
             for _ in range(_NSETS)]
            + [pltpu.VMEM((_ROWS, D), jnp.float32)
               for _ in range(_NSETS)]
            + [pltpu.SemaphoreType.DMA for _ in range(_NSETS)]
            + [pltpu.SemaphoreType.DMA for _ in range(_NSETS)]
            + [pltpu.SemaphoreType.DMA for _ in range(_NSETS)]
        ),
    )
    def run(x_hbm, pe_hbm, out_hbm, *scratch):
        bufx = scratch[:_NSETS]
        bufp = scratch[_NSETS:2 * _NSETS]
        ld_sem = scratch[2 * _NSETS:3 * _NSETS]
        st_sem = scratch[3 * _NSETS:4 * _NSETS]
        pe_sem = scratch[4 * _NSETS:]

        wid = lax.axis_index("s") * _NC + lax.axis_index("c")
        row_base = wid * rows_w

        def pe_load(c, s):
            return pltpu.make_async_copy(
                pe_hbm.at[pl.ds(row_base + c * _ROWS, _ROWS)],
                bufp[s], pe_sem[s])

        def x_copies(c, s):
            return [pltpu.make_async_copy(
                x_hbm.at[pl.ds(b * L + row_base + c * _ROWS, _ROWS)],
                bufx[s].at[pl.ds(b * _ROWS, _ROWS)], ld_sem[s])
                for b in range(B)]

        def out_copies(c, s):
            return [pltpu.make_async_copy(
                bufx[s].at[pl.ds(b * _ROWS, _ROWS)],
                out_hbm.at[pl.ds(b * L + row_base + c * _ROWS, _ROWS)],
                st_sem[s])
                for b in range(B)]

        def start(copies):
            for cp in copies:
                cp.start()

        def wait(copies):
            for cp in copies:
                cp.wait()

        def compute(s):
            bx, bp = bufx[s], bufp[s]

            @plsc.parallel_loop(0, _ROWS * D, step=16, unroll=4)
            def _(o):
                r = o // D
                cc = o % D
                v = bp[r, pl.ds(cc, 16)]
                for b in range(B):
                    plsc.addupdate(bx.at[b * _ROWS + r, pl.ds(cc, 16)], v)

        pe_load(0, 0).start()
        start(x_copies(0, 0))
        start(x_copies(jnp.int32(1), 1))
        pe_load(0, 0).wait()
        pe_load(jnp.int32(1), 1).start()
        wait(x_copies(0, 0))
        compute(0)
        start(out_copies(0, 0))
        start(x_copies(jnp.int32(2), 2))

        def body(j, carry):
            for k in range(3):
                s = (1 + k) % _NSETS
                c = 1 + 3 * j + k
                pe_load(c, s).wait()
                pe_load(c + 1, (s + 1) % _NSETS).start()
                wait(x_copies(c, s))
                compute(s)
                start(out_copies(c, s))

                @pl.when(c + 2 < n_chunks)
                def _():
                    wait(out_copies(c - 1, (s + 2) % _NSETS))
                    start(x_copies(c + 2, (s + 2) % _NSETS))
            return carry

        lax.fori_loop(0, (n_chunks - 2) // 3, body, 0)

        cl = n_chunks - 1
        sl = cl % _NSETS
        pe_load(jnp.int32(cl), sl).wait()
        wait(x_copies(jnp.int32(cl), sl))
        compute(sl)
        start(out_copies(jnp.int32(cl), sl))
        for c in range(n_chunks - 3, n_chunks):
            wait(out_copies(jnp.int32(c), c % _NSETS))

    out = run(x.reshape(B * L, D), pe_table[:L])
    return out.reshape(B, L, D)

# --- scband reference (transcript-rebuilt; emitter-appended) ---
"""Pipeline reference for scband-learned-positional-encoder-14224931684968 (READ-ONLY COPY).

The authoritative reference and input builder live on the scoring server;
editing this copy changes nothing except your own understanding.
"""

import jax, jax.numpy as jnp
import numpy as np

MAX_LENGTH = 8192
EMBED_DIM = 1024
BATCH = 4
SEQ_LEN = 8192

def setup_inputs(seed: int = 0) -> dict:
    key = jax.random.key(seed)
    k_x, k_pe = jax.random.split(key)
    x = jax.random.normal(k_x, (BATCH, SEQ_LEN, EMBED_DIM), dtype=jnp.float32)
    pe_table = jax.random.normal(k_pe, (MAX_LENGTH, EMBED_DIM), dtype=jnp.float32) * 0.02
    return {"x": x, "pe_table": pe_table}

def reference(x, pe_table):
    # positions = arange(L); gather rows from learned positional embedding table
    positions = jnp.arange(x.shape[1])
    pos_emb = jnp.take(pe_table, positions, axis=0)  # [L, D]
    # dropout_p = 0.0 -> identity (eval-mode equivalent)
    return x + pos_emb[None, :, :]

if __name__ == "__main__":
    import jax
    _d = setup_inputs()
    print(jax.jit(kernel)(*tuple(_d.values())))

</pallas_src>

<mosaic_0001>
#map = affine_map<(d0, d1) -> (0, 0)>
module attributes {stable_mosaic.version = 14 : i64} {
  func.func @run(%arg0: i32, %arg1: i32, %arg2: memref<32768x1024xf32, #tpu.memory_space<hbm>>, %arg3: memref<8192x1024xf32, #tpu.memory_space<hbm>>, %arg4: memref<32768x1024xf32, #tpu.memory_space<hbm>>, %arg5: memref<32x1024xf32, #tpu.memory_space<vmem>>, %arg6: memref<32x1024xf32, #tpu.memory_space<vmem>>, %arg7: memref<32x1024xf32, #tpu.memory_space<vmem>>, %arg8: memref<8x1024xf32, #tpu.memory_space<vmem>>, %arg9: memref<8x1024xf32, #tpu.memory_space<vmem>>, %arg10: memref<8x1024xf32, #tpu.memory_space<vmem>>, %arg11: memref<!tpu.dma_semaphore, #tpu.memory_space<semaphore_mem>>, %arg12: memref<!tpu.dma_semaphore, #tpu.memory_space<semaphore_mem>>, %arg13: memref<!tpu.dma_semaphore, #tpu.memory_space<semaphore_mem>>, %arg14: memref<!tpu.dma_semaphore, #tpu.memory_space<semaphore_mem>>, %arg15: memref<!tpu.dma_semaphore, #tpu.memory_space<semaphore_mem>>, %arg16: memref<!tpu.dma_semaphore, #tpu.memory_space<semaphore_mem>>, %arg17: memref<!tpu.dma_semaphore, #tpu.memory_space<semaphore_mem>>, %arg18: memref<!tpu.dma_semaphore, #tpu.memory_space<semaphore_mem>>, %arg19: memref<!tpu.dma_semaphore, #tpu.memory_space<semaphore_mem>>) attributes {dimension_semantics = [#tpu.dimension_semantics<core_parallel>, #tpu.dimension_semantics<subcore_parallel>], iteration_bounds = array<i64: 2, 16>, scalar_prefetch = 0 : i64, scratch_operands = 15 : i64, tpu.core_type = #tpu.core_type<sc_vector_subcore>, window_params = [{transform_indices = #map}, {transform_indices = #map}, {transform_indices = #map}]} {
    %mul3A = arith.constant 2 : i32
    %mul3A_0 = arith.muli %arg1, %mul3A : i32
    %add3A = arith.addi %mul3A_0, %arg0 : i32
    %mul3A_1 = arith.constant 256 : i32
    %mul3A_2 = arith.muli %add3A, %mul3A_1 : i32
    %add3A_3 = arith.constant 0 : i32
    %add3A_4 = arith.addi %mul3A_2, %add3A_3 : i32
    %dma_start3A = arith.constant 0 : i32
    %dma_start3A_5 = tpu.memref_slice %arg3[%add3A_4, %dma_start3A] : memref<8192x1024xf32, #tpu.memory_space<hbm>> -> memref<8x1024xf32, #tpu.memory_space<hbm>>
    %dma_start3A_6 = arith.constant 0 : i32
    %dma_start3A_7 = tpu.memref_slice %arg3[%add3A_4, %dma_start3A_6] : memref<8192x1024xf32, #tpu.memory_space<hbm>> -> memref<8x1024xf32, #tpu.memory_space<hbm>>
    tpu.enqueue_dma source(%dma_start3A_7 : memref<8x1024xf32, #tpu.memory_space<hbm>>) target(%arg8 : memref<8x1024xf32, #tpu.memory_space<vmem>>) target_semaphore(%arg17 : memref<!tpu.dma_semaphore, #tpu.memory_space<semaphore_mem>>)
    %add3A_8 = arith.constant 0 : i32
    %add3A_9 = arith.addi %add3A_8, %mul3A_2 : i32
    %add3A_10 = arith.constant 0 : i32
    %add3A_11 = arith.addi %add3A_9, %add3A_10 : i32
    %add3A_12 = arith.constant 8192 : i32
    %add3A_13 = arith.addi %add3A_12, %mul3A_2 : i32
    %add3A_14 = arith.constant 0 : i32
    %add3A_15 = arith.addi %add3A_13, %add3A_14 : i32
    %add3A_16 = arith.constant 16384 : i32
    %add3A_17 = arith.addi %add3A_16, %mul3A_2 : i32
    %add3A_18 = arith.constant 0 : i32
    %add3A_19 = arith.addi %add3A_17, %add3A_18 : i32
    %add3A_20 = arith.constant 24576 : i32
    %add3A_21 = arith.addi %add3A_20, %mul3A_2 : i32
    %add3A_22 = arith.constant 0 : i32
    %add3A_23 = arith.addi %add3A_21, %add3A_22 : i32
    %dma_start3A_24 = arith.constant 0 : i32
    %dma_start3A_25 = arith.constant 0 : i32
    %dma_start3A_26 = tpu.memref_slice %arg5[%dma_start3A_24, %dma_start3A_25] : memref<32x1024xf32, #tpu.memory_space<vmem>> -> memref<8x1024xf32, #tpu.memory_space<vmem>>
    %dma_start3A_27 = arith.constant 0 : i32
    %dma_start3A_28 = tpu.memref_slice %arg2[%add3A_11, %dma_start3A_27] : memref<32768x1024xf32, #tpu.memory_space<hbm>> -> memref<8x1024xf32, #tpu.memory_space<hbm>>
    %dma_start3A_29 = arith.constant 0 : i32
    %dma_start3A_30 = arith.constant 0 : i32
    %dma_start3A_31 = tpu.memref_slice %arg5[%dma_start3A_29, %dma_start3A_30] : memref<32x1024xf32, #tpu.memory_space<vmem>> -> memref<8x1024xf32, #tpu.memory_space<vmem>>
    %dma_start3A_32 = arith.constant 0 : i32
    %dma_start3A_33 = tpu.memref_slice %arg2[%add3A_11, %dma_start3A_32] : memref<32768x1024xf32, #tpu.memory_space<hbm>> -> memref<8x1024xf32, #tpu.memory_space<hbm>>
    tpu.enqueue_dma source(%dma_start3A_33 : memref<8x1024xf32, #tpu.memory_space<hbm>>) target(%dma_start3A_31 : memref<8x1024xf32, #tpu.memory_space<vmem>>) target_semaphore(%arg11 : memref<!tpu.dma_semaphore, #tpu.memory_space<semaphore_mem>>)
    %dma_start3A_34 = arith.constant 8 : i32
    %dma_start3A_35 = arith.constant 0 : i32
    %dma_start3A_36 = tpu.memref_slice %arg5[%dma_start3A_34, %dma_start3A_35] : memref<32x1024xf32, #tpu.memory_space<vmem>> -> memref<8x1024xf32, #tpu.memory_space<vmem>>
    %dma_start3A_37 = arith.constant 0 : i32
    %dma_start3A_38 = tpu.memref_slice %arg2[%add3A_15, %dma_start3A_37] : memref<32768x1024xf32, #tpu.memory_space<hbm>> -> memref<8x1024xf32, #tpu.memory_space<hbm>>
    %dma_start3A_39 = arith.constant 8 : i32
    %dma_start3A_40 = arith.constant 0 : i32
    %dma_start3A_41 = tpu.memref_slice %arg5[%dma_start3A_39, %dma_start3A_40] : memref<32x1024xf32, #tpu.memory_space<vmem>> -> memref<8x1024xf32, #tpu.memory_space<vmem>>
    %dma_start3A_42 = arith.constant 0 : i32
    %dma_start3A_43 = tpu.memref_slice %arg2[%add3A_15, %dma_start3A_42] : memref<32768x1024xf32, #tpu.memory_space<hbm>> -> memref<8x1024xf32, #tpu.memory_space<hbm>>
    tpu.enqueue_dma source(%dma_start3A_43 : memref<8x1024xf32, #tpu.memory_space<hbm>>) target(%dma_start3A_41 : memref<8x1024xf32, #tpu.memory_space<vmem>>) target_semaphore(%arg11 : memref<!tpu.dma_semaphore, #tpu.memory_space<semaphore_mem>>)
    %dma_start3A_44 = arith.constant 16 : i32
    %dma_start3A_45 = arith.constant 0 : i32
    %dma_start3A_46 = tpu.memref_slice %arg5[%dma_start3A_44, %dma_start3A_45] : memref<32x1024xf32, #tpu.memory_space<vmem>> -> memref<8x1024xf32, #tpu.memory_space<vmem>>
    %dma_start3A_47 = arith.constant 0 : i32
    %dma_start3A_48 = tpu.memref_slice %arg2[%add3A_19, %dma_start3A_47] : memref<32768x1024xf32, #tpu.memory_space<hbm>> -> memref<8x1024xf32, #tpu.memory_space<hbm>>
    %dma_start3A_49 = arith.constant 16 : i32
    %dma_start3A_50 = arith.constant 0 : i32
    %dma_start3A_51 = tpu.memref_slice %arg5[%dma_start3A_49, %dma_start3A_50] : memref<32x1024xf32, #tpu.memory_space<vmem>> -> memref<8x1024xf32, #tpu.memory_space<vmem>>
    %dma_start3A_52 = arith.constant 0 : i32
    %dma_start3A_53 = tpu.memref_slice %arg2[%add3A_19, %dma_start3A_52] : memref<32768x1024xf32, #tpu.memory_space<hbm>> -> memref<8x1024xf32, #tpu.memory_space<hbm>>
    tpu.enqueue_dma source(%dma_start3A_53 : memref<8x1024xf32, #tpu.memory_space<hbm>>) target(%dma_start3A_51 : memref<8x1024xf32, #tpu.memory_space<vmem>>) target_semaphore(%arg11 : memref<!tpu.dma_semaphore, #tpu.memory_space<semaphore_mem>>)
    %dma_start3A_54 = arith.constant 24 : i32
    %dma_start3A_55 = arith.constant 0 : i32
    %dma_start3A_56 = tpu.memref_slice %arg5[%dma_start3A_54, %dma_start3A_55] : memref<32x1024xf32, #tpu.memory_space<vmem>> -> memref<8x1024xf32, #tpu.memory_space<vmem>>
    %dma_start3A_57 = arith.constant 0 : i32
    %dma_start3A_58 = tpu.memref_slice %arg2[%add3A_23, %dma_start3A_57] : memref<32768x1024xf32, #tpu.memory_space<hbm>> -> memref<8x1024xf32, #tpu.memory_space<hbm>>
    %dma_start3A_59 = arith.constant 24 : i32
    %dma_start3A_60 = arith.constant 0 : i32
    %dma_start3A_61 = tpu.memref_slice %arg5[%dma_start3A_59, %dma_start3A_60] : memref<32x1024xf32, #tpu.memory_space<vmem>> -> memref<8x1024xf32, #tpu.memory_space<vmem>>
    %dma_start3A_62 = arith.constant 0 : i32
    %dma_start3A_63 = tpu.memref_slice %arg2[%add3A_23, %dma_start3A_62] : memref<32768x1024xf32, #tpu.memory_space<hbm>> -> memref<8x1024xf32, #tpu.memory_space<hbm>>
    tpu.enqueue_dma source(%dma_start3A_63 : memref<8x1024xf32, #tpu.memory_space<hbm>>) target(%dma_start3A_61 : memref<8x1024xf32, #tpu.memory_space<vmem>>) target_semaphore(%arg11 : memref<!tpu.dma_semaphore, #tpu.memory_space<semaphore_mem>>)
    %add3A_64 = arith.constant 0 : i32
    %add3A_65 = arith.addi %add3A_64, %mul3A_2 : i32
    %mul3A_66 = arith.constant 1 : i32
    %mul3A_67 = arith.constant 8 : i32
    %mul3A_68 = arith.muli %mul3A_66, %mul3A_67 : i32
    %add3A_69 = arith.addi %add3A_65, %mul3A_68 : i32
    %add3A_70 = arith.constant 8192 : i32
    %add3A_71 = arith.addi %add3A_70, %mul3A_2 : i32
    %mul3A_72 = arith.constant 1 : i32
    %mul3A_73 = arith.constant 8 : i32
    %mul3A_74 = arith.muli %mul3A_72, %mul3A_73 : i32
    %add3A_75 = arith.addi %add3A_71, %mul3A_74 : i32
    %add3A_76 = arith.constant 16384 : i32
    %add3A_77 = arith.addi %add3A_76, %mul3A_2 : i32
    %mul3A_78 = arith.constant 1 : i32
    %mul3A_79 = arith.constant 8 : i32
    %mul3A_80 = arith.muli %mul3A_78, %mul3A_79 : i32
    %add3A_81 = arith.addi %add3A_77, %mul3A_80 : i32
    %add3A_82 = arith.constant 24576 : i32
    %add3A_83 = arith.addi %add3A_82, %mul3A_2 : i32
    %mul3A_84 = arith.constant 1 : i32
    %mul3A_85 = arith.constant 8 : i32
    %mul3A_86 = arith.muli %mul3A_84, %mul3A_85 : i32
    %add3A_87 = arith.addi %add3A_83, %mul3A_86 : i32
    %dma_start3A_88 = arith.constant 0 : i32
    %dma_start3A_89 = arith.constant 0 : i32
    %dma_start3A_90 = tpu.memref_slice %arg6[%dma_start3A_88, %dma_start3A_89] : memref<32x1024xf32, #tpu.memory_space<vmem>> -> memref<8x1024xf32, #tpu.memory_space<vmem>>
    %dma_start3A_91 = arith.constant 0 : i32
    %dma_start3A_92 = tpu.memref_slice %arg2[%add3A_69, %dma_start3A_91] : memref<32768x1024xf32, #tpu.memory_space<hbm>> -> memref<8x1024xf32, #tpu.memory_space<hbm>>
    %dma_start3A_93 = arith.constant 0 : i32
    %dma_start3A_94 = arith.constant 0 : i32
    %dma_start3A_95 = tpu.memref_slice %arg6[%dma_start3A_93, %dma_start3A_94] : memref<32x1024xf32, #tpu.memory_space<vmem>> -> memref<8x1024xf32, #tpu.memory_space<vmem>>
    %dma_start3A_96 = arith.constant 0 : i32
    %dma_start3A_97 = tpu.memref_slice %arg2[%add3A_69, %dma_start3A_96] : memref<32768x1024xf32, #tpu.memory_space<hbm>> -> memref<8x1024xf32, #tpu.memory_space<hbm>>
    tpu.enqueue_dma source(%dma_start3A_97 : memref<8x1024xf32, #tpu.memory_space<hbm>>) target(%dma_start3A_95 : memref<8x1024xf32, #tpu.memory_space<vmem>>) target_semaphore(%arg12 : memref<!tpu.dma_semaphore, #tpu.memory_space<semaphore_mem>>)
    %dma_start3A_98 = arith.constant 8 : i32
    %dma_start3A_99 = arith.constant 0 : i32
    %dma_start3A_100 = tpu.memref_slice %arg6[%dma_start3A_98, %dma_start3A_99] : memref<32x1024xf32, #tpu.memory_space<vmem>> -> memref<8x1024xf32, #tpu.memory_space<vmem>>
    %dma_start3A_101 = arith.constant 0 : i32
    %dma_start3A_102 = tpu.memref_slice %arg2[%add3A_75, %dma_start3A_101] : memref<32768x1024xf32, #tpu.memory_space<hbm>> -> memref<8x1024xf32, #tpu.memory_space<hbm>>
    %dma_start3A_103 = arith.constant 8 : i32
    %dma_start3A_104 = arith.constant 0 : i32
    %dma_start3A_105 = tpu.memref_slice %arg6[%dma_start3A_103, %dma_start3A_104] : memref<32x1024xf32, #tpu.memory_space<vmem>> -> memref<8x1024xf32, #tpu.memory_space<vmem>>
    %dma_start3A_106 = arith.constant 0 : i32
    %dma_start3A_107 = tpu.memref_slice %arg2[%add3A_75, %dma_start3A_106] : memref<32768x1024xf32, #tpu.memory_space<hbm>> -> memref<8x1024xf32, #tpu.memory_space<hbm>>
    tpu.enqueue_dma source(%dma_start3A_107 : memref<8x1024xf32, #tpu.memory_space<hbm>>) target(%dma_start3A_105 : memref<8x1024xf32, #tpu.memory_space<vmem>>) target_semaphore(%arg12 : memref<!tpu.dma_semaphore, #tpu.memory_space<semaphore_mem>>)
    %dma_start3A_108 = arith.constant 16 : i32
    %dma_start3A_109 = arith.constant 0 : i32
    %dma_start3A_110 = tpu.memref_slice %arg6[%dma_start3A_108, %dma_start3A_109] : memref<32x1024xf32, #tpu.memory_space<vmem>> -> memref<8x1024xf32, #tpu.memory_space<vmem>>
    %dma_start3A_111 = arith.constant 0 : i32
    %dma_start3A_112 = tpu.memref_slice %arg2[%add3A_81, %dma_start3A_111] : memref<32768x1024xf32, #tpu.memory_space<hbm>> -> memref<8x1024xf32, #tpu.memory_space<hbm>>
    %dma_start3A_113 = arith.constant 16 : i32
    %dma_start3A_114 = arith.constant 0 : i32
    %dma_start3A_115 = tpu.memref_slice %arg6[%dma_start3A_113, %dma_start3A_114] : memref<32x1024xf32, #tpu.memory_space<vmem>> -> memref<8x1024xf32, #tpu.memory_space<vmem>>
    %dma_start3A_116 = arith.constant 0 : i32
    %dma_start3A_117 = tpu.memref_slice %arg2[%add3A_81, %dma_start3A_116] : memref<32768x1024xf32, #tpu.memory_space<hbm>> -> memref<8x1024xf32, #tpu.memory_space<hbm>>
    tpu.enqueue_dma source(%dma_start3A_117 : memref<8x1024xf32, #tpu.memory_space<hbm>>) target(%dma_start3A_115 : memref<8x1024xf32, #tpu.memory_space<vmem>>) target_semaphore(%arg12 : memref<!tpu.dma_semaphore, #tpu.memory_space<semaphore_mem>>)
    %dma_start3A_118 = arith.constant 24 : i32
    %dma_start3A_119 = arith.constant 0 : i32
    %dma_start3A_120 = tpu.memref_slice %arg6[%dma_start3A_118, %dma_start3A_119] : memref<32x1024xf32, #tpu.memory_space<vmem>> -> memref<8x1024xf32, #tpu.memory_space<vmem>>
    %dma_start3A_121 = arith.constant 0 : i32
    %dma_start3A_122 = tpu.memref_slice %arg2[%add3A_87, %dma_start3A_121] : memref<32768x1024xf32, #tpu.memory_space<hbm>> -> memref<8x1024xf32, #tpu.memory_space<hbm>>
    %dma_start3A_123 = arith.constant 24 : i32
    %dma_start3A_124 = arith.constant 0 : i32
    %dma_start3A_125 = tpu.memref_slice %arg6[%dma_start3A_123, %dma_start3A_124] : memref<32x1024xf32, #tpu.memory_space<vmem>> -> memref<8x1024xf32, #tpu.memory_space<vmem>>
    %dma_start3A_126 = arith.constant 0 : i32
    %dma_start3A_127 = tpu.memref_slice %arg2[%add3A_87, %dma_start3A_126] : memref<32768x1024xf32, #tpu.memory_space<hbm>> -> memref<8x1024xf32, #tpu.memory_space<hbm>>
    tpu.enqueue_dma source(%dma_start3A_127 : memref<8x1024xf32, #tpu.memory_space<hbm>>) target(%dma_start3A_125 : memref<8x1024xf32, #tpu.memory_space<vmem>>) target_semaphore(%arg12 : memref<!tpu.dma_semaphore, #tpu.memory_space<semaphore_mem>>)
    %add3A_128 = arith.constant 0 : i32
    %add3A_129 = arith.addi %mul3A_2, %add3A_128 : i32
    %dma_wait3A = arith.constant 0 : i32
    %dma_wait3A_130 = tpu.memref_slice %arg3[%add3A_129, %dma_wait3A] : memref<8192x1024xf32, #tpu.memory_space<hbm>> -> memref<8x1024xf32, #tpu.memory_space<hbm>>
    %dma_wait3A_131 = arith.constant 0 : i32
    %dma_wait3A_132 = tpu.memref_slice %arg3[%add3A_129, %dma_wait3A_131] : memref<8192x1024xf32, #tpu.memory_space<hbm>> -> memref<8x1024xf32, #tpu.memory_space<hbm>>
    tpu.wait_dma2 semaphore(%arg17 : memref<!tpu.dma_semaphore, #tpu.memory_space<semaphore_mem>>) src(%dma_wait3A_132 : memref<8x1024xf32, #tpu.memory_space<hbm>>) dst(%arg8 : memref<8x1024xf32, #tpu.memory_space<vmem>>)
    %mul3A_133 = arith.constant 1 : i32
    %mul3A_134 = arith.constant 8 : i32
    %mul3A_135 = arith.muli %mul3A_133, %mul3A_134 : i32
    %add3A_136 = arith.addi %mul3A_2, %mul3A_135 : i32
    %dma_start3A_137 = arith.constant 0 : i32
    %dma_start3A_138 = tpu.memref_slice %arg3[%add3A_136, %dma_start3A_137] : memref<8192x1024xf32, #tpu.memory_space<hbm>> -> memref<8x1024xf32, #tpu.memory_space<hbm>>
    %dma_start3A_139 = arith.constant 0 : i32
    %dma_start3A_140 = tpu.memref_slice %arg3[%add3A_136, %dma_start3A_139] : memref<8192x1024xf32, #tpu.memory_space<hbm>> -> memref<8x1024xf32, #tpu.memory_space<hbm>>
    tpu.enqueue_dma source(%dma_start3A_140 : memref<8x1024xf32, #tpu.memory_space<hbm>>) target(%arg9 : memref<8x1024xf32, #tpu.memory_space<vmem>>) target_semaphore(%arg18 : memref<!tpu.dma_semaphore, #tpu.memory_space<semaphore_mem>>)
    %add3A_141 = arith.constant 0 : i32
    %add3A_142 = arith.addi %add3A_141, %mul3A_2 : i32
    %add3A_143 = arith.constant 0 : i32
    %add3A_144 = arith.addi %add3A_142, %add3A_143 : i32
    %add3A_145 = arith.constant 8192 : i32
    %add3A_146 = arith.addi %add3A_145, %mul3A_2 : i32
    %add3A_147 = arith.constant 0 : i32
    %add3A_148 = arith.addi %add3A_146, %add3A_147 : i32
    %add3A_149 = arith.constant 16384 : i32
    %add3A_150 = arith.addi %add3A_149, %mul3A_2 : i32
    %add3A_151 = arith.constant 0 : i32
    %add3A_152 = arith.addi %add3A_150, %add3A_151 : i32
    %add3A_153 = arith.constant 24576 : i32
    %add3A_154 = arith.addi %add3A_153, %mul3A_2 : i32
    %add3A_155 = arith.constant 0 : i32
    %add3A_156 = arith.addi %add3A_154, %add3A_155 : i32
    %dma_wait3A_157 = arith.constant 0 : i32
    %dma_wait3A_158 = arith.constant 0 : i32
    %dma_wait3A_159 = tpu.memref_slice %arg5[%dma_wait3A_157, %dma_wait3A_158] : memref<32x1024xf32, #tpu.memory_space<vmem>> -> memref<8x1024xf32, #tpu.memory_space<vmem>>
    %dma_wait3A_160 = arith.constant 0 : i32
    %dma_wait3A_161 = tpu.memref_slice %arg2[%add3A_144, %dma_wait3A_160] : memref<32768x1024xf32, #tpu.memory_space<hbm>> -> memref<8x1024xf32, #tpu.memory_space<hbm>>
    %dma_wait3A_162 = arith.constant 0 : i32
    %dma_wait3A_163 = arith.constant 0 : i32
    %dma_wait3A_164 = tpu.memref_slice %arg5[%dma_wait3A_162, %dma_wait3A_163] : memref<32x1024xf32, #tpu.memory_space<vmem>> -> memref<8x1024xf32, #tpu.memory_space<vmem>>
    %dma_wait3A_165 = arith.constant 0 : i32
    %dma_wait3A_166 = tpu.memref_slice %arg2[%add3A_144, %dma_wait3A_165] : memref<32768x1024xf32, #tpu.memory_space<hbm>> -> memref<8x1024xf32, #tpu.memory_space<hbm>>
    tpu.wait_dma2 semaphore(%arg11 : memref<!tpu.dma_semaphore, #tpu.memory_space<semaphore_mem>>) src(%dma_wait3A_166 : memref<8x1024xf32, #tpu.memory_space<hbm>>) dst(%dma_wait3A_164 : memref<8x1024xf32, #tpu.memory_space<vmem>>)
    %dma_wait3A_167 = arith.constant 8 : i32
    %dma_wait3A_168 = arith.constant 0 : i32
    %dma_wait3A_169 = tpu.memref_slice %arg5[%dma_wait3A_167, %dma_wait3A_168] : memref<32x1024xf32, #tpu.memory_space<vmem>> -> memref<8x1024xf32, #tpu.memory_space<vmem>>
    %dma_wait3A_170 = arith.constant 0 : i32
    %dma_wait3A_171 = tpu.memref_slice %arg2[%add3A_148, %dma_wait3A_170] : memref<32768x1024xf32, #tpu.memory_space<hbm>> -> memref<8x1024xf32, #tpu.memory_space<hbm>>
    %dma_wait3A_172 = arith.constant 8 : i32
    %dma_wait3A_173 = arith.constant 0 : i32
    %dma_wait3A_174 = tpu.memref_slice %arg5[%dma_wait3A_172, %dma_wait3A_173] : memref<32x1024xf32, #tpu.memory_space<vmem>> -> memref<8x1024xf32, #tpu.memory_space<vmem>>
    %dma_wait3A_175 = arith.constant 0 : i32
    %dma_wait3A_176 = tpu.memref_slice %arg2[%add3A_148, %dma_wait3A_175] : memref<32768x1024xf32, #tpu.memory_space<hbm>> -> memref<8x1024xf32, #tpu.memory_space<hbm>>
    tpu.wait_dma2 semaphore(%arg11 : memref<!tpu.dma_semaphore, #tpu.memory_space<semaphore_mem>>) src(%dma_wait3A_176 : memref<8x1024xf32, #tpu.memory_space<hbm>>) dst(%dma_wait3A_174 : memref<8x1024xf32, #tpu.memory_space<vmem>>)
    %dma_wait3A_177 = arith.constant 16 : i32
    %dma_wait3A_178 = arith.constant 0 : i32
    %dma_wait3A_179 = tpu.memref_slice %arg5[%dma_wait3A_177, %dma_wait3A_178] : memref<32x1024xf32, #tpu.memory_space<vmem>> -> memref<8x1024xf32, #tpu.memory_space<vmem>>
    %dma_wait3A_180 = arith.constant 0 : i32
    %dma_wait3A_181 = tpu.memref_slice %arg2[%add3A_152, %dma_wait3A_180] : memref<32768x1024xf32, #tpu.memory_space<hbm>> -> memref<8x1024xf32, #tpu.memory_space<hbm>>
    %dma_wait3A_182 = arith.constant 16 : i32
    %dma_wait3A_183 = arith.constant 0 : i32
    %dma_wait3A_184 = tpu.memref_slice %arg5[%dma_wait3A_182, %dma_wait3A_183] : memref<32x1024xf32, #tpu.memory_space<vmem>> -> memref<8x1024xf32, #tpu.memory_space<vmem>>
    %dma_wait3A_185 = arith.constant 0 : i32
    %dma_wait3A_186 = tpu.memref_slice %arg2[%add3A_152, %dma_wait3A_185] : memref<32768x1024xf32, #tpu.memory_space<hbm>> -> memref<8x1024xf32, #tpu.memory_space<hbm>>
    tpu.wait_dma2 semaphore(%arg11 : memref<!tpu.dma_semaphore, #tpu.memory_space<semaphore_mem>>) src(%dma_wait3A_186 : memref<8x1024xf32, #tpu.memory_space<hbm>>) dst(%dma_wait3A_184 : memref<8x1024xf32, #tpu.memory_space<vmem>>)
    %dma_wait3A_187 = arith.constant 24 : i32
    %dma_wait3A_188 = arith.constant 0 : i32
    %dma_wait3A_189 = tpu.memref_slice %arg5[%dma_wait3A_187, %dma_wait3A_188] : memref<32x1024xf32, #tpu.memory_space<vmem>> -> memref<8x1024xf32, #tpu.memory_space<vmem>>
    %dma_wait3A_190 = arith.constant 0 : i32
    %dma_wait3A_191 = tpu.memref_slice %arg2[%add3A_156, %dma_wait3A_190] : memref<32768x1024xf32, #tpu.memory_space<hbm>> -> memref<8x1024xf32, #tpu.memory_space<hbm>>
    %dma_wait3A_192 = arith.constant 24 : i32
    %dma_wait3A_193 = arith.constant 0 : i32
    %dma_wait3A_194 = tpu.memref_slice %arg5[%dma_wait3A_192, %dma_wait3A_193] : memref<32x1024xf32, #tpu.memory_space<vmem>> -> memref<8x1024xf32, #tpu.memory_space<vmem>>
    %dma_wait3A_195 = arith.constant 0 : i32
    %dma_wait3A_196 = tpu.memref_slice %arg2[%add3A_156, %dma_wait3A_195] : memref<32768x1024xf32, #tpu.memory_space<hbm>> -> memref<8x1024xf32, #tpu.memory_space<hbm>>
    tpu.wait_dma2 semaphore(%arg11 : memref<!tpu.dma_semaphore, #tpu.memory_space<semaphore_mem>>) src(%dma_wait3A_196 : memref<8x1024xf32, #tpu.memory_space<hbm>>) dst(%dma_wait3A_194 : memref<8x1024xf32, #tpu.memory_space<vmem>>)
    %parallel_loop3A = arith.constant 0 : i32
    %parallel_loop3A_197 = arith.constant 8192 : i32
    %parallel_loop3A_198 = arith.constant 16 : i32
    scf.for %parallel_loop3A_655 = %parallel_loop3A to %parallel_loop3A_197 step %parallel_loop3A_198  : i32 {
      %parallel_loop3A_656 = arith.constant 1024 : i32
      %parallel_loop3A_657 = arith.divsi %parallel_loop3A_655, %parallel_loop3A_656 : i32
      %parallel_loop3A_658 = arith.constant 0 : i32
      %parallel_loop3A_659 = arith.cmpi sgt, %parallel_loop3A_655, %parallel_loop3A_658 : i32
      %parallel_loop3A_660 = arith.extui %parallel_loop3A_659 : i1 to i32
      %parallel_loop3A_661 = arith.constant 0 : i32
      %parallel_loop3A_662 = arith.cmpi slt, %parallel_loop3A_655, %parallel_loop3A_661 : i32
      %parallel_loop3A_663 = arith.extui %parallel_loop3A_662 : i1 to i32
      %parallel_loop3A_664 = arith.subi %parallel_loop3A_660, %parallel_loop3A_663 : i32
      %parallel_loop3A_665 = arith.constant 0 : i32
      %parallel_loop3A_666 = arith.cmpi sgt, %parallel_loop3A_656, %parallel_loop3A_665 : i32
      %parallel_loop3A_667 = arith.extui %parallel_loop3A_666 : i1 to i32
      %parallel_loop3A_668 = arith.constant 0 : i32
      %parallel_loop3A_669 = arith.cmpi slt, %parallel_loop3A_656, %parallel_loop3A_668 : i32
      %parallel_loop3A_670 = arith.extui %parallel_loop3A_669 : i1 to i32
      %parallel_loop3A_671 = arith.subi %parallel_loop3A_667, %parallel_loop3A_670 : i32
      %parallel_loop3A_672 = arith.cmpi ne, %parallel_loop3A_664, %parallel_loop3A_671 : i32
      %parallel_loop3A_673 = arith.remsi %parallel_loop3A_655, %parallel_loop3A_656 : i32
      %parallel_loop3A_674 = arith.constant 0 : i32
      %parallel_loop3A_675 = arith.cmpi ne, %parallel_loop3A_673, %parallel_loop3A_674 : i32
      %parallel_loop3A_676 = arith.andi %parallel_loop3A_672, %parallel_loop3A_675 : i1
      %parallel_loop3A_677 = arith.constant 1 : i32
      %parallel_loop3A_678 = arith.subi %parallel_loop3A_657, %parallel_loop3A_677 : i32
      %parallel_loop3A_679 = arith.select %parallel_loop3A_676, %parallel_loop3A_678, %parallel_loop3A_657 : i32
      %parallel_loop3A_680 = arith.constant 1024 : i32
      %parallel_loop3A_681 = arith.constant 0 : i32
      %parallel_loop3A_682 = arith.cmpi eq, %parallel_loop3A_680, %parallel_loop3A_681 : i32
      %parallel_loop3A_683 = arith.constant 1 : i32
      %parallel_loop3A_684 = arith.select %parallel_loop3A_682, %parallel_loop3A_683, %parallel_loop3A_680 : i32
      %parallel_loop3A_685 = arith.remsi %parallel_loop3A_655, %parallel_loop3A_684 : i32
      %parallel_loop3A_686 = arith.constant 0 : i32
      %parallel_loop3A_687 = arith.cmpi ne, %parallel_loop3A_685, %parallel_loop3A_686 : i32
      %parallel_loop3A_688 = arith.constant 0 : i32
      %parallel_loop3A_689 = arith.cmpi slt, %parallel_loop3A_685, %parallel_loop3A_688 : i32
      %parallel_loop3A_690 = arith.constant 0 : i32
      %parallel_loop3A_691 = arith.cmpi slt, %parallel_loop3A_684, %parallel_loop3A_690 : i32
      %parallel_loop3A_692 = arith.xori %parallel_loop3A_689, %parallel_loop3A_691 : i1
      %parallel_loop3A_693 = arith.andi %parallel_loop3A_692, %parallel_loop3A_687 : i1
      %parallel_loop3A_694 = arith.addi %parallel_loop3A_685, %parallel_loop3A_684 : i32
      %parallel_loop3A_695 = arith.select %parallel_loop3A_693, %parallel_loop3A_694, %parallel_loop3A_685 : i32
      %parallel_loop3A_696 = arith.index_cast %parallel_loop3A_679 : i32 to index
      %parallel_loop3A_697 = arith.index_cast %parallel_loop3A_695 : i32 to index
      %parallel_loop3A_698 = tpu.vector_load %arg8[%parallel_loop3A_696, %parallel_loop3A_697] {strides = array<i32>} : memref<8x1024xf32, #tpu.memory_space<vmem>>, vector<1x16xf32>,
      %parallel_loop3A_699 = vector.shape_cast %parallel_loop3A_698 : vector<1x16xf32> to vector<16xf32>
      %parallel_loop3A_700 = arith.constant 0 : i32
      %parallel_loop3A_701 = arith.addi %parallel_loop3A_700, %parallel_loop3A_679 : i32
      %parallel_loop3A_702 = arith.index_cast %parallel_loop3A_701 : i32 to index
      %parallel_loop3A_703 = arith.index_cast %parallel_loop3A_695 : i32 to index
      %parallel_loop3A_704 = tpu.vector_load %arg5[%parallel_loop3A_702, %parallel_loop3A_703] {strides = array<i32>} : memref<32x1024xf32, #tpu.memory_space<vmem>>, vector<1x16xf32>,
      %parallel_loop3A_705 = vector.shape_cast %parallel_loop3A_704 : vector<1x16xf32> to vector<16xf32>
      %parallel_loop3A_706 = vector.shape_cast %parallel_loop3A_699 : vector<16xf32> to vector<1x16xf32>
      tpu.vector_store %arg5[%parallel_loop3A_702, %parallel_loop3A_703], %parallel_loop3A_706 {add = true, strides = array<i32>} : memref<32x1024xf32, #tpu.memory_space<vmem>>, vector<1x16xf32>,
      %parallel_loop3A_707 = arith.constant 8 : i32
      %parallel_loop3A_708 = arith.addi %parallel_loop3A_707, %parallel_loop3A_679 : i32
      %parallel_loop3A_709 = arith.index_cast %parallel_loop3A_708 : i32 to index
      %parallel_loop3A_710 = arith.index_cast %parallel_loop3A_695 : i32 to index
      %parallel_loop3A_711 = tpu.vector_load %arg5[%parallel_loop3A_709, %parallel_loop3A_710] {strides = array<i32>} : memref<32x1024xf32, #tpu.memory_space<vmem>>, vector<1x16xf32>,
      %parallel_loop3A_712 = vector.shape_cast %parallel_loop3A_711 : vector<1x16xf32> to vector<16xf32>
      %parallel_loop3A_713 = vector.shape_cast %parallel_loop3A_699 : vector<16xf32> to vector<1x16xf32>
      tpu.vector_store %arg5[%parallel_loop3A_709, %parallel_loop3A_710], %parallel_loop3A_713 {add = true, strides = array<i32>} : memref<32x1024xf32, #tpu.memory_space<vmem>>, vector<1x16xf32>,
      %parallel_loop3A_714 = arith.constant 16 : i32
      %parallel_loop3A_715 = arith.addi %parallel_loop3A_714, %parallel_loop3A_679 : i32
      %parallel_loop3A_716 = arith.index_cast %parallel_loop3A_715 : i32 to index
      %parallel_loop3A_717 = arith.index_cast %parallel_loop3A_695 : i32 to index
      %parallel_loop3A_718 = tpu.vector_load %arg5[%parallel_loop3A_716, %parallel_loop3A_717] {strides = array<i32>} : memref<32x1024xf32, #tpu.memory_space<vmem>>, vector<1x16xf32>,
      %parallel_loop3A_719 = vector.shape_cast %parallel_loop3A_718 : vector<1x16xf32> to vector<16xf32>
      %parallel_loop3A_720 = vector.shape_cast %parallel_loop3A_699 : vector<16xf32> to vector<1x16xf32>
      tpu.vector_store %arg5[%parallel_loop3A_716, %parallel_loop3A_717], %parallel_loop3A_720 {add = true, strides = array<i32>} : memref<32x1024xf32, #tpu.memory_space<vmem>>, vector<1x16xf32>,
      %parallel_loop3A_721 = arith.constant 24 : i32
      %parallel_loop3A_722 = arith.addi %parallel_loop3A_721, %parallel_loop3A_679 : i32
      %parallel_loop3A_723 = arith.index_cast %parallel_loop3A_722 : i32 to index
      %parallel_loop3A_724 = arith.index_cast %parallel_loop3A_695 : i32 to index
      %parallel_loop3A_725 = tpu.vector_load %arg5[%parallel_loop3A_723, %parallel_loop3A_724] {strides = array<i32>} : memref<32x1024xf32, #tpu.memory_space<vmem>>, vector<1x16xf32>,
      %parallel_loop3A_726 = vector.shape_cast %parallel_loop3A_725 : vector<1x16xf32> to vector<16xf32>
      %parallel_loop3A_727 = vector.shape_cast %parallel_loop3A_699 : vector<16xf32> to vector<1x16xf32>
      tpu.vector_store %arg5[%parallel_loop3A_723, %parallel_loop3A_724], %parallel_loop3A_727 {add = true, strides = array<i32>} : memref<32x1024xf32, #tpu.memory_space<vmem>>, vector<1x16xf32>,
    } {sc.loop_unroll_factor = 4 : i64, sc.parallel_access}
    %add3A_199 = arith.constant 0 : i32
    %add3A_200 = arith.addi %add3A_199, %mul3A_2 : i32
    %add3A_201 = arith.constant 0 : i32
    %add3A_202 = arith.addi %add3A_200, %add3A_201 : i32
    %add3A_203 = arith.constant 8192 : i32
    %add3A_204 = arith.addi %add3A_203, %mul3A_2 : i32
    %add3A_205 = arith.constant 0 : i32
    %add3A_206 = arith.addi %add3A_204, %add3A_205 : i32
    %add3A_207 = arith.constant 16384 : i32
    %add3A_208 = arith.addi %add3A_207, %mul3A_2 : i32
    %add3A_209 = arith.constant 0 : i32
    %add3A_210 = arith.addi %add3A_208, %add3A_209 : i32
    %add3A_211 = arith.constant 24576 : i32
    %add3A_212 = arith.addi %add3A_211, %mul3A_2 : i32
    %add3A_213 = arith.constant 0 : i32
    %add3A_214 = arith.addi %add3A_212, %add3A_213 : i32
    %dma_start3A_215 = arith.constant 0 : i32
    %dma_start3A_216 = arith.constant 0 : i32
    %dma_start3A_217 = tpu.memref_slice %arg5[%dma_start3A_215, %dma_start3A_216] : memref<32x1024xf32, #tpu.memory_space<vmem>> -> memref<8x1024xf32, #tpu.memory_space<vmem>>
    %dma_start3A_218 = arith.constant 0 : i32
    %dma_start3A_219 = tpu.memref_slice %arg4[%add3A_202, %dma_start3A_218] : memref<32768x1024xf32, #tpu.memory_space<hbm>> -> memref<8x1024xf32, #tpu.memory_space<hbm>>
    %dma_start3A_220 = arith.constant 0 : i32
    %dma_start3A_221 = tpu.memref_slice %arg4[%add3A_202, %dma_start3A_220] : memref<32768x1024xf32, #tpu.memory_space<hbm>> -> memref<8x1024xf32, #tpu.memory_space<hbm>>
    %dma_start3A_222 = arith.constant 0 : i32
    %dma_start3A_223 = arith.constant 0 : i32
    %dma_start3A_224 = tpu.memref_slice %arg5[%dma_start3A_222, %dma_start3A_223] : memref<32x1024xf32, #tpu.memory_space<vmem>> -> memref<8x1024xf32, #tpu.memory_space<vmem>>
    tpu.enqueue_dma source(%dma_start3A_224 : memref<8x1024xf32, #tpu.memory_space<vmem>>) target(%dma_start3A_221 : memref<8x1024xf32, #tpu.memory_space<hbm>>) target_semaphore(%arg14 : memref<!tpu.dma_semaphore, #tpu.memory_space<semaphore_mem>>)
    %dma_start3A_225 = arith.constant 8 : i32
    %dma_start3A_226 = arith.constant 0 : i32
    %dma_start3A_227 = tpu.memref_slice %arg5[%dma_start3A_225, %dma_start3A_226] : memref<32x1024xf32, #tpu.memory_space<vmem>> -> memref<8x1024xf32, #tpu.memory_space<vmem>>
    %dma_start3A_228 = arith.constant 0 : i32
    %dma_start3A_229 = tpu.memref_slice %arg4[%add3A_206, %dma_start3A_228] : memref<32768x1024xf32, #tpu.memory_space<hbm>> -> memref<8x1024xf32, #tpu.memory_space<hbm>>
    %dma_start3A_230 = arith.constant 0 : i32
    %dma_start3A_231 = tpu.memref_slice %arg4[%add3A_206, %dma_start3A_230] : memref<32768x1024xf32, #tpu.memory_space<hbm>> -> memref<8x1024xf32, #tpu.memory_space<hbm>>
    %dma_start3A_232 = arith.constant 8 : i32
    %dma_start3A_233 = arith.constant 0 : i32
    %dma_start3A_234 = tpu.memref_slice %arg5[%dma_start3A_232, %dma_start3A_233] : memref<32x1024xf32, #tpu.memory_space<vmem>> -> memref<8x1024xf32, #tpu.memory_space<vmem>>
    tpu.enqueue_dma source(%dma_start3A_234 : memref<8x1024xf32, #tpu.memory_space<vmem>>) target(%dma_start3A_231 : memref<8x1024xf32, #tpu.memory_space<hbm>>) target_semaphore(%arg14 : memref<!tpu.dma_semaphore, #tpu.memory_space<semaphore_mem>>)
    %dma_start3A_235 = arith.constant 16 : i32
    %dma_start3A_236 = arith.constant 0 : i32
    %dma_start3A_237 = tpu.memref_slice %arg5[%dma_start3A_235, %dma_start3A_236] : memref<32x1024xf32, #tpu.memory_space<vmem>> -> memref<8x1024xf32, #tpu.memory_space<vmem>>
    %dma_start3A_238 = arith.constant 0 : i32
    %dma_start3A_239 = tpu.memref_slice %arg4[%add3A_210, %dma_start3A_238] : memref<32768x1024xf32, #tpu.memory_space<hbm>> -> memref<8x1024xf32, #tpu.memory_space<hbm>>
    %dma_start3A_240 = arith.constant 0 : i32
    %dma_start3A_241 = tpu.memref_slice %arg4[%add3A_210, %dma_start3A_240] : memref<32768x1024xf32, #tpu.memory_space<hbm>> -> memref<8x1024xf32, #tpu.memory_space<hbm>>
    %dma_start3A_242 = arith.constant 16 : i32
    %dma_start3A_243 = arith.constant 0 : i32
    %dma_start3A_244 = tpu.memref_slice %arg5[%dma_start3A_242, %dma_start3A_243] : memref<32x1024xf32, #tpu.memory_space<vmem>> -> memref<8x1024xf32, #tpu.memory_space<vmem>>
    tpu.enqueue_dma source(%dma_start3A_244 : memref<8x1024xf32, #tpu.memory_space<vmem>>) target(%dma_start3A_241 : memref<8x1024xf32, #tpu.memory_space<hbm>>) target_semaphore(%arg14 : memref<!tpu.dma_semaphore, #tpu.memory_space<semaphore_mem>>)
    %dma_start3A_245 = arith.constant 24 : i32
    %dma_start3A_246 = arith.constant 0 : i32
    %dma_start3A_247 = tpu.memref_slice %arg5[%dma_start3A_245, %dma_start3A_246] : memref<32x1024xf32, #tpu.memory_space<vmem>> -> memref<8x1024xf32, #tpu.memory_space<vmem>>
    %dma_start3A_248 = arith.constant 0 : i32
    %dma_start3A_249 = tpu.memref_slice %arg4[%add3A_214, %dma_start3A_248] : memref<32768x1024xf32, #tpu.memory_space<hbm>> -> memref<8x1024xf32, #tpu.memory_space<hbm>>
    %dma_start3A_250 = arith.constant 0 : i32
    %dma_start3A_251 = tpu.memref_slice %arg4[%add3A_214, %dma_start3A_250] : memref<32768x1024xf32, #tpu.memory_space<hbm>> -> memref<8x1024xf32, #tpu.memory_space<hbm>>
    %dma_start3A_252 = arith.constant 24 : i32
    %dma_start3A_253 = arith.constant 0 : i32
    %dma_start3A_254 = tpu.memref_slice %arg5[%dma_start3A_252, %dma_start3A_253] : memref<32x1024xf32, #tpu.memory_space<vmem>> -> memref<8x1024xf32, #tpu.memory_space<vmem>>
    tpu.enqueue_dma source(%dma_start3A_254 : memref<8x1024xf32, #tpu.memory_space<vmem>>) target(%dma_start3A_251 : memref<8x1024xf32, #tpu.memory_space<hbm>>) target_semaphore(%arg14 : memref<!tpu.dma_semaphore, #tpu.memory_space<semaphore_mem>>)
    %add3A_255 = arith.constant 0 : i32
    %add3A_256 = arith.addi %add3A_255, %mul3A_2 : i32
    %mul3A_257 = arith.constant 2 : i32
    %mul3A_258 = arith.constant 8 : i32
    %mul3A_259 = arith.muli %mul3A_257, %mul3A_258 : i32
    %add3A_260 = arith.addi %add3A_256, %mul3A_259 : i32
    %add3A_261 = arith.constant 8192 : i32
    %add3A_262 = arith.addi %add3A_261, %mul3A_2 : i32
    %mul3A_263 = arith.constant 2 : i32
    %mul3A_264 = arith.constant 8 : i32
    %mul3A_265 = arith.muli %mul3A_263, %mul3A_264 : i32
    %add3A_266 = arith.addi %add3A_262, %mul3A_265 : i32
    %add3A_267 = arith.constant 16384 : i32
    %add3A_268 = arith.addi %add3A_267, %mul3A_2 : i32
    %mul3A_269 = arith.constant 2 : i32
    %mul3A_270 = arith.constant 8 : i32
    %mul3A_271 = arith.muli %mul3A_269, %mul3A_270 : i32
    %add3A_272 = arith.addi %add3A_268, %mul3A_271 : i32
    %add3A_273 = arith.constant 24576 : i32
    %add3A_274 = arith.addi %add3A_273, %mul3A_2 : i32
    %mul3A_275 = arith.constant 2 : i32
    %mul3A_276 = arith.constant 8 : i32
    %mul3A_277 = arith.muli %mul3A_275, %mul3A_276 : i32
    %add3A_278 = arith.addi %add3A_274, %mul3A_277 : i32
    %dma_start3A_279 = arith.constant 0 : i32
    %dma_start3A_280 = arith.constant 0 : i32
    %dma_start3A_281 = tpu.memref_slice %arg7[%dma_start3A_279, %dma_start3A_280] : memref<32x1024xf32, #tpu.memory_space<vmem>> -> memref<8x1024xf32, #tpu.memory_space<vmem>>
    %dma_start3A_282 = arith.constant 0 : i32
    %dma_start3A_283 = tpu.memref_slice %arg2[%add3A_260, %dma_start3A_282] : memref<32768x1024xf32, #tpu.memory_space<hbm>> -> memref<8x1024xf32, #tpu.memory_space<hbm>>
    %dma_start3A_284 = arith.constant 0 : i32
    %dma_start3A_285 = arith.constant 0 : i32
    %dma_start3A_286 = tpu.memref_slice %arg7[%dma_start3A_284, %dma_start3A_285] : memref<32x1024xf32, #tpu.memory_space<vmem>> -> memref<8x1024xf32, #tpu.memory_space<vmem>>
    %dma_start3A_287 = arith.constant 0 : i32
    %dma_start3A_288 = tpu.memref_slice %arg2[%add3A_260, %dma_start3A_287] : memref<32768x1024xf32, #tpu.memory_space<hbm>> -> memref<8x1024xf32, #tpu.memory_space<hbm>>
    tpu.enqueue_dma source(%dma_start3A_288 : memref<8x1024xf32, #tpu.memory_space<hbm>>) target(%dma_start3A_286 : memref<8x1024xf32, #tpu.memory_space<vmem>>) target_semaphore(%arg13 : memref<!tpu.dma_semaphore, #tpu.memory_space<semaphore_mem>>)
    %dma_start3A_289 = arith.constant 8 : i32
    %dma_start3A_290 = arith.constant 0 : i32
    %dma_start3A_291 = tpu.memref_slice %arg7[%dma_start3A_289, %dma_start3A_290] : memref<32x1024xf32, #tpu.memory_space<vmem>> -> memref<8x1024xf32, #tpu.memory_space<vmem>>
    %dma_start3A_292 = arith.constant 0 : i32
    %dma_start3A_293 = tpu.memref_slice %arg2[%add3A_266, %dma_start3A_292] : memref<32768x1024xf32, #tpu.memory_space<hbm>> -> memref<8x1024xf32, #tpu.memory_space<hbm>>
    %dma_start3A_294 = arith.constant 8 : i32
    %dma_start3A_295 = arith.constant 0 : i32
    %dma_start3A_296 = tpu.memref_slice %arg7[%dma_start3A_294, %dma_start3A_295] : memref<32x1024xf32, #tpu.memory_space<vmem>> -> memref<8x1024xf32, #tpu.memory_space<vmem>>
    %dma_start3A_297 = arith.constant 0 : i32
    %dma_start3A_298 = tpu.memref_slice %arg2[%add3A_266, %dma_start3A_297] : memref<32768x1024xf32, #tpu.memory_space<hbm>> -> memref<8x1024xf32, #tpu.memory_space<hbm>>
    tpu.enqueue_dma source(%dma_start3A_298 : memref<8x1024xf32, #tpu.memory_space<hbm>>) target(%dma_start3A_296 : memref<8x1024xf32, #tpu.memory_space<vmem>>) target_semaphore(%arg13 : memref<!tpu.dma_semaphore, #tpu.memory_space<semaphore_mem>>)
    %dma_start3A_299 = arith.constant 16 : i32
    %dma_start3A_300 = arith.constant 0 : i32
    %dma_start3A_301 = tpu.memref_slice %arg7[%dma_start3A_299, %dma_start3A_300] : memref<32x1024xf32, #tpu.memory_space<vmem>> -> memref<8x1024xf32, #tpu.memory_space<vmem>>
    %dma_start3A_302 = arith.constant 0 : i32
    %dma_start3A_303 = tpu.memref_slice %arg2[%add3A_272, %dma_start3A_302] : memref<32768x1024xf32, #tpu.memory_space<hbm>> -> memref<8x1024xf32, #tpu.memory_space<hbm>>
    %dma_start3A_304 = arith.constant 16 : i32
    %dma_start3A_305 = arith.constant 0 : i32
    %dma_start3A_306 = tpu.memref_slice %arg7[%dma_start3A_304, %dma_start3A_305] : memref<32x1024xf32, #tpu.memory_space<vmem>> -> memref<8x1024xf32, #tpu.memory_space<vmem>>
    %dma_start3A_307 = arith.constant 0 : i32
    %dma_start3A_308 = tpu.memref_slice %arg2[%add3A_272, %dma_start3A_307] : memref<32768x1024xf32, #tpu.memory_space<hbm>> -> memref<8x1024xf32, #tpu.memory_space<hbm>>
    tpu.enqueue_dma source(%dma_start3A_308 : memref<8x1024xf32, #tpu.memory_space<hbm>>) target(%dma_start3A_306 : memref<8x1024xf32, #tpu.memory_space<vmem>>) target_semaphore(%arg13 : memref<!tpu.dma_semaphore, #tpu.memory_space<semaphore_mem>>)
    %dma_start3A_309 = arith.constant 24 : i32
    %dma_start3A_310 = arith.constant 0 : i32
    %dma_start3A_311 = tpu.memref_slice %arg7[%dma_start3A_309, %dma_start3A_310] : memref<32x1024xf32, #tpu.memory_space<vmem>> -> memref<8x1024xf32, #tpu.memory_space<vmem>>
    %dma_start3A_312 = arith.constant 0 : i32
    %dma_start3A_313 = tpu.memref_slice %arg2[%add3A_278, %dma_start3A_312] : memref<32768x1024xf32, #tpu.memory_space<hbm>> -> memref<8x1024xf32, #tpu.memory_space<hbm>>
    %dma_start3A_314 = arith.constant 24 : i32
    %dma_start3A_315 = arith.constant 0 : i32
    %dma_start3A_316 = tpu.memref_slice %arg7[%dma_start3A_314, %dma_start3A_315] : memref<32x1024xf32, #tpu.memory_space<vmem>> -> memref<8x1024xf32, #tpu.memory_space<vmem>>
    %dma_start3A_317 = arith.constant 0 : i32
    %dma_start3A_318 = tpu.memref_slice %arg2[%add3A_278, %dma_start3A_317] : memref<32768x1024xf32, #tpu.memory_space<hbm>> -> memref<8x1024xf32, #tpu.memory_space<hbm>>
    tpu.enqueue_dma source(%dma_start3A_318 : memref<8x1024xf32, #tpu.memory_space<hbm>>) target(%dma_start3A_316 : memref<8x1024xf32, #tpu.memory_space<vmem>>) target_semaphore(%arg13 : memref<!tpu.dma_semaphore, #tpu.memory_space<semaphore_mem>>)
    %scan3A = arith.constant 0 : i32
    %scan3A_319 = arith.constant 0 : i32
    %scan3A_320 = arith.constant 10 : i32
    %scan3A_321 = arith.addi %scan3A_319, %scan3A_320 : i32
    %scan3A_322 = arith.constant 1 : i32
    scf.for %scan3A_655 = %scan3A_319 to %scan3A_321 step %scan3A_322  : i32 {
      %mul3A_656 = arith.constant 3 : i32
      %mul3A_657 = arith.muli %mul3A_656, %scan3A_655 : i32
      %add3A_658 = arith.constant 1 : i32
      %add3A_659 = arith.addi %add3A_658, %mul3A_657 : i32
      %add3A_660 = arith.constant 0 : i32
      %add3A_661 = arith.addi %add3A_659, %add3A_660 : i32
      %mul3A_662 = arith.constant 8 : i32
      %mul3A_663 = arith.muli %add3A_661, %mul3A_662 : i32
      %add3A_664 = arith.addi %mul3A_2, %mul3A_663 : i32
      %dma_wait3A_665 = arith.constant 0 : i32
      %dma_wait3A_666 = tpu.memref_slice %arg3[%add3A_664, %dma_wait3A_665] : memref<8192x1024xf32, #tpu.memory_space<hbm>> -> memref<8x1024xf32, #tpu.memory_space<hbm>>
      %dma_wait3A_667 = arith.constant 0 : i32
      %dma_wait3A_668 = tpu.memref_slice %arg3[%add3A_664, %dma_wait3A_667] : memref<8192x1024xf32, #tpu.memory_space<hbm>> -> memref<8x1024xf32, #tpu.memory_space<hbm>>
      tpu.wait_dma2 semaphore(%arg18 : memref<!tpu.dma_semaphore, #tpu.memory_space<semaphore_mem>>) src(%dma_wait3A_668 : memref<8x1024xf32, #tpu.memory_space<hbm>>) dst(%arg9 : memref<8x1024xf32, #tpu.memory_space<vmem>>)
      %add3A_669 = arith.constant 1 : i32
      %add3A_670 = arith.addi %add3A_661, %add3A_669 : i32
      %mul3A_671 = arith.constant 8 : i32
      %mul3A_672 = arith.muli %add3A_670, %mul3A_671 : i32
      %add3A_673 = arith.addi %mul3A_2, %mul3A_672 : i32
      %dma_start3A_674 = arith.constant 0 : i32
      %dma_start3A_675 = tpu.memref_slice %arg3[%add3A_673, %dma_start3A_674] : memref<8192x1024xf32, #tpu.memory_space<hbm>> -> memref<8x1024xf32, #tpu.memory_space<hbm>>
      %dma_start3A_676 = arith.constant 0 : i32
      %dma_start3A_677 = tpu.memref_slice %arg3[%add3A_673, %dma_start3A_676] : memref<8192x1024xf32, #tpu.memory_space<hbm>> -> memref<8x1024xf32, #tpu.memory_space<hbm>>
      tpu.enqueue_dma source(%dma_start3A_677 : memref<8x1024xf32, #tpu.memory_space<hbm>>) target(%arg10 : memref<8x1024xf32, #tpu.memory_space<vmem>>) target_semaphore(%arg19 : memref<!tpu.dma_semaphore, #tpu.memory_space<semaphore_mem>>)
      %add3A_678 = arith.constant 0 : i32
      %add3A_679 = arith.addi %add3A_678, %mul3A_2 : i32
      %mul3A_680 = arith.constant 8 : i32
      %mul3A_681 = arith.muli %add3A_661, %mul3A_680 : i32
      %add3A_682 = arith.addi %add3A_679, %mul3A_681 : i32
      %add3A_683 = arith.constant 8192 : i32
      %add3A_684 = arith.addi %add3A_683, %mul3A_2 : i32
      %mul3A_685 = arith.constant 8 : i32
      %mul3A_686 = arith.muli %add3A_661, %mul3A_685 : i32
      %add3A_687 = arith.addi %add3A_684, %mul3A_686 : i32
      %add3A_688 = arith.constant 16384 : i32
      %add3A_689 = arith.addi %add3A_688, %mul3A_2 : i32
      %mul3A_690 = arith.constant 8 : i32
      %mul3A_691 = arith.muli %add3A_661, %mul3A_690 : i32
      %add3A_692 = arith.addi %add3A_689, %mul3A_691 : i32
      %add3A_693 = arith.constant 24576 : i32
      %add3A_694 = arith.addi %add3A_693, %mul3A_2 : i32
      %mul3A_695 = arith.constant 8 : i32
      %mul3A_696 = arith.muli %add3A_661, %mul3A_695 : i32
      %add3A_697 = arith.addi %add3A_694, %mul3A_696 : i32
      %dma_wait3A_698 = arith.constant 0 : i32
      %dma_wait3A_699 = arith.constant 0 : i32
      %dma_wait3A_700 = tpu.memref_slice %arg6[%dma_wait3A_698, %dma_wait3A_699] : memref<32x1024xf32, #tpu.memory_space<vmem>> -> memref<8x1024xf32, #tpu.memory_space<vmem>>
      %dma_wait3A_701 = arith.constant 0 : i32
      %dma_wait3A_702 = tpu.memref_slice %arg2[%add3A_682, %dma_wait3A_701] : memref<32768x1024xf32, #tpu.memory_space<hbm>> -> memref<8x1024xf32, #tpu.memory_space<hbm>>
      %dma_wait3A_703 = arith.constant 0 : i32
      %dma_wait3A_704 = arith.constant 0 : i32
      %dma_wait3A_705 = tpu.memref_slice %arg6[%dma_wait3A_703, %dma_wait3A_704] : memref<32x1024xf32, #tpu.memory_space<vmem>> -> memref<8x1024xf32, #tpu.memory_space<vmem>>
      %dma_wait3A_706 = arith.constant 0 : i32
      %dma_wait3A_707 = tpu.memref_slice %arg2[%add3A_682, %dma_wait3A_706] : memref<32768x1024xf32, #tpu.memory_space<hbm>> -> memref<8x1024xf32, #tpu.memory_space<hbm>>
      tpu.wait_dma2 semaphore(%arg12 : memref<!tpu.dma_semaphore, #tpu.memory_space<semaphore_mem>>) src(%dma_wait3A_707 : memref<8x1024xf32, #tpu.memory_space<hbm>>) dst(%dma_wait3A_705 : memref<8x1024xf32, #tpu.memory_space<vmem>>)
      %dma_wait3A_708 = arith.constant 8 : i32
      %dma_wait3A_709 = arith.constant 0 : i32
      %dma_wait3A_710 = tpu.memref_slice %arg6[%dma_wait3A_708, %dma_wait3A_709] : memref<32x1024xf32, #tpu.memory_space<vmem>> -> memref<8x1024xf32, #tpu.memory_space<vmem>>
      %dma_wait3A_711 = arith.constant 0 : i32
      %dma_wait3A_712 = tpu.memref_slice %arg2[%add3A_687, %dma_wait3A_711] : memref<32768x1024xf32, #tpu.memory_space<hbm>> -> memref<8x1024xf32, #tpu.memory_space<hbm>>
      %dma_wait3A_713 = arith.constant 8 : i32
      %dma_wait3A_714 = arith.constant 0 : i32
      %dma_wait3A_715 = tpu.memref_slice %arg6[%dma_wait3A_713, %dma_wait3A_714] : memref<32x1024xf32, #tpu.memory_space<vmem>> -> memref<8x1024xf32, #tpu.memory_space<vmem>>
      %dma_wait3A_716 = arith.constant 0 : i32
      %dma_wait3A_717 = tpu.memref_slice %arg2[%add3A_687, %dma_wait3A_716] : memref<32768x1024xf32, #tpu.memory_space<hbm>> -> memref<8x1024xf32, #tpu.memory_space<hbm>>
      tpu.wait_dma2 semaphore(%arg12 : memref<!tpu.dma_semaphore, #tpu.memory_space<semaphore_mem>>) src(%dma_wait3A_717 : memref<8x1024xf32, #tpu.memory_space<hbm>>) dst(%dma_wait3A_715 : memref<8x1024xf32, #tpu.memory_space<vmem>>)
      %dma_wait3A_718 = arith.constant 16 : i32
      %dma_wait3A_719 = arith.constant 0 : i32
      %dma_wait3A_720 = tpu.memref_slice %arg6[%dma_wait3A_718, %dma_wait3A_719] : memref<32x1024xf32, #tpu.memory_space<vmem>> -> memref<8x1024xf32, #tpu.memory_space<vmem>>
      %dma_wait3A_721 = arith.constant 0 : i32
      %dma_wait3A_722 = tpu.memref_slice %arg2[%add3A_692, %dma_wait3A_721] : memref<32768x1024xf32, #tpu.memory_space<hbm>> -> memref<8x1024xf32, #tpu.memory_space<hbm>>
      %dma_wait3A_723 = arith.constant 16 : i32
      %dma_wait3A_724 = arith.constant 0 : i32
      %dma_wait3A_725 = tpu.memref_slice %arg6[%dma_wait3A_723, %dma_wait3A_724] : memref<32x1024xf32, #tpu.memory_space<vmem>> -> memref<8x1024xf32, #tpu.memory_space<vmem>>
      %dma_wait3A_726 = arith.constant 0 : i32
      %dma_wait3A_727 = tpu.memref_slice %arg2[%add3A_692, %dma_wait3A_726] : memref<32768x1024xf32, #tpu.memory_space<hbm>> -> memref<8x1024xf32, #tpu.memory_space<hbm>>
      tpu.wait_dma2 semaphore(%arg12 : memref<!tpu.dma_semaphore, #tpu.memory_space<semaphore_mem>>) src(%dma_wait3A_727 : memref<8x1024xf32, #tpu.memory_space<hbm>>) dst(%dma_wait3A_725 : memref<8x1024xf32, #tpu.memory_space<vmem>>)
      %dma_wait3A_728 = arith.constant 24 : i32
      %dma_wait3A_729 = arith.constant 0 : i32
      %dma_wait3A_730 = tpu.memref_slice %arg6[%dma_wait3A_728, %dma_wait3A_729] : memref<32x1024xf32, #tpu.memory_space<vmem>> -> memref<8x1024xf32, #tpu.memory_space<vmem>>
      %dma_wait3A_731 = arith.constant 0 : i32
      %dma_wait3A_732 = tpu.memref_slice %arg2[%add3A_697, %dma_wait3A_731] : memref<32768x1024xf32, #tpu.memory_space<hbm>> -> memref<8x1024xf32, #tpu.memory_space<hbm>>
      %dma_wait3A_733 = arith.constant 24 : i32
      %dma_wait3A_734 = arith.constant 0 : i32
      %dma_wait3A_735 = tpu.memref_slice %arg6[%dma_wait3A_733, %dma_wait3A_734] : memref<32x1024xf32, #tpu.memory_space<vmem>> -> memref<8x1024xf32, #tpu.memory_space<vmem>>
      %dma_wait3A_736 = arith.constant 0 : i32
      %dma_wait3A_737 = tpu.memref_slice %arg2[%add3A_697, %dma_wait3A_736] : memref<32768x1024xf32, #tpu.memory_space<hbm>> -> memref<8x1024xf32, #tpu.memory_space<hbm>>
      tpu.wait_dma2 semaphore(%arg12 : memref<!tpu.dma_semaphore, #tpu.memory_space<semaphore_mem>>) src(%dma_wait3A_737 : memref<8x1024xf32, #tpu.memory_space<hbm>>) dst(%dma_wait3A_735 : memref<8x1024xf32, #tpu.memory_space<vmem>>)
      %parallel_loop3A_738 = arith.constant 0 : i32
      %parallel_loop3A_739 = arith.constant 8192 : i32
      %parallel_loop3A_740 = arith.constant 16 : i32
      scf.for %parallel_loop3A_1109 = %parallel_loop3A_738 to %parallel_loop3A_739 step %parallel_loop3A_740  : i32 {
        %parallel_loop3A_1110 = arith.constant 1024 : i32
        %parallel_loop3A_1111 = arith.divsi %parallel_loop3A_1109, %parallel_loop3A_1110 : i32
        %parallel_loop3A_1112 = arith.constant 0 : i32
        %parallel_loop3A_1113 = arith.cmpi sgt, %parallel_loop3A_1109, %parallel_loop3A_1112 : i32
        %parallel_loop3A_1114 = arith.extui %parallel_loop3A_1113 : i1 to i32
        %parallel_loop3A_1115 = arith.constant 0 : i32
        %parallel_loop3A_1116 = arith.cmpi slt, %parallel_loop3A_1109, %parallel_loop3A_1115 : i32
        %parallel_loop3A_1117 = arith.extui %parallel_loop3A_1116 : i1 to i32
        %parallel_loop3A_1118 = arith.subi %parallel_loop3A_1114, %parallel_loop3A_1117 : i32
        %parallel_loop3A_1119 = arith.constant 0 : i32
        %parallel_loop3A_1120 = arith.cmpi sgt, %parallel_loop3A_1110, %parallel_loop3A_1119 : i32
        %parallel_loop3A_1121 = arith.extui %parallel_loop3A_1120 : i1 to i32
        %parallel_loop3A_1122 = arith.constant 0 : i32
        %parallel_loop3A_1123 = arith.cmpi slt, %parallel_loop3A_1110, %parallel_loop3A_1122 : i32
        %parallel_loop3A_1124 = arith.extui %parallel_loop3A_1123 : i1 to i32
        %parallel_loop3A_1125 = arith.subi %parallel_loop3A_1121, %parallel_loop3A_1124 : i32
        %parallel_loop3A_1126 = arith.cmpi ne, %parallel_loop3A_1118, %parallel_loop3A_1125 : i32
        %parallel_loop3A_1127 = arith.remsi %parallel_loop3A_1109, %parallel_loop3A_1110 : i32
        %parallel_loop3A_1128 = arith.constant 0 : i32
        %parallel_loop3A_1129 = arith.cmpi ne, %parallel_loop3A_1127, %parallel_loop3A_1128 : i32
        %parallel_loop3A_1130 = arith.andi %parallel_loop3A_1126, %parallel_loop3A_1129 : i1
        %parallel_loop3A_1131 = arith.constant 1 : i32
        %parallel_loop3A_1132 = arith.subi %parallel_loop3A_1111, %parallel_loop3A_1131 : i32
        %parallel_loop3A_1133 = arith.select %parallel_loop3A_1130, %parallel_loop3A_1132, %parallel_loop3A_1111 : i32
        %parallel_loop3A_1134 = arith.constant 1024 : i32
        %parallel_loop3A_1135 = arith.constant 0 : i32
        %parallel_loop3A_1136 = arith.cmpi eq, %parallel_loop3A_1134, %parallel_loop3A_1135 : i32
        %parallel_loop3A_1137 = arith.constant 1 : i32
        %parallel_loop3A_1138 = arith.select %parallel_loop3A_1136, %parallel_loop3A_1137, %parallel_loop3A_1134 : i32
        %parallel_loop3A_1139 = arith.remsi %parallel_loop3A_1109, %parallel_loop3A_1138 : i32
        %parallel_loop3A_1140 = arith.constant 0 : i32
        %parallel_loop3A_1141 = arith.cmpi ne, %parallel_loop3A_1139, %parallel_loop3A_1140 : i32
        %parallel_loop3A_1142 = arith.constant 0 : i32
        %parallel_loop3A_1143 = arith.cmpi slt, %parallel_loop3A_1139, %parallel_loop3A_1142 : i32
        %parallel_loop3A_1144 = arith.constant 0 : i32
        %parallel_loop3A_1145 = arith.cmpi slt, %parallel_loop3A_1138, %parallel_loop3A_1144 : i32
        %parallel_loop3A_1146 = arith.xori %parallel_loop3A_1143, %parallel_loop3A_1145 : i1
        %parallel_loop3A_1147 = arith.andi %parallel_loop3A_1146, %parallel_loop3A_1141 : i1
        %parallel_loop3A_1148 = arith.addi %parallel_loop3A_1139, %parallel_loop3A_1138 : i32
        %parallel_loop3A_1149 = arith.select %parallel_loop3A_1147, %parallel_loop3A_1148, %parallel_loop3A_1139 : i32
        %parallel_loop3A_1150 = arith.index_cast %parallel_loop3A_1133 : i32 to index
        %parallel_loop3A_1151 = arith.index_cast %parallel_loop3A_1149 : i32 to index
        %parallel_loop3A_1152 = tpu.vector_load %arg9[%parallel_loop3A_1150, %parallel_loop3A_1151] {strides = array<i32>} : memref<8x1024xf32, #tpu.memory_space<vmem>>, vector<1x16xf32>,
        %parallel_loop3A_1153 = vector.shape_cast %parallel_loop3A_1152 : vector<1x16xf32> to vector<16xf32>
        %parallel_loop3A_1154 = arith.constant 0 : i32
        %parallel_loop3A_1155 = arith.addi %parallel_loop3A_1154, %parallel_loop3A_1133 : i32
        %parallel_loop3A_1156 = arith.index_cast %parallel_loop3A_1155 : i32 to index
        %parallel_loop3A_1157 = arith.index_cast %parallel_loop3A_1149 : i32 to index
        %parallel_loop3A_1158 = tpu.vector_load %arg6[%parallel_loop3A_1156, %parallel_loop3A_1157] {strides = array<i32>} : memref<32x1024xf32, #tpu.memory_space<vmem>>, vector<1x16xf32>,
        %parallel_loop3A_1159 = vector.shape_cast %parallel_loop3A_1158 : vector<1x16xf32> to vector<16xf32>
        %parallel_loop3A_1160 = vector.shape_cast %parallel_loop3A_1153 : vector<16xf32> to vector<1x16xf32>
        tpu.vector_store %arg6[%parallel_loop3A_1156, %parallel_loop3A_1157], %parallel_loop3A_1160 {add = true, strides = array<i32>} : memref<32x1024xf32, #tpu.memory_space<vmem>>, vector<1x16xf32>,
        %parallel_loop3A_1161 = arith.constant 8 : i32
        %parallel_loop3A_1162 = arith.addi %parallel_loop3A_1161, %parallel_loop3A_1133 : i32
        %parallel_loop3A_1163 = arith.index_cast %parallel_loop3A_1162 : i32 to index
        %parallel_loop3A_1164 = arith.index_cast %parallel_loop3A_1149 : i32 to index
        %parallel_loop3A_1165 = tpu.vector_load %arg6[%parallel_loop3A_1163, %parallel_loop3A_1164] {strides = array<i32>} : memref<32x1024xf32, #tpu.memory_space<vmem>>, vector<1x16xf32>,
        %parallel_loop3A_1166 = vector.shape_cast %parallel_loop3A_1165 : vector<1x16xf32> to vector<16xf32>
        %parallel_loop3A_1167 = vector.shape_cast %parallel_loop3A_1153 : vector<16xf32> to vector<1x16xf32>
        tpu.vector_store %arg6[%parallel_loop3A_1163, %parallel_loop3A_1164], %parallel_loop3A_1167 {add = true, strides = array<i32>} : memref<32x1024xf32, #tpu.memory_space<vmem>>, vector<1x16xf32>,
        %parallel_loop3A_1168 = arith.constant 16 : i32
        %parallel_loop3A_1169 = arith.addi %parallel_loop3A_1168, %parallel_loop3A_1133 : i32
        %parallel_loop3A_1170 = arith.index_cast %parallel_loop3A_1169 : i32 to index
        %parallel_loop3A_1171 = arith.index_cast %parallel_loop3A_1149 : i32 to index
        %parallel_loop3A_1172 = tpu.vector_load %arg6[%parallel_loop3A_1170, %parallel_loop3A_1171] {strides = array<i32>} : memref<32x1024xf32, #tpu.memory_space<vmem>>, vector<1x16xf32>,
        %parallel_loop3A_1173 = vector.shape_cast %parallel_loop3A_1172 : vector<1x16xf32> to vector<16xf32>
        %parallel_loop3A_1174 = vector.shape_cast %parallel_loop3A_1153 : vector<16xf32> to vector<1x16xf32>
        tpu.vector_store %arg6[%parallel_loop3A_1170, %parallel_loop3A_1171], %parallel_loop3A_1174 {add = true, strides = array<i32>} : memref<32x1024xf32, #tpu.memory_space<vmem>>, vector<1x16xf32>,
        %parallel_loop3A_1175 = arith.constant 24 : i32
        %parallel_loop3A_1176 = arith.addi %parallel_loop3A_1175, %parallel_loop3A_1133 : i32
        %parallel_loop3A_1177 = arith.index_cast %parallel_loop3A_1176 : i32 to index
        %parallel_loop3A_1178 = arith.index_cast %parallel_loop3A_1149 : i32 to index
        %parallel_loop3A_1179 = tpu.vector_load %arg6[%parallel_loop3A_1177, %parallel_loop3A_1178] {strides = array<i32>} : memref<32x1024xf32, #tpu.memory_space<vmem>>, vector<1x16xf32>,
        %parallel_loop3A_1180 = vector.shape_cast %parallel_loop3A_1179 : vector<1x16xf32> to vector<16xf32>
        %parallel_loop3A_1181 = vector.shape_cast %parallel_loop3A_1153 : vector<16xf32> to vector<1x16xf32>
        tpu.vector_store %arg6[%parallel_loop3A_1177, %parallel_loop3A_1178], %parallel_loop3A_1181 {add = true, strides = array<i32>} : memref<32x1024xf32, #tpu.memory_space<vmem>>, vector<1x16xf32>,
      } {sc.loop_unroll_factor = 4 : i64, sc.parallel_access}
      %add3A_741 = arith.constant 0 : i32
      %add3A_742 = arith.addi %add3A_741, %mul3A_2 : i32
      %mul3A_743 = arith.constant 8 : i32
      %mul3A_744 = arith.muli %add3A_661, %mul3A_743 : i32
      %add3A_745 = arith.addi %add3A_742, %mul3A_744 : i32
      %add3A_746 = arith.constant 8192 : i32
      %add3A_747 = arith.addi %add3A_746, %mul3A_2 : i32
      %mul3A_748 = arith.constant 8 : i32
      %mul3A_749 = arith.muli %add3A_661, %mul3A_748 : i32
      %add3A_750 = arith.addi %add3A_747, %mul3A_749 : i32
      %add3A_751 = arith.constant 16384 : i32
      %add3A_752 = arith.addi %add3A_751, %mul3A_2 : i32
      %mul3A_753 = arith.constant 8 : i32
      %mul3A_754 = arith.muli %add3A_661, %mul3A_753 : i32
      %add3A_755 = arith.addi %add3A_752, %mul3A_754 : i32
      %add3A_756 = arith.constant 24576 : i32
      %add3A_757 = arith.addi %add3A_756, %mul3A_2 : i32
      %mul3A_758 = arith.constant 8 : i32
      %mul3A_759 = arith.muli %add3A_661, %mul3A_758 : i32
      %add3A_760 = arith.addi %add3A_757, %mul3A_759 : i32
      %dma_start3A_761 = arith.constant 0 : i32
      %dma_start3A_762 = arith.constant 0 : i32
      %dma_start3A_763 = tpu.memref_slice %arg6[%dma_start3A_761, %dma_start3A_762] : memref<32x1024xf32, #tpu.memory_space<vmem>> -> memref<8x1024xf32, #tpu.memory_space<vmem>>
      %dma_start3A_764 = arith.constant 0 : i32
      %dma_start3A_765 = tpu.memref_slice %arg4[%add3A_745, %dma_start3A_764] : memref<32768x1024xf32, #tpu.memory_space<hbm>> -> memref<8x1024xf32, #tpu.memory_space<hbm>>
      %dma_start3A_766 = arith.constant 0 : i32
      %dma_start3A_767 = tpu.memref_slice %arg4[%add3A_745, %dma_start3A_766] : memref<32768x1024xf32, #tpu.memory_space<hbm>> -> memref<8x1024xf32, #tpu.memory_space<hbm>>
      %dma_start3A_768 = arith.constant 0 : i32
      %dma_start3A_769 = arith.constant 0 : i32
      %dma_start3A_770 = tpu.memref_slice %arg6[%dma_start3A_768, %dma_start3A_769] : memref<32x1024xf32, #tpu.memory_space<vmem>> -> memref<8x1024xf32, #tpu.memory_space<vmem>>
      tpu.enqueue_dma source(%dma_start3A_770 : memref<8x1024xf32, #tpu.memory_space<vmem>>) target(%dma_start3A_767 : memref<8x1024xf32, #tpu.memory_space<hbm>>) target_semaphore(%arg15 : memref<!tpu.dma_semaphore, #tpu.memory_space<semaphore_mem>>)
      %dma_start3A_771 = arith.constant 8 : i32
      %dma_start3A_772 = arith.constant 0 : i32
      %dma_start3A_773 = tpu.memref_slice %arg6[%dma_start3A_771, %dma_start3A_772] : memref<32x1024xf32, #tpu.memory_space<vmem>> -> memref<8x1024xf32, #tpu.memory_space<vmem>>
      %dma_start3A_774 = arith.constant 0 : i32
      %dma_start3A_775 = tpu.memref_slice %arg4[%add3A_750, %dma_start3A_774] : memref<32768x1024xf32, #tpu.memory_space<hbm>> -> memref<8x1024xf32, #tpu.memory_space<hbm>>
      %dma_start3A_776 = arith.constant 0 : i32
      %dma_start3A_777 = tpu.memref_slice %arg4[%add3A_750, %dma_start3A_776] : memref<32768x1024xf32, #tpu.memory_space<hbm>> -> memref<8x1024xf32, #tpu.memory_space<hbm>>
      %dma_start3A_778 = arith.constant 8 : i32
      %dma_start3A_779 = arith.constant 0 : i32
      %dma_start3A_780 = tpu.memref_slice %arg6[%dma_start3A_778, %dma_start3A_779] : memref<32x1024xf32, #tpu.memory_space<vmem>> -> memref<8x1024xf32, #tpu.memory_space<vmem>>
      tpu.enqueue_dma source(%dma_start3A_780 : memref<8x1024xf32, #tpu.memory_space<vmem>>) target(%dma_start3A_777 : memref<8x1024xf32, #tpu.memory_space<hbm>>) target_semaphore(%arg15 : memref<!tpu.dma_semaphore, #tpu.memory_space<semaphore_mem>>)
      %dma_start3A_781 = arith.constant 16 : i32
      %dma_start3A_782 = arith.constant 0 : i32
      %dma_start3A_783 = tpu.memref_slice %arg6[%dma_start3A_781, %dma_start3A_782] : memref<32x1024xf32, #tpu.memory_space<vmem>> -> memref<8x1024xf32, #tpu.memory_space<vmem>>
      %dma_start3A_784 = arith.constant 0 : i32
      %dma_start3A_785 = tpu.memref_slice %arg4[%add3A_755, %dma_start3A_784] : memref<32768x1024xf32, #tpu.memory_space<hbm>> -> memref<8x1024xf32, #tpu.memory_space<hbm>>
      %dma_start3A_786 = arith.constant 0 : i32
      %dma_start3A_787 = tpu.memref_slice %arg4[%add3A_755, %dma_start3A_786] : memref<32768x1024xf32, #tpu.memory_space<hbm>> -> memref<8x1024xf32, #tpu.memory_space<hbm>>
      %dma_start3A_788 = arith.constant 16 : i32
      %dma_start3A_789 = arith.constant 0 : i32
      %dma_start3A_790 = tpu.memref_slice %arg6[%dma_start3A_788, %dma_start3A_789] : memref<32x1024xf32, #tpu.memory_space<vmem>> -> memref<8x1024xf32, #tpu.memory_space<vmem>>
      tpu.enqueue_dma source(%dma_start3A_790 : memref<8x1024xf32, #tpu.memory_space<vmem>>) target(%dma_start3A_787 : memref<8x1024xf32, #tpu.memory_space<hbm>>) target_semaphore(%arg15 : memref<!tpu.dma_semaphore, #tpu.memory_space<semaphore_mem>>)
      %dma_start3A_791 = arith.constant 24 : i32
      %dma_start3A_792 = arith.constant 0 : i32
      %dma_start3A_793 = tpu.memref_slice %arg6[%dma_start3A_791, %dma_start3A_792] : memref<32x1024xf32, #tpu.memory_space<vmem>> -> memref<8x1024xf32, #tpu.memory_space<vmem>>
      %dma_start3A_794 = arith.constant 0 : i32
      %dma_start3A_795 = tpu.memref_slice %arg4[%add3A_760, %dma_start3A_794] : memref<32768x1024xf32, #tpu.memory_space<hbm>> -> memref<8x1024xf32, #tpu.memory_space<hbm>>
      %dma_start3A_796 = arith.constant 0 : i32
      %dma_start3A_797 = tpu.memref_slice %arg4[%add3A_760, %dma_start3A_796] : memref<32768x1024xf32, #tpu.memory_space<hbm>> -> memref<8x1024xf32, #tpu.memory_space<hbm>>
      %dma_start3A_798 = arith.constant 24 : i32
      %dma_start3A_799 = arith.constant 0 : i32
      %dma_start3A_800 = tpu.memref_slice %arg6[%dma_start3A_798, %dma_start3A_799] : memref<32x1024xf32, #tpu.memory_space<vmem>> -> memref<8x1024xf32, #tpu.memory_space<vmem>>
      tpu.enqueue_dma source(%dma_start3A_800 : memref<8x1024xf32, #tpu.memory_space<vmem>>) target(%dma_start3A_797 : memref<8x1024xf32, #tpu.memory_space<hbm>>) target_semaphore(%arg15 : memref<!tpu.dma_semaphore, #tpu.memory_space<semaphore_mem>>)
      %add3A_801 = arith.constant 2 : i32
      %add3A_802 = arith.addi %add3A_661, %add3A_801 : i32
      %lt3A = arith.constant 32 : i32
      %lt3A_803 = arith.cmpi slt, %add3A_802, %lt3A : i32
      %convert_element_type3A = arith.extui %lt3A_803 : i1 to i32
      %cond3A = arith.constant 0 : i32
      %cond3A_804 = arith.cmpi ne, %convert_element_type3A, %cond3A : i32
      scf.if %cond3A_804 {
        %sub3A = arith.constant 1 : i32
        %sub3A_1109 = arith.subi %add3A_661, %sub3A : i32
        %add3A_1110 = arith.constant 0 : i32
        %add3A_1111 = arith.addi %add3A_1110, %mul3A_2 : i32
        %mul3A_1112 = arith.constant 8 : i32
        %mul3A_1113 = arith.muli %sub3A_1109, %mul3A_1112 : i32
        %add3A_1114 = arith.addi %add3A_1111, %mul3A_1113 : i32
        %add3A_1115 = arith.constant 8192 : i32
        %add3A_1116 = arith.addi %add3A_1115, %mul3A_2 : i32
        %mul3A_1117 = arith.constant 8 : i32
        %mul3A_1118 = arith.muli %sub3A_1109, %mul3A_1117 : i32
        %add3A_1119 = arith.addi %add3A_1116, %mul3A_1118 : i32
        %add3A_1120 = arith.constant 16384 : i32
        %add3A_1121 = arith.addi %add3A_1120, %mul3A_2 : i32
        %mul3A_1122 = arith.constant 8 : i32
        %mul3A_1123 = arith.muli %sub3A_1109, %mul3A_1122 : i32
        %add3A_1124 = arith.addi %add3A_1121, %mul3A_1123 : i32
        %add3A_1125 = arith.constant 24576 : i32
        %add3A_1126 = arith.addi %add3A_1125, %mul3A_2 : i32
        %mul3A_1127 = arith.constant 8 : i32
        %mul3A_1128 = arith.muli %sub3A_1109, %mul3A_1127 : i32
        %add3A_1129 = arith.addi %add3A_1126, %mul3A_1128 : i32
        %dma_wait3A_1130 = arith.constant 0 : i32
        %dma_wait3A_1131 = arith.constant 0 : i32
        %dma_wait3A_1132 = tpu.memref_slice %arg5[%dma_wait3A_1130, %dma_wait3A_1131] : memref<32x1024xf32, #tpu.memory_space<vmem>> -> memref<8x1024xf32, #tpu.memory_space<vmem>>
        %dma_wait3A_1133 = arith.constant 0 : i32
        %dma_wait3A_1134 = tpu.memref_slice %arg4[%add3A_1114, %dma_wait3A_1133] : memref<32768x1024xf32, #tpu.memory_space<hbm>> -> memref<8x1024xf32, #tpu.memory_space<hbm>>
        %dma_wait3A_1135 = arith.constant 0 : i32
        %dma_wait3A_1136 = tpu.memref_slice %arg4[%add3A_1114, %dma_wait3A_1135] : memref<32768x1024xf32, #tpu.memory_space<hbm>> -> memref<8x1024xf32, #tpu.memory_space<hbm>>
        %dma_wait3A_1137 = arith.constant 0 : i32
        %dma_wait3A_1138 = arith.constant 0 : i32
        %dma_wait3A_1139 = tpu.memref_slice %arg5[%dma_wait3A_1137, %dma_wait3A_1138] : memref<32x1024xf32, #tpu.memory_space<vmem>> -> memref<8x1024xf32, #tpu.memory_space<vmem>>
        tpu.wait_dma2 semaphore(%arg14 : memref<!tpu.dma_semaphore, #tpu.memory_space<semaphore_mem>>) src(%dma_wait3A_1139 : memref<8x1024xf32, #tpu.memory_space<vmem>>) dst(%dma_wait3A_1136 : memref<8x1024xf32, #tpu.memory_space<hbm>>)
        %dma_wait3A_1140 = arith.constant 8 : i32
        %dma_wait3A_1141 = arith.constant 0 : i32
        %dma_wait3A_1142 = tpu.memref_slice %arg5[%dma_wait3A_1140, %dma_wait3A_1141] : memref<32x1024xf32, #tpu.memory_space<vmem>> -> memref<8x1024xf32, #tpu.memory_space<vmem>>
        %dma_wait3A_1143 = arith.constant 0 : i32
        %dma_wait3A_1144 = tpu.memref_slice %arg4[%add3A_1119, %dma_wait3A_1143] : memref<32768x1024xf32, #tpu.memory_space<hbm>> -> memref<8x1024xf32, #tpu.memory_space<hbm>>
        %dma_wait3A_1145 = arith.constant 0 : i32
        %dma_wait3A_1146 = tpu.memref_slice %arg4[%add3A_1119, %dma_wait3A_1145] : memref<32768x1024xf32, #tpu.memory_space<hbm>> -> memref<8x1024xf32, #tpu.memory_space<hbm>>
        %dma_wait3A_1147 = arith.constant 8 : i32
        %dma_wait3A_1148 = arith.constant 0 : i32
        %dma_wait3A_1149 = tpu.memref_slice %arg5[%dma_wait3A_1147, %dma_wait3A_1148] : memref<32x1024xf32, #tpu.memory_space<vmem>> -> memref<8x1024xf32, #tpu.memory_space<vmem>>
        tpu.wait_dma2 semaphore(%arg14 : memref<!tpu.dma_semaphore, #tpu.memory_space<semaphore_mem>>) src(%dma_wait3A_1149 : memref<8x1024xf32, #tpu.memory_space<vmem>>) dst(%dma_wait3A_1146 : memref<8x1024xf32, #tpu.memory_space<hbm>>)
        %dma_wait3A_1150 = arith.constant 16 : i32
        %dma_wait3A_1151 = arith.constant 0 : i32
        %dma_wait3A_1152 = tpu.memref_slice %arg5[%dma_wait3A_1150, %dma_wait3A_1151] : memref<32x1024xf32, #tpu.memory_space<vmem>> -> memref<8x1024xf32, #tpu.memory_space<vmem>>
        %dma_wait3A_1153 = arith.constant 0 : i32
        %dma_wait3A_1154 = tpu.memref_slice %arg4[%add3A_1124, %dma_wait3A_1153] : memref<32768x1024xf32, #tpu.memory_space<hbm>> -> memref<8x1024xf32, #tpu.memory_space<hbm>>
        %dma_wait3A_1155 = arith.constant 0 : i32
        %dma_wait3A_1156 = tpu.memref_slice %arg4[%add3A_1124, %dma_wait3A_1155] : memref<32768x1024xf32, #tpu.memory_space<hbm>> -> memref<8x1024xf32, #tpu.memory_space<hbm>>
        %dma_wait3A_1157 = arith.constant 16 : i32
        %dma_wait3A_1158 = arith.constant 0 : i32
        %dma_wait3A_1159 = tpu.memref_slice %arg5[%dma_wait3A_1157, %dma_wait3A_1158] : memref<32x1024xf32, #tpu.memory_space<vmem>> -> memref<8x1024xf32, #tpu.memory_space<vmem>>
        tpu.wait_dma2 semaphore(%arg14 : memref<!tpu.dma_semaphore, #tpu.memory_space<semaphore_mem>>) src(%dma_wait3A_1159 : memref<8x1024xf32, #tpu.memory_space<vmem>>) dst(%dma_wait3A_1156 : memref<8x1024xf32, #tpu.memory_space<hbm>>)
        %dma_wait3A_1160 = arith.constant 24 : i32
        %dma_wait3A_1161 = arith.constant 0 : i32
        %dma_wait3A_1162 = tpu.memref_slice %arg5[%dma_wait3A_1160, %dma_wait3A_1161] : memref<32x1024xf32, #tpu.memory_space<vmem>> -> memref<8x1024xf32, #tpu.memory_space<vmem>>
        %dma_wait3A_1163 = arith.constant 0 : i32
        %dma_wait3A_1164 = tpu.memref_slice %arg4[%add3A_1129, %dma_wait3A_1163] : memref<32768x1024xf32, #tpu.memory_space<hbm>> -> memref<8x1024xf32, #tpu.memory_space<hbm>>
        %dma_wait3A_1165 = arith.constant 0 : i32
        %dma_wait3A_1166 = tpu.memref_slice %arg4[%add3A_1129, %dma_wait3A_1165] : memref<32768x1024xf32, #tpu.memory_space<hbm>> -> memref<8x1024xf32, #tpu.memory_space<hbm>>
        %dma_wait3A_1167 = arith.constant 24 : i32
        %dma_wait3A_1168 = arith.constant 0 : i32
        %dma_wait3A_1169 = tpu.memref_slice %arg5[%dma_wait3A_1167, %dma_wait3A_1168] : memref<32x1024xf32, #tpu.memory_space<vmem>> -> memref<8x1024xf32, #tpu.memory_space<vmem>>
        tpu.wait_dma2 semaphore(%arg14 : memref<!tpu.dma_semaphore, #tpu.memory_space<semaphore_mem>>) src(%dma_wait3A_1169 : memref<8x1024xf32, #tpu.memory_space<vmem>>) dst(%dma_wait3A_1166 : memref<8x1024xf32, #tpu.memory_space<hbm>>)
        %add3A_1170 = arith.constant 2 : i32
        %add3A_1171 = arith.addi %add3A_661, %add3A_1170 : i32
        %add3A_1172 = arith.constant 0 : i32
        %add3A_1173 = arith.addi %add3A_1172, %mul3A_2 : i32
        %mul3A_1174 = arith.constant 8 : i32
        %mul3A_1175 = arith.muli %add3A_1171, %mul3A_1174 : i32
        %add3A_1176 = arith.addi %add3A_1173, %mul3A_1175 : i32
        %add3A_1177 = arith.constant 8192 : i32
        %add3A_1178 = arith.addi %add3A_1177, %mul3A_2 : i32
        %mul3A_1179 = arith.constant 8 : i32
        %mul3A_1180 = arith.muli %add3A_1171, %mul3A_1179 : i32
        %add3A_1181 = arith.addi %add3A_1178, %mul3A_1180 : i32
        %add3A_1182 = arith.constant 16384 : i32
        %add3A_1183 = arith.addi %add3A_1182, %mul3A_2 : i32
        %mul3A_1184 = arith.constant 8 : i32
        %mul3A_1185 = arith.muli %add3A_1171, %mul3A_1184 : i32
        %add3A_1186 = arith.addi %add3A_1183, %mul3A_1185 : i32
        %add3A_1187 = arith.constant 24576 : i32
        %add3A_1188 = arith.addi %add3A_1187, %mul3A_2 : i32
        %mul3A_1189 = arith.constant 8 : i32
        %mul3A_1190 = arith.muli %add3A_1171, %mul3A_1189 : i32
        %add3A_1191 = arith.addi %add3A_1188, %mul3A_1190 : i32
        %dma_start3A_1192 = arith.constant 0 : i32
        %dma_start3A_1193 = arith.constant 0 : i32
        %dma_start3A_1194 = tpu.memref_slice %arg5[%dma_start3A_1192, %dma_start3A_1193] : memref<32x1024xf32, #tpu.memory_space<vmem>> -> memref<8x1024xf32, #tpu.memory_space<vmem>>
        %dma_start3A_1195 = arith.constant 0 : i32
        %dma_start3A_1196 = tpu.memref_slice %arg2[%add3A_1176, %dma_start3A_1195] : memref<32768x1024xf32, #tpu.memory_space<hbm>> -> memref<8x1024xf32, #tpu.memory_space<hbm>>
        %dma_start3A_1197 = arith.constant 0 : i32
        %dma_start3A_1198 = arith.constant 0 : i32
        %dma_start3A_1199 = tpu.memref_slice %arg5[%dma_start3A_1197, %dma_start3A_1198] : memref<32x1024xf32, #tpu.memory_space<vmem>> -> memref<8x1024xf32, #tpu.memory_space<vmem>>
        %dma_start3A_1200 = arith.constant 0 : i32
        %dma_start3A_1201 = tpu.memref_slice %arg2[%add3A_1176, %dma_start3A_1200] : memref<32768x1024xf32, #tpu.memory_space<hbm>> -> memref<8x1024xf32, #tpu.memory_space<hbm>>
        tpu.enqueue_dma source(%dma_start3A_1201 : memref<8x1024xf32, #tpu.memory_space<hbm>>) target(%dma_start3A_1199 : memref<8x1024xf32, #tpu.memory_space<vmem>>) target_semaphore(%arg11 : memref<!tpu.dma_semaphore, #tpu.memory_space<semaphore_mem>>)
        %dma_start3A_1202 = arith.constant 8 : i32
        %dma_start3A_1203 = arith.constant 0 : i32
        %dma_start3A_1204 = tpu.memref_slice %arg5[%dma_start3A_1202, %dma_start3A_1203] : memref<32x1024xf32, #tpu.memory_space<vmem>> -> memref<8x1024xf32, #tpu.memory_space<vmem>>
        %dma_start3A_1205 = arith.constant 0 : i32
        %dma_start3A_1206 = tpu.memref_slice %arg2[%add3A_1181, %dma_start3A_1205] : memref<32768x1024xf32, #tpu.memory_space<hbm>> -> memref<8x1024xf32, #tpu.memory_space<hbm>>
        %dma_start3A_1207 = arith.constant 8 : i32
        %dma_start3A_1208 = arith.constant 0 : i32
        %dma_start3A_1209 = tpu.memref_slice %arg5[%dma_start3A_1207, %dma_start3A_1208] : memref<32x1024xf32, #tpu.memory_space<vmem>> -> memref<8x1024xf32, #tpu.memory_space<vmem>>
        %dma_start3A_1210 = arith.constant 0 : i32
        %dma_start3A_1211 = tpu.memref_slice %arg2[%add3A_1181, %dma_start3A_1210] : memref<32768x1024xf32, #tpu.memory_space<hbm>> -> memref<8x1024xf32, #tpu.memory_space<hbm>>
        tpu.enqueue_dma source(%dma_start3A_1211 : memref<8x1024xf32, #tpu.memory_space<hbm>>) target(%dma_start3A_1209 : memref<8x1024xf32, #tpu.memory_space<vmem>>) target_semaphore(%arg11 : memref<!tpu.dma_semaphore, #tpu.memory_space<semaphore_mem>>)
        %dma_start3A_1212 = arith.constant 16 : i32
        %dma_start3A_1213 = arith.constant 0 : i32
        %dma_start3A_1214 = tpu.memref_slice %arg5[%dma_start3A_1212, %dma_start3A_1213] : memref<32x1024xf32, #tpu.memory_space<vmem>> -> memref<8x1024xf32, #tpu.memory_space<vmem>>
        %dma_start3A_1215 = arith.constant 0 : i32
        %dma_start3A_1216 = tpu.memref_slice %arg2[%add3A_1186, %dma_start3A_1215] : memref<32768x1024xf32, #tpu.memory_space<hbm>> -> memref<8x1024xf32, #tpu.memory_space<hbm>>
        %dma_start3A_1217 = arith.constant 16 : i32
        %dma_start3A_1218 = arith.constant 0 : i32
        %dma_start3A_1219 = tpu.memref_slice %arg5[%dma_start3A_1217, %dma_start3A_1218] : memref<32x1024xf32, #tpu.memory_space<vmem>> -> memref<8x1024xf32, #tpu.memory_space<vmem>>
        %dma_start3A_1220 = arith.constant 0 : i32
        %dma_start3A_1221 = tpu.memref_slice %arg2[%add3A_1186, %dma_start3A_1220] : memref<32768x1024xf32, #tpu.memory_space<hbm>> -> memref<8x1024xf32, #tpu.memory_space<hbm>>
        tpu.enqueue_dma source(%dma_start3A_1221 : memref<8x1024xf32, #tpu.memory_space<hbm>>) target(%dma_start3A_1219 : memref<8x1024xf32, #tpu.memory_space<vmem>>) target_semaphore(%arg11 : memref<!tpu.dma_semaphore, #tpu.memory_space<semaphore_mem>>)
        %dma_start3A_1222 = arith.constant 24 : i32
        %dma_start3A_1223 = arith.constant 0 : i32
        %dma_start3A_1224 = tpu.memref_slice %arg5[%dma_start3A_1222, %dma_start3A_1223] : memref<32x1024xf32, #tpu.memory_space<vmem>> -> memref<8x1024xf32, #tpu.memory_space<vmem>>
        %dma_start3A_1225 = arith.constant 0 : i32
        %dma_start3A_1226 = tpu.memref_slice %arg2[%add3A_1191, %dma_start3A_1225] : memref<32768x1024xf32, #tpu.memory_space<hbm>> -> memref<8x1024xf32, #tpu.memory_space<hbm>>
        %dma_start3A_1227 = arith.constant 24 : i32
        %dma_start3A_1228 = arith.constant 0 : i32
        %dma_start3A_1229 = tpu.memref_slice %arg5[%dma_start3A_1227, %dma_start3A_1228] : memref<32x1024xf32, #tpu.memory_space<vmem>> -> memref<8x1024xf32, #tpu.memory_space<vmem>>
        %dma_start3A_1230 = arith.constant 0 : i32
        %dma_start3A_1231 = tpu.memref_slice %arg2[%add3A_1191, %dma_start3A_1230] : memref<32768x1024xf32, #tpu.memory_space<hbm>> -> memref<8x1024xf32, #tpu.memory_space<hbm>>
        tpu.enqueue_dma source(%dma_start3A_1231 : memref<8x1024xf32, #tpu.memory_space<hbm>>) target(%dma_start3A_1229 : memref<8x1024xf32, #tpu.memory_space<vmem>>) target_semaphore(%arg11 : memref<!tpu.dma_semaphore, #tpu.memory_space<semaphore_mem>>)
      } else {
      }
      %mul3A_805 = arith.constant 3 : i32
      %mul3A_806 = arith.muli %mul3A_805, %scan3A_655 : i32
      %add3A_807 = arith.constant 1 : i32
      %add3A_808 = arith.addi %add3A_807, %mul3A_806 : i32
      %add3A_809 = arith.constant 1 : i32
      %add3A_810 = arith.addi %add3A_808, %add3A_809 : i32
      %mul3A_811 = arith.constant 8 : i32
      %mul3A_812 = arith.muli %add3A_810, %mul3A_811 : i32
      %add3A_813 = arith.addi %mul3A_2, %mul3A_812 : i32
      %dma_wait3A_814 = arith.constant 0 : i32
      %dma_wait3A_815 = tpu.memref_slice %arg3[%add3A_813, %dma_wait3A_814] : memref<8192x1024xf32, #tpu.memory_space<hbm>> -> memref<8x1024xf32, #tpu.memory_space<hbm>>
      %dma_wait3A_816 = arith.constant 0 : i32
      %dma_wait3A_817 = tpu.memref_slice %arg3[%add3A_813, %dma_wait3A_816] : memref<8192x1024xf32, #tpu.memory_space<hbm>> -> memref<8x1024xf32, #tpu.memory_space<hbm>>
      tpu.wait_dma2 semaphore(%arg19 : memref<!tpu.dma_semaphore, #tpu.memory_space<semaphore_mem>>) src(%dma_wait3A_817 : memref<8x1024xf32, #tpu.memory_space<hbm>>) dst(%arg10 : memref<8x1024xf32, #tpu.memory_space<vmem>>)
      %add3A_818 = arith.constant 1 : i32
      %add3A_819 = arith.addi %add3A_810, %add3A_818 : i32
      %mul3A_820 = arith.constant 8 : i32
      %mul3A_821 = arith.muli %add3A_819, %mul3A_820 : i32
      %add3A_822 = arith.addi %mul3A_2, %mul3A_821 : i32
      %dma_start3A_823 = arith.constant 0 : i32
      %dma_start3A_824 = tpu.memref_slice %arg3[%add3A_822, %dma_start3A_823] : memref<8192x1024xf32, #tpu.memory_space<hbm>> -> memref<8x1024xf32, #tpu.memory_space<hbm>>
      %dma_start3A_825 = arith.constant 0 : i32
      %dma_start3A_826 = tpu.memref_slice %arg3[%add3A_822, %dma_start3A_825] : memref<8192x1024xf32, #tpu.memory_space<hbm>> -> memref<8x1024xf32, #tpu.memory_space<hbm>>
      tpu.enqueue_dma source(%dma_start3A_826 : memref<8x1024xf32, #tpu.memory_space<hbm>>) target(%arg8 : memref<8x1024xf32, #tpu.memory_space<vmem>>) target_semaphore(%arg17 : memref<!tpu.dma_semaphore, #tpu.memory_space<semaphore_mem>>)
      %add3A_827 = arith.constant 0 : i32
      %add3A_828 = arith.addi %add3A_827, %mul3A_2 : i32
      %mul3A_829 = arith.constant 8 : i32
      %mul3A_830 = arith.muli %add3A_810, %mul3A_829 : i32
      %add3A_831 = arith.addi %add3A_828, %mul3A_830 : i32
      %add3A_832 = arith.constant 8192 : i32
      %add3A_833 = arith.addi %add3A_832, %mul3A_2 : i32
      %mul3A_834 = arith.constant 8 : i32
      %mul3A_835 = arith.muli %add3A_810, %mul3A_834 : i32
      %add3A_836 = arith.addi %add3A_833, %mul3A_835 : i32
      %add3A_837 = arith.constant 16384 : i32
      %add3A_838 = arith.addi %add3A_837, %mul3A_2 : i32
      %mul3A_839 = arith.constant 8 : i32
      %mul3A_840 = arith.muli %add3A_810, %mul3A_839 : i32
      %add3A_841 = arith.addi %add3A_838, %mul3A_840 : i32
      %add3A_842 = arith.constant 24576 : i32
      %add3A_843 = arith.addi %add3A_842, %mul3A_2 : i32
      %mul3A_844 = arith.constant 8 : i32
      %mul3A_845 = arith.muli %add3A_810, %mul3A_844 : i32
      %add3A_846 = arith.addi %add3A_843, %mul3A_845 : i32
      %dma_wait3A_847 = arith.constant 0 : i32
      %dma_wait3A_848 = arith.constant 0 : i32
      %dma_wait3A_849 = tpu.memref_slice %arg7[%dma_wait3A_847, %dma_wait3A_848] : memref<32x1024xf32, #tpu.memory_space<vmem>> -> memref<8x1024xf32, #tpu.memory_space<vmem>>
      %dma_wait3A_850 = arith.constant 0 : i32
      %dma_wait3A_851 = tpu.memref_slice %arg2[%add3A_831, %dma_wait3A_850] : memref<32768x1024xf32, #tpu.memory_space<hbm>> -> memref<8x1024xf32, #tpu.memory_space<hbm>>
      %dma_wait3A_852 = arith.constant 0 : i32
      %dma_wait3A_853 = arith.constant 0 : i32
      %dma_wait3A_854 = tpu.memref_slice %arg7[%dma_wait3A_852, %dma_wait3A_853] : memref<32x1024xf32, #tpu.memory_space<vmem>> -> memref<8x1024xf32, #tpu.memory_space<vmem>>
      %dma_wait3A_855 = arith.constant 0 : i32
      %dma_wait3A_856 = tpu.memref_slice %arg2[%add3A_831, %dma_wait3A_855] : memref<32768x1024xf32, #tpu.memory_space<hbm>> -> memref<8x1024xf32, #tpu.memory_space<hbm>>
      tpu.wait_dma2 semaphore(%arg13 : memref<!tpu.dma_semaphore, #tpu.memory_space<semaphore_mem>>) src(%dma_wait3A_856 : memref<8x1024xf32, #tpu.memory_space<hbm>>) dst(%dma_wait3A_854 : memref<8x1024xf32, #tpu.memory_space<vmem>>)
      %dma_wait3A_857 = arith.constant 8 : i32
      %dma_wait3A_858 = arith.constant 0 : i32
      %dma_wait3A_859 = tpu.memref_slice %arg7[%dma_wait3A_857, %dma_wait3A_858] : memref<32x1024xf32, #tpu.memory_space<vmem>> -> memref<8x1024xf32, #tpu.memory_space<vmem>>
      %dma_wait3A_860 = arith.constant 0 : i32
      %dma_wait3A_861 = tpu.memref_slice %arg2[%add3A_836, %dma_wait3A_860] : memref<32768x1024xf32, #tpu.memory_space<hbm>> -> memref<8x1024xf32, #tpu.memory_space<hbm>>
      %dma_wait3A_862 = arith.constant 8 : i32
      %dma_wait3A_863 = arith.constant 0 : i32
      %dma_wait3A_864 = tpu.memref_slice %arg7[%dma_wait3A_862, %dma_wait3A_863] : memref<32x1024xf32, #tpu.memory_space<vmem>> -> memref<8x1024xf32, #tpu.memory_space<vmem>>
      %dma_wait3A_865 = arith.constant 0 : i32
      %dma_wait3A_866 = tpu.memref_slice %arg2[%add3A_836, %dma_wait3A_865] : memref<32768x1024xf32, #tpu.memory_space<hbm>> -> memref<8x1024xf32, #tpu.memory_space<hbm>>
      tpu.wait_dma2 semaphore(%arg13 : memref<!tpu.dma_semaphore, #tpu.memory_space<semaphore_mem>>) src(%dma_wait3A_866 : memref<8x1024xf32, #tpu.memory_space<hbm>>) dst(%dma_wait3A_864 : memref<8x1024xf32, #tpu.memory_space<vmem>>)
      %dma_wait3A_867 = arith.constant 16 : i32
      %dma_wait3A_868 = arith.constant 0 : i32
      %dma_wait3A_869 = tpu.memref_slice %arg7[%dma_wait3A_867, %dma_wait3A_868] : memref<32x1024xf32, #tpu.memory_space<vmem>> -> memref<8x1024xf32, #tpu.memory_space<vmem>>
      %dma_wait3A_870 = arith.constant 0 : i32
      %dma_wait3A_871 = tpu.memref_slice %arg2[%add3A_841, %dma_wait3A_870] : memref<32768x1024xf32, #tpu.memory_space<hbm>> -> memref<8x1024xf32, #tpu.memory_space<hbm>>
      %dma_wait3A_872 = arith.constant 16 : i32
      %dma_wait3A_873 = arith.constant 0 : i32
      %dma_wait3A_874 = tpu.memref_slice %arg7[%dma_wait3A_872, %dma_wait3A_873] : memref<32x1024xf32, #tpu.memory_space<vmem>> -> memref<8x1024xf32, #tpu.memory_space<vmem>>
      %dma_wait3A_875 = arith.constant 0 : i32
      %dma_wait3A_876 = tpu.memref_slice %arg2[%add3A_841, %dma_wait3A_875] : memref<32768x1024xf32, #tpu.memory_space<hbm>> -> memref<8x1024xf32, #tpu.memory_space<hbm>>
      tpu.wait_dma2 semaphore(%arg13 : memref<!tpu.dma_semaphore, #tpu.memory_space<semaphore_mem>>) src(%dma_wait3A_876 : memref<8x1024xf32, #tpu.memory_space<hbm>>) dst(%dma_wait3A_874 : memref<8x1024xf32, #tpu.memory_space<vmem>>)
      %dma_wait3A_877 = arith.constant 24 : i32
      %dma_wait3A_878 = arith.constant 0 : i32
      %dma_wait3A_879 = tpu.memref_slice %arg7[%dma_wait3A_877, %dma_wait3A_878] : memref<32x1024xf32, #tpu.memory_space<vmem>> -> memref<8x1024xf32, #tpu.memory_space<vmem>>
      %dma_wait3A_880 = arith.constant 0 : i32
      %dma_wait3A_881 = tpu.memref_slice %arg2[%add3A_846, %dma_wait3A_880] : memref<32768x1024xf32, #tpu.memory_space<hbm>> -> memref<8x1024xf32, #tpu.memory_space<hbm>>
      %dma_wait3A_882 = arith.constant 24 : i32
      %dma_wait3A_883 = arith.constant 0 : i32
      %dma_wait3A_884 = tpu.memref_slice %arg7[%dma_wait3A_882, %dma_wait3A_883] : memref<32x1024xf32, #tpu.memory_space<vmem>> -> memref<8x1024xf32, #tpu.memory_space<vmem>>
      %dma_wait3A_885 = arith.constant 0 : i32
      %dma_wait3A_886 = tpu.memref_slice %arg2[%add3A_846, %dma_wait3A_885] : memref<32768x1024xf32, #tpu.memory_space<hbm>> -> memref<8x1024xf32, #tpu.memory_space<hbm>>
      tpu.wait_dma2 semaphore(%arg13 : memref<!tpu.dma_semaphore, #tpu.memory_space<semaphore_mem>>) src(%dma_wait3A_886 : memref<8x1024xf32, #tpu.memory_space<hbm>>) dst(%dma_wait3A_884 : memref<8x1024xf32, #tpu.memory_space<vmem>>)
      %parallel_loop3A_887 = arith.constant 0 : i32
      %parallel_loop3A_888 = arith.constant 8192 : i32
      %parallel_loop3A_889 = arith.constant 16 : i32
      scf.for %parallel_loop3A_1109 = %parallel_loop3A_887 to %parallel_loop3A_888 step %parallel_loop3A_889  : i32 {
        %parallel_loop3A_1110 = arith.constant 1024 : i32
        %parallel_loop3A_1111 = arith.divsi %parallel_loop3A_1109, %parallel_loop3A_1110 : i32
        %parallel_loop3A_1112 = arith.constant 0 : i32
        %parallel_loop3A_1113 = arith.cmpi sgt, %parallel_loop3A_1109, %parallel_loop3A_1112 : i32
        %parallel_loop3A_1114 = arith.extui %parallel_loop3A_1113 : i1 to i32
        %parallel_loop3A_1115 = arith.constant 0 : i32
        %parallel_loop3A_1116 = arith.cmpi slt, %parallel_loop3A_1109, %parallel_loop3A_1115 : i32
        %parallel_loop3A_1117 = arith.extui %parallel_loop3A_1116 : i1 to i32
        %parallel_loop3A_1118 = arith.subi %parallel_loop3A_1114, %parallel_loop3A_1117 : i32
        %parallel_loop3A_1119 = arith.constant 0 : i32
        %parallel_loop3A_1120 = arith.cmpi sgt, %parallel_loop3A_1110, %parallel_loop3A_1119 : i32
        %parallel_loop3A_1121 = arith.extui %parallel_loop3A_1120 : i1 to i32
        %parallel_loop3A_1122 = arith.constant 0 : i32
        %parallel_loop3A_1123 = arith.cmpi slt, %parallel_loop3A_1110, %parallel_loop3A_1122 : i32
        %parallel_loop3A_1124 = arith.extui %parallel_loop3A_1123 : i1 to i32
        %parallel_loop3A_1125 = arith.subi %parallel_loop3A_1121, %parallel_loop3A_1124 : i32
        %parallel_loop3A_1126 = arith.cmpi ne, %parallel_loop3A_1118, %parallel_loop3A_1125 : i32
        %parallel_loop3A_1127 = arith.remsi %parallel_loop3A_1109, %parallel_loop3A_1110 : i32
        %parallel_loop3A_1128 = arith.constant 0 : i32
        %parallel_loop3A_1129 = arith.cmpi ne, %parallel_loop3A_1127, %parallel_loop3A_1128 : i32
        %parallel_loop3A_1130 = arith.andi %parallel_loop3A_1126, %parallel_loop3A_1129 : i1
        %parallel_loop3A_1131 = arith.constant 1 : i32
        %parallel_loop3A_1132 = arith.subi %parallel_loop3A_1111, %parallel_loop3A_1131 : i32
        %parallel_loop3A_1133 = arith.select %parallel_loop3A_1130, %parallel_loop3A_1132, %parallel_loop3A_1111 : i32
        %parallel_loop3A_1134 = arith.constant 1024 : i32
        %parallel_loop3A_1135 = arith.constant 0 : i32
        %parallel_loop3A_1136 = arith.cmpi eq, %parallel_loop3A_1134, %parallel_loop3A_1135 : i32
        %parallel_loop3A_1137 = arith.constant 1 : i32
        %parallel_loop3A_1138 = arith.select %parallel_loop3A_1136, %parallel_loop3A_1137, %parallel_loop3A_1134 : i32
        %parallel_loop3A_1139 = arith.remsi %parallel_loop3A_1109, %parallel_loop3A_1138 : i32
        %parallel_loop3A_1140 = arith.constant 0 : i32
        %parallel_loop3A_1141 = arith.cmpi ne, %parallel_loop3A_1139, %parallel_loop3A_1140 : i32
        %parallel_loop3A_1142 = arith.constant 0 : i32
        %parallel_loop3A_1143 = arith.cmpi slt, %parallel_loop3A_1139, %parallel_loop3A_1142 : i32
        %parallel_loop3A_1144 = arith.constant 0 : i32
        %parallel_loop3A_1145 = arith.cmpi slt, %parallel_loop3A_1138, %parallel_loop3A_1144 : i32
        %parallel_loop3A_1146 = arith.xori %parallel_loop3A_1143, %parallel_loop3A_1145 : i1
        %parallel_loop3A_1147 = arith.andi %parallel_loop3A_1146, %parallel_loop3A_1141 : i1
        %parallel_loop3A_1148 = arith.addi %parallel_loop3A_1139, %parallel_loop3A_1138 : i32
        %parallel_loop3A_1149 = arith.select %parallel_loop3A_1147, %parallel_loop3A_1148, %parallel_loop3A_1139 : i32
        %parallel_loop3A_1150 = arith.index_cast %parallel_loop3A_1133 : i32 to index
        %parallel_loop3A_1151 = arith.index_cast %parallel_loop3A_1149 : i32 to index
        %parallel_loop3A_1152 = tpu.vector_load %arg10[%parallel_loop3A_1150, %parallel_loop3A_1151] {strides = array<i32>} : memref<8x1024xf32, #tpu.memory_space<vmem>>, vector<1x16xf32>,
        %parallel_loop3A_1153 = vector.shape_cast %parallel_loop3A_1152 : vector<1x16xf32> to vector<16xf32>
        %parallel_loop3A_1154 = arith.constant 0 : i32
        %parallel_loop3A_1155 = arith.addi %parallel_loop3A_1154, %parallel_loop3A_1133 : i32
        %parallel_loop3A_1156 = arith.index_cast %parallel_loop3A_1155 : i32 to index
        %parallel_loop3A_1157 = arith.index_cast %parallel_loop3A_1149 : i32 to index
        %parallel_loop3A_1158 = tpu.vector_load %arg7[%parallel_loop3A_1156, %parallel_loop3A_1157] {strides = array<i32>} : memref<32x1024xf32, #tpu.memory_space<vmem>>, vector<1x16xf32>,
        %parallel_loop3A_1159 = vector.shape_cast %parallel_loop3A_1158 : vector<1x16xf32> to vector<16xf32>
        %parallel_loop3A_1160 = vector.shape_cast %parallel_loop3A_1153 : vector<16xf32> to vector<1x16xf32>
        tpu.vector_store %arg7[%parallel_loop3A_1156, %parallel_loop3A_1157], %parallel_loop3A_1160 {add = true, strides = array<i32>} : memref<32x1024xf32, #tpu.memory_space<vmem>>, vector<1x16xf32>,
        %parallel_loop3A_1161 = arith.constant 8 : i32
        %parallel_loop3A_1162 = arith.addi %parallel_loop3A_1161, %parallel_loop3A_1133 : i32
        %parallel_loop3A_1163 = arith.index_cast %parallel_loop3A_1162 : i32 to index
        %parallel_loop3A_1164 = arith.index_cast %parallel_loop3A_1149 : i32 to index
        %parallel_loop3A_1165 = tpu.vector_load %arg7[%parallel_loop3A_1163, %parallel_loop3A_1164] {strides = array<i32>} : memref<32x1024xf32, #tpu.memory_space<vmem>>, vector<1x16xf32>,
        %parallel_loop3A_1166 = vector.shape_cast %parallel_loop3A_1165 : vector<1x16xf32> to vector<16xf32>
        %parallel_loop3A_1167 = vector.shape_cast %parallel_loop3A_1153 : vector<16xf32> to vector<1x16xf32>
        tpu.vector_store %arg7[%parallel_loop3A_1163, %parallel_loop3A_1164], %parallel_loop3A_1167 {add = true, strides = array<i32>} : memref<32x1024xf32, #tpu.memory_space<vmem>>, vector<1x16xf32>,
        %parallel_loop3A_1168 = arith.constant 16 : i32
        %parallel_loop3A_1169 = arith.addi %parallel_loop3A_1168, %parallel_loop3A_1133 : i32
        %parallel_loop3A_1170 = arith.index_cast %parallel_loop3A_1169 : i32 to index
        %parallel_loop3A_1171 = arith.index_cast %parallel_loop3A_1149 : i32 to index
        %parallel_loop3A_1172 = tpu.vector_load %arg7[%parallel_loop3A_1170, %parallel_loop3A_1171] {strides = array<i32>} : memref<32x1024xf32, #tpu.memory_space<vmem>>, vector<1x16xf32>,
        %parallel_loop3A_1173 = vector.shape_cast %parallel_loop3A_1172 : vector<1x16xf32> to vector<16xf32>
        %parallel_loop3A_1174 = vector.shape_cast %parallel_loop3A_1153 : vector<16xf32> to vector<1x16xf32>
        tpu.vector_store %arg7[%parallel_loop3A_1170, %parallel_loop3A_1171], %parallel_loop3A_1174 {add = true, strides = array<i32>} : memref<32x1024xf32, #tpu.memory_space<vmem>>, vector<1x16xf32>,
        %parallel_loop3A_1175 = arith.constant 24 : i32
        %parallel_loop3A_1176 = arith.addi %parallel_loop3A_1175, %parallel_loop3A_1133 : i32
        %parallel_loop3A_1177 = arith.index_cast %parallel_loop3A_1176 : i32 to index
        %parallel_loop3A_1178 = arith.index_cast %parallel_loop3A_1149 : i32 to index
        %parallel_loop3A_1179 = tpu.vector_load %arg7[%parallel_loop3A_1177, %parallel_loop3A_1178] {strides = array<i32>} : memref<32x1024xf32, #tpu.memory_space<vmem>>, vector<1x16xf32>,
        %parallel_loop3A_1180 = vector.shape_cast %parallel_loop3A_1179 : vector<1x16xf32> to vector<16xf32>
        %parallel_loop3A_1181 = vector.shape_cast %parallel_loop3A_1153 : vector<16xf32> to vector<1x16xf32>
        tpu.vector_store %arg7[%parallel_loop3A_1177, %parallel_loop3A_1178], %parallel_loop3A_1181 {add = true, strides = array<i32>} : memref<32x1024xf32, #tpu.memory_space<vmem>>, vector<1x16xf32>,
      } {sc.loop_unroll_factor = 4 : i64, sc.parallel_access}
      %add3A_890 = arith.constant 0 : i32
      %add3A_891 = arith.addi %add3A_890, %mul3A_2 : i32
      %mul3A_892 = arith.constant 8 : i32
      %mul3A_893 = arith.muli %add3A_810, %mul3A_892 : i32
      %add3A_894 = arith.addi %add3A_891, %mul3A_893 : i32
      %add3A_895 = arith.constant 8192 : i32
      %add3A_896 = arith.addi %add3A_895, %mul3A_2 : i32
      %mul3A_897 = arith.constant 8 : i32
      %mul3A_898 = arith.muli %add3A_810, %mul3A_897 : i32
      %add3A_899 = arith.addi %add3A_896, %mul3A_898 : i32
      %add3A_900 = arith.constant 16384 : i32
      %add3A_901 = arith.addi %add3A_900, %mul3A_2 : i32
      %mul3A_902 = arith.constant 8 : i32
      %mul3A_903 = arith.muli %add3A_810, %mul3A_902 : i32
      %add3A_904 = arith.addi %add3A_901, %mul3A_903 : i32
      %add3A_905 = arith.constant 24576 : i32
      %add3A_906 = arith.addi %add3A_905, %mul3A_2 : i32
      %mul3A_907 = arith.constant 8 : i32
      %mul3A_908 = arith.muli %add3A_810, %mul3A_907 : i32
      %add3A_909 = arith.addi %add3A_906, %mul3A_908 : i32
      %dma_start3A_910 = arith.constant 0 : i32
      %dma_start3A_911 = arith.constant 0 : i32
      %dma_start3A_912 = tpu.memref_slice %arg7[%dma_start3A_910, %dma_start3A_911] : memref<32x1024xf32, #tpu.memory_space<vmem>> -> memref<8x1024xf32, #tpu.memory_space<vmem>>
      %dma_start3A_913 = arith.constant 0 : i32
      %dma_start3A_914 = tpu.memref_slice %arg4[%add3A_894, %dma_start3A_913] : memref<32768x1024xf32, #tpu.memory_space<hbm>> -> memref<8x1024xf32, #tpu.memory_space<hbm>>
      %dma_start3A_915 = arith.constant 0 : i32
      %dma_start3A_916 = tpu.memref_slice %arg4[%add3A_894, %dma_start3A_915] : memref<32768x1024xf32, #tpu.memory_space<hbm>> -> memref<8x1024xf32, #tpu.memory_space<hbm>>
      %dma_start3A_917 = arith.constant 0 : i32
      %dma_start3A_918 = arith.constant 0 : i32
      %dma_start3A_919 = tpu.memref_slice %arg7[%dma_start3A_917, %dma_start3A_918] : memref<32x1024xf32, #tpu.memory_space<vmem>> -> memref<8x1024xf32, #tpu.memory_space<vmem>>
      tpu.enqueue_dma source(%dma_start3A_919 : memref<8x1024xf32, #tpu.memory_space<vmem>>) target(%dma_start3A_916 : memref<8x1024xf32, #tpu.memory_space<hbm>>) target_semaphore(%arg16 : memref<!tpu.dma_semaphore, #tpu.memory_space<semaphore_mem>>)
      %dma_start3A_920 = arith.constant 8 : i32
      %dma_start3A_921 = arith.constant 0 : i32
      %dma_start3A_922 = tpu.memref_slice %arg7[%dma_start3A_920, %dma_start3A_921] : memref<32x1024xf32, #tpu.memory_space<vmem>> -> memref<8x1024xf32, #tpu.memory_space<vmem>>
      %dma_start3A_923 = arith.constant 0 : i32
      %dma_start3A_924 = tpu.memref_slice %arg4[%add3A_899, %dma_start3A_923] : memref<32768x1024xf32, #tpu.memory_space<hbm>> -> memref<8x1024xf32, #tpu.memory_space<hbm>>
      %dma_start3A_925 = arith.constant 0 : i32
      %dma_start3A_926 = tpu.memref_slice %arg4[%add3A_899, %dma_start3A_925] : memref<32768x1024xf32, #tpu.memory_space<hbm>> -> memref<8x1024xf32, #tpu.memory_space<hbm>>
      %dma_start3A_927 = arith.constant 8 : i32
      %dma_start3A_928 = arith.constant 0 : i32
      %dma_start3A_929 = tpu.memref_slice %arg7[%dma_start3A_927, %dma_start3A_928] : memref<32x1024xf32, #tpu.memory_space<vmem>> -> memref<8x1024xf32, #tpu.memory_space<vmem>>
      tpu.enqueue_dma source(%dma_start3A_929 : memref<8x1024xf32, #tpu.memory_space<vmem>>) target(%dma_start3A_926 : memref<8x1024xf32, #tpu.memory_space<hbm>>) target_semaphore(%arg16 : memref<!tpu.dma_semaphore, #tpu.memory_space<semaphore_mem>>)
      %dma_start3A_930 = arith.constant 16 : i32
      %dma_start3A_931 = arith.constant 0 : i32
      %dma_start3A_932 = tpu.memref_slice %arg7[%dma_start3A_930, %dma_start3A_931] : memref<32x1024xf32, #tpu.memory_space<vmem>> -> memref<8x1024xf32, #tpu.memory_space<vmem>>
      %dma_start3A_933 = arith.constant 0 : i32
      %dma_start3A_934 = tpu.memref_slice %arg4[%add3A_904, %dma_start3A_933] : memref<32768x1024xf32, #tpu.memory_space<hbm>> -> memref<8x1024xf32, #tpu.memory_space<hbm>>
      %dma_start3A_935 = arith.constant 0 : i32
      %dma_start3A_936 = tpu.memref_slice %arg4[%add3A_904, %dma_start3A_935] : memref<32768x1024xf32, #tpu.memory_space<hbm>> -> memref<8x1024xf32, #tpu.memory_space<hbm>>
      %dma_start3A_937 = arith.constant 16 : i32
      %dma_start3A_938 = arith.constant 0 : i32
      %dma_start3A_939 = tpu.memref_slice %arg7[%dma_start3A_937, %dma_start3A_938] : memref<32x1024xf32, #tpu.memory_space<vmem>> -> memref<8x1024xf32, #tpu.memory_space<vmem>>
      tpu.enqueue_dma source(%dma_start3A_939 : memref<8x1024xf32, #tpu.memory_space<vmem>>) target(%dma_start3A_936 : memref<8x1024xf32, #tpu.memory_space<hbm>>) target_semaphore(%arg16 : memref<!tpu.dma_semaphore, #tpu.memory_space<semaphore_mem>>)
      %dma_start3A_940 = arith.constant 24 : i32
      %dma_start3A_941 = arith.constant 0 : i32
      %dma_start3A_942 = tpu.memref_slice %arg7[%dma_start3A_940, %dma_start3A_941] : memref<32x1024xf32, #tpu.memory_space<vmem>> -> memref<8x1024xf32, #tpu.memory_space<vmem>>
      %dma_start3A_943 = arith.constant 0 : i32
      %dma_start3A_944 = tpu.memref_slice %arg4[%add3A_909, %dma_start3A_943] : memref<32768x1024xf32, #tpu.memory_space<hbm>> -> memref<8x1024xf32, #tpu.memory_space<hbm>>
      %dma_start3A_945 = arith.constant 0 : i32
      %dma_start3A_946 = tpu.memref_slice %arg4[%add3A_909, %dma_start3A_945] : memref<32768x1024xf32, #tpu.memory_space<hbm>> -> memref<8x1024xf32, #tpu.memory_space<hbm>>
      %dma_start3A_947 = arith.constant 24 : i32
      %dma_start3A_948 = arith.constant 0 : i32
      %dma_start3A_949 = tpu.memref_slice %arg7[%dma_start3A_947, %dma_start3A_948] : memref<32x1024xf32, #tpu.memory_space<vmem>> -> memref<8x1024xf32, #tpu.memory_space<vmem>>
      tpu.enqueue_dma source(%dma_start3A_949 : memref<8x1024xf32, #tpu.memory_space<vmem>>) target(%dma_start3A_946 : memref<8x1024xf32, #tpu.memory_space<hbm>>) target_semaphore(%arg16 : memref<!tpu.dma_semaphore, #tpu.memory_space<semaphore_mem>>)
      %add3A_950 = arith.constant 2 : i32
      %add3A_951 = arith.addi %add3A_810, %add3A_950 : i32
      %lt3A_952 = arith.constant 32 : i32
      %lt3A_953 = arith.cmpi slt, %add3A_951, %lt3A_952 : i32
      %convert_element_type3A_954 = arith.extui %lt3A_953 : i1 to i32
      %cond3A_955 = arith.constant 0 : i32
      %cond3A_956 = arith.cmpi ne, %convert_element_type3A_954, %cond3A_955 : i32
      scf.if %cond3A_956 {
        %sub3A = arith.constant 1 : i32
        %sub3A_1109 = arith.subi %add3A_810, %sub3A : i32
        %add3A_1110 = arith.constant 0 : i32
        %add3A_1111 = arith.addi %add3A_1110, %mul3A_2 : i32
        %mul3A_1112 = arith.constant 8 : i32
        %mul3A_1113 = arith.muli %sub3A_1109, %mul3A_1112 : i32
        %add3A_1114 = arith.addi %add3A_1111, %mul3A_1113 : i32
        %add3A_1115 = arith.constant 8192 : i32
        %add3A_1116 = arith.addi %add3A_1115, %mul3A_2 : i32
        %mul3A_1117 = arith.constant 8 : i32
        %mul3A_1118 = arith.muli %sub3A_1109, %mul3A_1117 : i32
        %add3A_1119 = arith.addi %add3A_1116, %mul3A_1118 : i32
        %add3A_1120 = arith.constant 16384 : i32
        %add3A_1121 = arith.addi %add3A_1120, %mul3A_2 : i32
        %mul3A_1122 = arith.constant 8 : i32
        %mul3A_1123 = arith.muli %sub3A_1109, %mul3A_1122 : i32
        %add3A_1124 = arith.addi %add3A_1121, %mul3A_1123 : i32
        %add3A_1125 = arith.constant 24576 : i32
        %add3A_1126 = arith.addi %add3A_1125, %mul3A_2 : i32
        %mul3A_1127 = arith.constant 8 : i32
        %mul3A_1128 = arith.muli %sub3A_1109, %mul3A_1127 : i32
        %add3A_1129 = arith.addi %add3A_1126, %mul3A_1128 : i32
        %dma_wait3A_1130 = arith.constant 0 : i32
        %dma_wait3A_1131 = arith.constant 0 : i32
        %dma_wait3A_1132 = tpu.memref_slice %arg6[%dma_wait3A_1130, %dma_wait3A_1131] : memref<32x1024xf32, #tpu.memory_space<vmem>> -> memref<8x1024xf32, #tpu.memory_space<vmem>>
        %dma_wait3A_1133 = arith.constant 0 : i32
        %dma_wait3A_1134 = tpu.memref_slice %arg4[%add3A_1114, %dma_wait3A_1133] : memref<32768x1024xf32, #tpu.memory_space<hbm>> -> memref<8x1024xf32, #tpu.memory_space<hbm>>
        %dma_wait3A_1135 = arith.constant 0 : i32
        %dma_wait3A_1136 = tpu.memref_slice %arg4[%add3A_1114, %dma_wait3A_1135] : memref<32768x1024xf32, #tpu.memory_space<hbm>> -> memref<8x1024xf32, #tpu.memory_space<hbm>>
        %dma_wait3A_1137 = arith.constant 0 : i32
        %dma_wait3A_1138 = arith.constant 0 : i32
        %dma_wait3A_1139 = tpu.memref_slice %arg6[%dma_wait3A_1137, %dma_wait3A_1138] : memref<32x1024xf32, #tpu.memory_space<vmem>> -> memref<8x1024xf32, #tpu.memory_space<vmem>>
        tpu.wait_dma2 semaphore(%arg15 : memref<!tpu.dma_semaphore, #tpu.memory_space<semaphore_mem>>) src(%dma_wait3A_1139 : memref<8x1024xf32, #tpu.memory_space<vmem>>) dst(%dma_wait3A_1136 : memref<8x1024xf32, #tpu.memory_space<hbm>>)
        %dma_wait3A_1140 = arith.constant 8 : i32
        %dma_wait3A_1141 = arith.constant 0 : i32
        %dma_wait3A_1142 = tpu.memref_slice %arg6[%dma_wait3A_1140, %dma_wait3A_1141] : memref<32x1024xf32, #tpu.memory_space<vmem>> -> memref<8x1024xf32, #tpu.memory_space<vmem>>
        %dma_wait3A_1143 = arith.constant 0 : i32
        %dma_wait3A_1144 = tpu.memref_slice %arg4[%add3A_1119, %dma_wait3A_1143] : memref<32768x1024xf32, #tpu.memory_space<hbm>> -> memref<8x1024xf32, #tpu.memory_space<hbm>>
        %dma_wait3A_1145 = arith.constant 0 : i32
        %dma_wait3A_1146 = tpu.memref_slice %arg4[%add3A_1119, %dma_wait3A_1145] : memref<32768x1024xf32, #tpu.memory_space<hbm>> -> memref<8x1024xf32, #tpu.memory_space<hbm>>
        %dma_wait3A_1147 = arith.constant 8 : i32
        %dma_wait3A_1148 = arith.constant 0 : i32
        %dma_wait3A_1149 = tpu.memref_slice %arg6[%dma_wait3A_1147, %dma_wait3A_1148] : memref<32x1024xf32, #tpu.memory_space<vmem>> -> memref<8x1024xf32, #tpu.memory_space<vmem>>
        tpu.wait_dma2 semaphore(%arg15 : memref<!tpu.dma_semaphore, #tpu.memory_space<semaphore_mem>>) src(%dma_wait3A_1149 : memref<8x1024xf32, #tpu.memory_space<vmem>>) dst(%dma_wait3A_1146 : memref<8x1024xf32, #tpu.memory_space<hbm>>)
        %dma_wait3A_1150 = arith.constant 16 : i32
        %dma_wait3A_1151 = arith.constant 0 : i32
        %dma_wait3A_1152 = tpu.memref_slice %arg6[%dma_wait3A_1150, %dma_wait3A_1151] : memref<32x1024xf32, #tpu.memory_space<vmem>> -> memref<8x1024xf32, #tpu.memory_space<vmem>>
        %dma_wait3A_1153 = arith.constant 0 : i32
        %dma_wait3A_1154 = tpu.memref_slice %arg4[%add3A_1124, %dma_wait3A_1153] : memref<32768x1024xf32, #tpu.memory_space<hbm>> -> memref<8x1024xf32, #tpu.memory_space<hbm>>
        %dma_wait3A_1155 = arith.constant 0 : i32
        %dma_wait3A_1156 = tpu.memref_slice %arg4[%add3A_1124, %dma_wait3A_1155] : memref<32768x1024xf32, #tpu.memory_space<hbm>> -> memref<8x1024xf32, #tpu.memory_space<hbm>>
        %dma_wait3A_1157 = arith.constant 16 : i32
        %dma_wait3A_1158 = arith.constant 0 : i32
        %dma_wait3A_1159 = tpu.memref_slice %arg6[%dma_wait3A_1157, %dma_wait3A_1158] : memref<32x1024xf32, #tpu.memory_space<vmem>> -> memref<8x1024xf32, #tpu.memory_space<vmem>>
        tpu.wait_dma2 semaphore(%arg15 : memref<!tpu.dma_semaphore, #tpu.memory_space<semaphore_mem>>) src(%dma_wait3A_1159 : memref<8x1024xf32, #tpu.memory_space<vmem>>) dst(%dma_wait3A_1156 : memref<8x1024xf32, #tpu.memory_space<hbm>>)
        %dma_wait3A_1160 = arith.constant 24 : i32
        %dma_wait3A_1161 = arith.constant 0 : i32
        %dma_wait3A_1162 = tpu.memref_slice %arg6[%dma_wait3A_1160, %dma_wait3A_1161] : memref<32x1024xf32, #tpu.memory_space<vmem>> -> memref<8x1024xf32, #tpu.memory_space<vmem>>
        %dma_wait3A_1163 = arith.constant 0 : i32
        %dma_wait3A_1164 = tpu.memref_slice %arg4[%add3A_1129, %dma_wait3A_1163] : memref<32768x1024xf32, #tpu.memory_space<hbm>> -> memref<8x1024xf32, #tpu.memory_space<hbm>>
        %dma_wait3A_1165 = arith.constant 0 : i32
        %dma_wait3A_1166 = tpu.memref_slice %arg4[%add3A_1129, %dma_wait3A_1165] : memref<32768x1024xf32, #tpu.memory_space<hbm>> -> memref<8x1024xf32, #tpu.memory_space<hbm>>
        %dma_wait3A_1167 = arith.constant 24 : i32
        %dma_wait3A_1168 = arith.constant 0 : i32
        %dma_wait3A_1169 = tpu.memref_slice %arg6[%dma_wait3A_1167, %dma_wait3A_1168] : memref<32x1024xf32, #tpu.memory_space<vmem>> -> memref<8x1024xf32, #tpu.memory_space<vmem>>
        tpu.wait_dma2 semaphore(%arg15 : memref<!tpu.dma_semaphore, #tpu.memory_space<semaphore_mem>>) src(%dma_wait3A_1169 : memref<8x1024xf32, #tpu.memory_space<vmem>>) dst(%dma_wait3A_1166 : memref<8x1024xf32, #tpu.memory_space<hbm>>)
        %add3A_1170 = arith.constant 2 : i32
        %add3A_1171 = arith.addi %add3A_810, %add3A_1170 : i32
        %add3A_1172 = arith.constant 0 : i32
        %add3A_1173 = arith.addi %add3A_1172, %mul3A_2 : i32
        %mul3A_1174 = arith.constant 8 : i32
        %mul3A_1175 = arith.muli %add3A_1171, %mul3A_1174 : i32
        %add3A_1176 = arith.addi %add3A_1173, %mul3A_1175 : i32
        %add3A_1177 = arith.constant 8192 : i32
        %add3A_1178 = arith.addi %add3A_1177, %mul3A_2 : i32
        %mul3A_1179 = arith.constant 8 : i32
        %mul3A_1180 = arith.muli %add3A_1171, %mul3A_1179 : i32
        %add3A_1181 = arith.addi %add3A_1178, %mul3A_1180 : i32
        %add3A_1182 = arith.constant 16384 : i32
        %add3A_1183 = arith.addi %add3A_1182, %mul3A_2 : i32
        %mul3A_1184 = arith.constant 8 : i32
        %mul3A_1185 = arith.muli %add3A_1171, %mul3A_1184 : i32
        %add3A_1186 = arith.addi %add3A_1183, %mul3A_1185 : i32
        %add3A_1187 = arith.constant 24576 : i32
        %add3A_1188 = arith.addi %add3A_1187, %mul3A_2 : i32
        %mul3A_1189 = arith.constant 8 : i32
        %mul3A_1190 = arith.muli %add3A_1171, %mul3A_1189 : i32
        %add3A_1191 = arith.addi %add3A_1188, %mul3A_1190 : i32
        %dma_start3A_1192 = arith.constant 0 : i32
        %dma_start3A_1193 = arith.constant 0 : i32
        %dma_start3A_1194 = tpu.memref_slice %arg6[%dma_start3A_1192, %dma_start3A_1193] : memref<32x1024xf32, #tpu.memory_space<vmem>> -> memref<8x1024xf32, #tpu.memory_space<vmem>>
        %dma_start3A_1195 = arith.constant 0 : i32
        %dma_start3A_1196 = tpu.memref_slice %arg2[%add3A_1176, %dma_start3A_1195] : memref<32768x1024xf32, #tpu.memory_space<hbm>> -> memref<8x1024xf32, #tpu.memory_space<hbm>>
        %dma_start3A_1197 = arith.constant 0 : i32
        %dma_start3A_1198 = arith.constant 0 : i32
        %dma_start3A_1199 = tpu.memref_slice %arg6[%dma_start3A_1197, %dma_start3A_1198] : memref<32x1024xf32, #tpu.memory_space<vmem>> -> memref<8x1024xf32, #tpu.memory_space<vmem>>
        %dma_start3A_1200 = arith.constant 0 : i32
        %dma_start3A_1201 = tpu.memref_slice %arg2[%add3A_1176, %dma_start3A_1200] : memref<32768x1024xf32, #tpu.memory_space<hbm>> -> memref<8x1024xf32, #tpu.memory_space<hbm>>
        tpu.enqueue_dma source(%dma_start3A_1201 : memref<8x1024xf32, #tpu.memory_space<hbm>>) target(%dma_start3A_1199 : memref<8x1024xf32, #tpu.memory_space<vmem>>) target_semaphore(%arg12 : memref<!tpu.dma_semaphore, #tpu.memory_space<semaphore_mem>>)
        %dma_start3A_1202 = arith.constant 8 : i32
        %dma_start3A_1203 = arith.constant 0 : i32
        %dma_start3A_1204 = tpu.memref_slice %arg6[%dma_start3A_1202, %dma_start3A_1203] : memref<32x1024xf32, #tpu.memory_space<vmem>> -> memref<8x1024xf32, #tpu.memory_space<vmem>>
        %dma_start3A_1205 = arith.constant 0 : i32
        %dma_start3A_1206 = tpu.memref_slice %arg2[%add3A_1181, %dma_start3A_1205] : memref<32768x1024xf32, #tpu.memory_space<hbm>> -> memref<8x1024xf32, #tpu.memory_space<hbm>>
        %dma_start3A_1207 = arith.constant 8 : i32
        %dma_start3A_1208 = arith.constant 0 : i32
        %dma_start3A_1209 = tpu.memref_slice %arg6[%dma_start3A_1207, %dma_start3A_1208] : memref<32x1024xf32, #tpu.memory_space<vmem>> -> memref<8x1024xf32, #tpu.memory_space<vmem>>
        %dma_start3A_1210 = arith.constant 0 : i32
        %dma_start3A_1211 = tpu.memref_slice %arg2[%add3A_1181, %dma_start3A_1210] : memref<32768x1024xf32, #tpu.memory_space<hbm>> -> memref<8x1024xf32, #tpu.memory_space<hbm>>
        tpu.enqueue_dma source(%dma_start3A_1211 : memref<8x1024xf32, #tpu.memory_space<hbm>>) target(%dma_start3A_1209 : memref<8x1024xf32, #tpu.memory_space<vmem>>) target_semaphore(%arg12 : memref<!tpu.dma_semaphore, #tpu.memory_space<semaphore_mem>>)
        %dma_start3A_1212 = arith.constant 16 : i32
        %dma_start3A_1213 = arith.constant 0 : i32
        %dma_start3A_1214 = tpu.memref_slice %arg6[%dma_start3A_1212, %dma_start3A_1213] : memref<32x1024xf32, #tpu.memory_space<vmem>> -> memref<8x1024xf32, #tpu.memory_space<vmem>>
        %dma_start3A_1215 = arith.constant 0 : i32
        %dma_start3A_1216 = tpu.memref_slice %arg2[%add3A_1186, %dma_start3A_1215] : memref<32768x1024xf32, #tpu.memory_space<hbm>> -> memref<8x1024xf32, #tpu.memory_space<hbm>>
        %dma_start3A_1217 = arith.constant 16 : i32
        %dma_start3A_1218 = arith.constant 0 : i32
        %dma_start3A_1219 = tpu.memref_slice %arg6[%dma_start3A_1217, %dma_start3A_1218] : memref<32x1024xf32, #tpu.memory_space<vmem>> -> memref<8x1024xf32, #tpu.memory_space<vmem>>
        %dma_start3A_1220 = arith.constant 0 : i32
        %dma_start3A_1221 = tpu.memref_slice %arg2[%add3A_1186, %dma_start3A_1220] : memref<32768x1024xf32, #tpu.memory_space<hbm>> -> memref<8x1024xf32, #tpu.memory_space<hbm>>
        tpu.enqueue_dma source(%dma_start3A_1221 : memref<8x1024xf32, #tpu.memory_space<hbm>>) target(%dma_start3A_1219 : memref<8x1024xf32, #tpu.memory_space<vmem>>) target_semaphore(%arg12 : memref<!tpu.dma_semaphore, #tpu.memory_space<semaphore_mem>>)
        %dma_start3A_1222 = arith.constant 24 : i32
        %dma_start3A_1223 = arith.constant 0 : i32
        %dma_start3A_1224 = tpu.memref_slice %arg6[%dma_start3A_1222, %dma_start3A_1223] : memref<32x1024xf32, #tpu.memory_space<vmem>> -> memref<8x1024xf32, #tpu.memory_space<vmem>>
        %dma_start3A_1225 = arith.constant 0 : i32
        %dma_start3A_1226 = tpu.memref_slice %arg2[%add3A_1191, %dma_start3A_1225] : memref<32768x1024xf32, #tpu.memory_space<hbm>> -> memref<8x1024xf32, #tpu.memory_space<hbm>>
        %dma_start3A_1227 = arith.constant 24 : i32
        %dma_start3A_1228 = arith.constant 0 : i32
        %dma_start3A_1229 = tpu.memref_slice %arg6[%dma_start3A_1227, %dma_start3A_1228] : memref<32x1024xf32, #tpu.memory_space<vmem>> -> memref<8x1024xf32, #tpu.memory_space<vmem>>
        %dma_start3A_1230 = arith.constant 0 : i32
        %dma_start3A_1231 = tpu.memref_slice %arg2[%add3A_1191, %dma_start3A_1230] : memref<32768x1024xf32, #tpu.memory_space<hbm>> -> memref<8x1024xf32, #tpu.memory_space<hbm>>
        tpu.enqueue_dma source(%dma_start3A_1231 : memref<8x1024xf32, #tpu.memory_space<hbm>>) target(%dma_start3A_1229 : memref<8x1024xf32, #tpu.memory_space<vmem>>) target_semaphore(%arg12 : memref<!tpu.dma_semaphore, #tpu.memory_space<semaphore_mem>>)
      } else {
      }
      %mul3A_957 = arith.constant 3 : i32
      %mul3A_958 = arith.muli %mul3A_957, %scan3A_655 : i32
      %add3A_959 = arith.constant 1 : i32
      %add3A_960 = arith.addi %add3A_959, %mul3A_958 : i32
      %add3A_961 = arith.constant 2 : i32
      %add3A_962 = arith.addi %add3A_960, %add3A_961 : i32
      %mul3A_963 = arith.constant 8 : i32
      %mul3A_964 = arith.muli %add3A_962, %mul3A_963 : i32
      %add3A_965 = arith.addi %mul3A_2, %mul3A_964 : i32
      %dma_wait3A_966 = arith.constant 0 : i32
      %dma_wait3A_967 = tpu.memref_slice %arg3[%add3A_965, %dma_wait3A_966] : memref<8192x1024xf32, #tpu.memory_space<hbm>> -> memref<8x1024xf32, #tpu.memory_space<hbm>>
      %dma_wait3A_968 = arith.constant 0 : i32
      %dma_wait3A_969 = tpu.memref_slice %arg3[%add3A_965, %dma_wait3A_968] : memref<8192x1024xf32, #tpu.memory_space<hbm>> -> memref<8x1024xf32, #tpu.memory_space<hbm>>
      tpu.wait_dma2 semaphore(%arg17 : memref<!tpu.dma_semaphore, #tpu.memory_space<semaphore_mem>>) src(%dma_wait3A_969 : memref<8x1024xf32, #tpu.memory_space<hbm>>) dst(%arg8 : memref<8x1024xf32, #tpu.memory_space<vmem>>)
      %add3A_970 = arith.constant 1 : i32
      %add3A_971 = arith.addi %add3A_962, %add3A_970 : i32
      %mul3A_972 = arith.constant 8 : i32
      %mul3A_973 = arith.muli %add3A_971, %mul3A_972 : i32
      %add3A_974 = arith.addi %mul3A_2, %mul3A_973 : i32
      %dma_start3A_975 = arith.constant 0 : i32
      %dma_start3A_976 = tpu.memref_slice %arg3[%add3A_974, %dma_start3A_975] : memref<8192x1024xf32, #tpu.memory_space<hbm>> -> memref<8x1024xf32, #tpu.memory_space<hbm>>
      %dma_start3A_977 = arith.constant 0 : i32
      %dma_start3A_978 = tpu.memref_slice %arg3[%add3A_974, %dma_start3A_977] : memref<8192x1024xf32, #tpu.memory_space<hbm>> -> memref<8x1024xf32, #tpu.memory_space<hbm>>
      tpu.enqueue_dma source(%dma_start3A_978 : memref<8x1024xf32, #tpu.memory_space<hbm>>) target(%arg9 : memref<8x1024xf32, #tpu.memory_space<vmem>>) target_semaphore(%arg18 : memref<!tpu.dma_semaphore, #tpu.memory_space<semaphore_mem>>)
      %add3A_979 = arith.constant 0 : i32
      %add3A_980 = arith.addi %add3A_979, %mul3A_2 : i32
      %mul3A_981 = arith.constant 8 : i32
      %mul3A_982 = arith.muli %add3A_962, %mul3A_981 : i32
      %add3A_983 = arith.addi %add3A_980, %mul3A_982 : i32
      %add3A_984 = arith.constant 8192 : i32
      %add3A_985 = arith.addi %add3A_984, %mul3A_2 : i32
      %mul3A_986 = arith.constant 8 : i32
      %mul3A_987 = arith.muli %add3A_962, %mul3A_986 : i32
      %add3A_988 = arith.addi %add3A_985, %mul3A_987 : i32
      %add3A_989 = arith.constant 16384 : i32
      %add3A_990 = arith.addi %add3A_989, %mul3A_2 : i32
      %mul3A_991 = arith.constant 8 : i32
      %mul3A_992 = arith.muli %add3A_962, %mul3A_991 : i32
      %add3A_993 = arith.addi %add3A_990, %mul3A_992 : i32
      %add3A_994 = arith.constant 24576 : i32
      %add3A_995 = arith.addi %add3A_994, %mul3A_2 : i32
      %mul3A_996 = arith.constant 8 : i32
      %mul3A_997 = arith.muli %add3A_962, %mul3A_996 : i32
      %add3A_998 = arith.addi %add3A_995, %mul3A_997 : i32
      %dma_wait3A_999 = arith.constant 0 : i32
      %dma_wait3A_1000 = arith.constant 0 : i32
      %dma_wait3A_1001 = tpu.memref_slice %arg5[%dma_wait3A_999, %dma_wait3A_1000] : memref<32x1024xf32, #tpu.memory_space<vmem>> -> memref<8x1024xf32, #tpu.memory_space<vmem>>
      %dma_wait3A_1002 = arith.constant 0 : i32
      %dma_wait3A_1003 = tpu.memref_slice %arg2[%add3A_983, %dma_wait3A_1002] : memref<32768x1024xf32, #tpu.memory_space<hbm>> -> memref<8x1024xf32, #tpu.memory_space<hbm>>
      %dma_wait3A_1004 = arith.constant 0 : i32
      %dma_wait3A_1005 = arith.constant 0 : i32
      %dma_wait3A_1006 = tpu.memref_slice %arg5[%dma_wait3A_1004, %dma_wait3A_1005] : memref<32x1024xf32, #tpu.memory_space<vmem>> -> memref<8x1024xf32, #tpu.memory_space<vmem>>
      %dma_wait3A_1007 = arith.constant 0 : i32
      %dma_wait3A_1008 = tpu.memref_slice %arg2[%add3A_983, %dma_wait3A_1007] : memref<32768x1024xf32, #tpu.memory_space<hbm>> -> memref<8x1024xf32, #tpu.memory_space<hbm>>
      tpu.wait_dma2 semaphore(%arg11 : memref<!tpu.dma_semaphore, #tpu.memory_space<semaphore_mem>>) src(%dma_wait3A_1008 : memref<8x1024xf32, #tpu.memory_space<hbm>>) dst(%dma_wait3A_1006 : memref<8x1024xf32, #tpu.memory_space<vmem>>)
      %dma_wait3A_1009 = arith.constant 8 : i32
      %dma_wait3A_1010 = arith.constant 0 : i32
      %dma_wait3A_1011 = tpu.memref_slice %arg5[%dma_wait3A_1009, %dma_wait3A_1010] : memref<32x1024xf32, #tpu.memory_space<vmem>> -> memref<8x1024xf32, #tpu.memory_space<vmem>>
      %dma_wait3A_1012 = arith.constant 0 : i32
      %dma_wait3A_1013 = tpu.memref_slice %arg2[%add3A_988, %dma_wait3A_1012] : memref<32768x1024xf32, #tpu.memory_space<hbm>> -> memref<8x1024xf32, #tpu.memory_space<hbm>>
      %dma_wait3A_1014 = arith.constant 8 : i32
      %dma_wait3A_1015 = arith.constant 0 : i32
      %dma_wait3A_1016 = tpu.memref_slice %arg5[%dma_wait3A_1014, %dma_wait3A_1015] : memref<32x1024xf32, #tpu.memory_space<vmem>> -> memref<8x1024xf32, #tpu.memory_space<vmem>>
      %dma_wait3A_1017 = arith.constant 0 : i32
      %dma_wait3A_1018 = tpu.memref_slice %arg2[%add3A_988, %dma_wait3A_1017] : memref<32768x1024xf32, #tpu.memory_space<hbm>> -> memref<8x1024xf32, #tpu.memory_space<hbm>>
      tpu.wait_dma2 semaphore(%arg11 : memref<!tpu.dma_semaphore, #tpu.memory_space<semaphore_mem>>) src(%dma_wait3A_1018 : memref<8x1024xf32, #tpu.memory_space<hbm>>) dst(%dma_wait3A_1016 : memref<8x1024xf32, #tpu.memory_space<vmem>>)
      %dma_wait3A_1019 = arith.constant 16 : i32
      %dma_wait3A_1020 = arith.constant 0 : i32
      %dma_wait3A_1021 = tpu.memref_slice %arg5[%dma_wait3A_1019, %dma_wait3A_1020] : memref<32x1024xf32, #tpu.memory_space<vmem>> -> memref<8x1024xf32, #tpu.memory_space<vmem>>
      %dma_wait3A_1022 = arith.constant 0 : i32
      %dma_wait3A_1023 = tpu.memref_slice %arg2[%add3A_993, %dma_wait3A_1022] : memref<32768x1024xf32, #tpu.memory_space<hbm>> -> memref<8x1024xf32, #tpu.memory_space<hbm>>
      %dma_wait3A_1024 = arith.constant 16 : i32
      %dma_wait3A_1025 = arith.constant 0 : i32
      %dma_wait3A_1026 = tpu.memref_slice %arg5[%dma_wait3A_1024, %dma_wait3A_1025] : memref<32x1024xf32, #tpu.memory_space<vmem>> -> memref<8x1024xf32, #tpu.memory_space<vmem>>
      %dma_wait3A_1027 = arith.constant 0 : i32
      %dma_wait3A_1028 = tpu.memref_slice %arg2[%add3A_993, %dma_wait3A_1027] : memref<32768x1024xf32, #tpu.memory_space<hbm>> -> memref<8x1024xf32, #tpu.memory_space<hbm>>
      tpu.wait_dma2 semaphore(%arg11 : memref<!tpu.dma_semaphore, #tpu.memory_space<semaphore_mem>>) src(%dma_wait3A_1028 : memref<8x1024xf32, #tpu.memory_space<hbm>>) dst(%dma_wait3A_1026 : memref<8x1024xf32, #tpu.memory_space<vmem>>)
      %dma_wait3A_1029 = arith.constant 24 : i32
      %dma_wait3A_1030 = arith.constant 0 : i32
      %dma_wait3A_1031 = tpu.memref_slice %arg5[%dma_wait3A_1029, %dma_wait3A_1030] : memref<32x1024xf32, #tpu.memory_space<vmem>> -> memref<8x1024xf32, #tpu.memory_space<vmem>>
      %dma_wait3A_1032 = arith.constant 0 : i32
      %dma_wait3A_1033 = tpu.memref_slice %arg2[%add3A_998, %dma_wait3A_1032] : memref<32768x1024xf32, #tpu.memory_space<hbm>> -> memref<8x1024xf32, #tpu.memory_space<hbm>>
      %dma_wait3A_1034 = arith.constant 24 : i32
      %dma_wait3A_1035 = arith.constant 0 : i32
      %dma_wait3A_1036 = tpu.memref_slice %arg5[%dma_wait3A_1034, %dma_wait3A_1035] : memref<32x1024xf32, #tpu.memory_space<vmem>> -> memref<8x1024xf32, #tpu.memory_space<vmem>>
      %dma_wait3A_1037 = arith.constant 0 : i32
      %dma_wait3A_1038 = tpu.memref_slice %arg2[%add3A_998, %dma_wait3A_1037] : memref<32768x1024xf32, #tpu.memory_space<hbm>> -> memref<8x1024xf32, #tpu.memory_space<hbm>>
      tpu.wait_dma2 semaphore(%arg11 : memref<!tpu.dma_semaphore, #tpu.memory_space<semaphore_mem>>) src(%dma_wait3A_1038 : memref<8x1024xf32, #tpu.memory_space<hbm>>) dst(%dma_wait3A_1036 : memref<8x1024xf32, #tpu.memory_space<vmem>>)
      %parallel_loop3A_1039 = arith.constant 0 : i32
      %parallel_loop3A_1040 = arith.constant 8192 : i32
      %parallel_loop3A_1041 = arith.constant 16 : i32
      scf.for %parallel_loop3A_1109 = %parallel_loop3A_1039 to %parallel_loop3A_1040 step %parallel_loop3A_1041  : i32 {
        %parallel_loop3A_1110 = arith.constant 1024 : i32
        %parallel_loop3A_1111 = arith.divsi %parallel_loop3A_1109, %parallel_loop3A_1110 : i32
        %parallel_loop3A_1112 = arith.constant 0 : i32
        %parallel_loop3A_1113 = arith.cmpi sgt, %parallel_loop3A_1109, %parallel_loop3A_1112 : i32
        %parallel_loop3A_1114 = arith.extui %parallel_loop3A_1113 : i1 to i32
        %parallel_loop3A_1115 = arith.constant 0 : i32
        %parallel_loop3A_1116 = arith.cmpi slt, %parallel_loop3A_1109, %parallel_loop3A_1115 : i32
        %parallel_loop3A_1117 = arith.extui %parallel_loop3A_1116 : i1 to i32
        %parallel_loop3A_1118 = arith.subi %parallel_loop3A_1114, %parallel_loop3A_1117 : i32
        %parallel_loop3A_1119 = arith.constant 0 : i32
        %parallel_loop3A_1120 = arith.cmpi sgt, %parallel_loop3A_1110, %parallel_loop3A_1119 : i32
        %parallel_loop3A_1121 = arith.extui %parallel_loop3A_1120 : i1 to i32
        %parallel_loop3A_1122 = arith.constant 0 : i32
        %parallel_loop3A_1123 = arith.cmpi slt, %parallel_loop3A_1110, %parallel_loop3A_1122 : i32
        %parallel_loop3A_1124 = arith.extui %parallel_loop3A_1123 : i1 to i32
        %parallel_loop3A_1125 = arith.subi %parallel_loop3A_1121, %parallel_loop3A_1124 : i32
        %parallel_loop3A_1126 = arith.cmpi ne, %parallel_loop3A_1118, %parallel_loop3A_1125 : i32
        %parallel_loop3A_1127 = arith.remsi %parallel_loop3A_1109, %parallel_loop3A_1110 : i32
        %parallel_loop3A_1128 = arith.constant 0 : i32
        %parallel_loop3A_1129 = arith.cmpi ne, %parallel_loop3A_1127, %parallel_loop3A_1128 : i32
        %parallel_loop3A_1130 = arith.andi %parallel_loop3A_1126, %parallel_loop3A_1129 : i1
        %parallel_loop3A_1131 = arith.constant 1 : i32
        %parallel_loop3A_1132 = arith.subi %parallel_loop3A_1111, %parallel_loop3A_1131 : i32
        %parallel_loop3A_1133 = arith.select %parallel_loop3A_1130, %parallel_loop3A_1132, %parallel_loop3A_1111 : i32
        %parallel_loop3A_1134 = arith.constant 1024 : i32
        %parallel_loop3A_1135 = arith.constant 0 : i32
        %parallel_loop3A_1136 = arith.cmpi eq, %parallel_loop3A_1134, %parallel_loop3A_1135 : i32
        %parallel_loop3A_1137 = arith.constant 1 : i32
        %parallel_loop3A_1138 = arith.select %parallel_loop3A_1136, %parallel_loop3A_1137, %parallel_loop3A_1134 : i32
        %parallel_loop3A_1139 = arith.remsi %parallel_loop3A_1109, %parallel_loop3A_1138 : i32
        %parallel_loop3A_1140 = arith.constant 0 : i32
        %parallel_loop3A_1141 = arith.cmpi ne, %parallel_loop3A_1139, %parallel_loop3A_1140 : i32
        %parallel_loop3A_1142 = arith.constant 0 : i32
        %parallel_loop3A_1143 = arith.cmpi slt, %parallel_loop3A_1139, %parallel_loop3A_1142 : i32
        %parallel_loop3A_1144 = arith.constant 0 : i32
        %parallel_loop3A_1145 = arith.cmpi slt, %parallel_loop3A_1138, %parallel_loop3A_1144 : i32
        %parallel_loop3A_1146 = arith.xori %parallel_loop3A_1143, %parallel_loop3A_1145 : i1
        %parallel_loop3A_1147 = arith.andi %parallel_loop3A_1146, %parallel_loop3A_1141 : i1
        %parallel_loop3A_1148 = arith.addi %parallel_loop3A_1139, %parallel_loop3A_1138 : i32
        %parallel_loop3A_1149 = arith.select %parallel_loop3A_1147, %parallel_loop3A_1148, %parallel_loop3A_1139 : i32
        %parallel_loop3A_1150 = arith.index_cast %parallel_loop3A_1133 : i32 to index
        %parallel_loop3A_1151 = arith.index_cast %parallel_loop3A_1149 : i32 to index
        %parallel_loop3A_1152 = tpu.vector_load %arg8[%parallel_loop3A_1150, %parallel_loop3A_1151] {strides = array<i32>} : memref<8x1024xf32, #tpu.memory_space<vmem>>, vector<1x16xf32>,
        %parallel_loop3A_1153 = vector.shape_cast %parallel_loop3A_1152 : vector<1x16xf32> to vector<16xf32>
        %parallel_loop3A_1154 = arith.constant 0 : i32
        %parallel_loop3A_1155 = arith.addi %parallel_loop3A_1154, %parallel_loop3A_1133 : i32
        %parallel_loop3A_1156 = arith.index_cast %parallel_loop3A_1155 : i32 to index
        %parallel_loop3A_1157 = arith.index_cast %parallel_loop3A_1149 : i32 to index
        %parallel_loop3A_1158 = tpu.vector_load %arg5[%parallel_loop3A_1156, %parallel_loop3A_1157] {strides = array<i32>} : memref<32x1024xf32, #tpu.memory_space<vmem>>, vector<1x16xf32>,
        %parallel_loop3A_1159 = vector.shape_cast %parallel_loop3A_1158 : vector<1x16xf32> to vector<16xf32>
        %parallel_loop3A_1160 = vector.shape_cast %parallel_loop3A_1153 : vector<16xf32> to vector<1x16xf32>
        tpu.vector_store %arg5[%parallel_loop3A_1156, %parallel_loop3A_1157], %parallel_loop3A_1160 {add = true, strides = array<i32>} : memref<32x1024xf32, #tpu.memory_space<vmem>>, vector<1x16xf32>,
        %parallel_loop3A_1161 = arith.constant 8 : i32
        %parallel_loop3A_1162 = arith.addi %parallel_loop3A_1161, %parallel_loop3A_1133 : i32
        %parallel_loop3A_1163 = arith.index_cast %parallel_loop3A_1162 : i32 to index
        %parallel_loop3A_1164 = arith.index_cast %parallel_loop3A_1149 : i32 to index
        %parallel_loop3A_1165 = tpu.vector_load %arg5[%parallel_loop3A_1163, %parallel_loop3A_1164] {strides = array<i32>} : memref<32x1024xf32, #tpu.memory_space<vmem>>, vector<1x16xf32>,
        %parallel_loop3A_1166 = vector.shape_cast %parallel_loop3A_1165 : vector<1x16xf32> to vector<16xf32>
        %parallel_loop3A_1167 = vector.shape_cast %parallel_loop3A_1153 : vector<16xf32> to vector<1x16xf32>
        tpu.vector_store %arg5[%parallel_loop3A_1163, %parallel_loop3A_1164], %parallel_loop3A_1167 {add = true, strides = array<i32>} : memref<32x1024xf32, #tpu.memory_space<vmem>>, vector<1x16xf32>,
        %parallel_loop3A_1168 = arith.constant 16 : i32
        %parallel_loop3A_1169 = arith.addi %parallel_loop3A_1168, %parallel_loop3A_1133 : i32
        %parallel_loop3A_1170 = arith.index_cast %parallel_loop3A_1169 : i32 to index
        %parallel_loop3A_1171 = arith.index_cast %parallel_loop3A_1149 : i32 to index
        %parallel_loop3A_1172 = tpu.vector_load %arg5[%parallel_loop3A_1170, %parallel_loop3A_1171] {strides = array<i32>} : memref<32x1024xf32, #tpu.memory_space<vmem>>, vector<1x16xf32>,
        %parallel_loop3A_1173 = vector.shape_cast %parallel_loop3A_1172 : vector<1x16xf32> to vector<16xf32>
        %parallel_loop3A_1174 = vector.shape_cast %parallel_loop3A_1153 : vector<16xf32> to vector<1x16xf32>
        tpu.vector_store %arg5[%parallel_loop3A_1170, %parallel_loop3A_1171], %parallel_loop3A_1174 {add = true, strides = array<i32>} : memref<32x1024xf32, #tpu.memory_space<vmem>>, vector<1x16xf32>,
        %parallel_loop3A_1175 = arith.constant 24 : i32
        %parallel_loop3A_1176 = arith.addi %parallel_loop3A_1175, %parallel_loop3A_1133 : i32
        %parallel_loop3A_1177 = arith.index_cast %parallel_loop3A_1176 : i32 to index
        %parallel_loop3A_1178 = arith.index_cast %parallel_loop3A_1149 : i32 to index
        %parallel_loop3A_1179 = tpu.vector_load %arg5[%parallel_loop3A_1177, %parallel_loop3A_1178] {strides = array<i32>} : memref<32x1024xf32, #tpu.memory_space<vmem>>, vector<1x16xf32>,
        %parallel_loop3A_1180 = vector.shape_cast %parallel_loop3A_1179 : vector<1x16xf32> to vector<16xf32>
        %parallel_loop3A_1181 = vector.shape_cast %parallel_loop3A_1153 : vector<16xf32> to vector<1x16xf32>
        tpu.vector_store %arg5[%parallel_loop3A_1177, %parallel_loop3A_1178], %parallel_loop3A_1181 {add = true, strides = array<i32>} : memref<32x1024xf32, #tpu.memory_space<vmem>>, vector<1x16xf32>,
      } {sc.loop_unroll_factor = 4 : i64, sc.parallel_access}
      %add3A_1042 = arith.constant 0 : i32
      %add3A_1043 = arith.addi %add3A_1042, %mul3A_2 : i32
      %mul3A_1044 = arith.constant 8 : i32
      %mul3A_1045 = arith.muli %add3A_962, %mul3A_1044 : i32
      %add3A_1046 = arith.addi %add3A_1043, %mul3A_1045 : i32
      %add3A_1047 = arith.constant 8192 : i32
      %add3A_1048 = arith.addi %add3A_1047, %mul3A_2 : i32
      %mul3A_1049 = arith.constant 8 : i32
      %mul3A_1050 = arith.muli %add3A_962, %mul3A_1049 : i32
      %add3A_1051 = arith.addi %add3A_1048, %mul3A_1050 : i32
      %add3A_1052 = arith.constant 16384 : i32
      %add3A_1053 = arith.addi %add3A_1052, %mul3A_2 : i32
      %mul3A_1054 = arith.constant 8 : i32
      %mul3A_1055 = arith.muli %add3A_962, %mul3A_1054 : i32
      %add3A_1056 = arith.addi %add3A_1053, %mul3A_1055 : i32
      %add3A_1057 = arith.constant 24576 : i32
      %add3A_1058 = arith.addi %add3A_1057, %mul3A_2 : i32
      %mul3A_1059 = arith.constant 8 : i32
      %mul3A_1060 = arith.muli %add3A_962, %mul3A_1059 : i32
      %add3A_1061 = arith.addi %add3A_1058, %mul3A_1060 : i32
      %dma_start3A_1062 = arith.constant 0 : i32
      %dma_start3A_1063 = arith.constant 0 : i32
      %dma_start3A_1064 = tpu.memref_slice %arg5[%dma_start3A_1062, %dma_start3A_1063] : memref<32x1024xf32, #tpu.memory_space<vmem>> -> memref<8x1024xf32, #tpu.memory_space<vmem>>
      %dma_start3A_1065 = arith.constant 0 : i32
      %dma_start3A_1066 = tpu.memref_slice %arg4[%add3A_1046, %dma_start3A_1065] : memref<32768x1024xf32, #tpu.memory_space<hbm>> -> memref<8x1024xf32, #tpu.memory_space<hbm>>
      %dma_start3A_1067 = arith.constant 0 : i32
      %dma_start3A_1068 = tpu.memref_slice %arg4[%add3A_1046, %dma_start3A_1067] : memref<32768x1024xf32, #tpu.memory_space<hbm>> -> memref<8x1024xf32, #tpu.memory_space<hbm>>
      %dma_start3A_1069 = arith.constant 0 : i32
      %dma_start3A_1070 = arith.constant 0 : i32
      %dma_start3A_1071 = tpu.memref_slice %arg5[%dma_start3A_1069, %dma_start3A_1070] : memref<32x1024xf32, #tpu.memory_space<vmem>> -> memref<8x1024xf32, #tpu.memory_space<vmem>>
      tpu.enqueue_dma source(%dma_start3A_1071 : memref<8x1024xf32, #tpu.memory_space<vmem>>) target(%dma_start3A_1068 : memref<8x1024xf32, #tpu.memory_space<hbm>>) target_semaphore(%arg14 : memref<!tpu.dma_semaphore, #tpu.memory_space<semaphore_mem>>)
      %dma_start3A_1072 = arith.constant 8 : i32
      %dma_start3A_1073 = arith.constant 0 : i32
      %dma_start3A_1074 = tpu.memref_slice %arg5[%dma_start3A_1072, %dma_start3A_1073] : memref<32x1024xf32, #tpu.memory_space<vmem>> -> memref<8x1024xf32, #tpu.memory_space<vmem>>
      %dma_start3A_1075 = arith.constant 0 : i32
      %dma_start3A_1076 = tpu.memref_slice %arg4[%add3A_1051, %dma_start3A_1075] : memref<32768x1024xf32, #tpu.memory_space<hbm>> -> memref<8x1024xf32, #tpu.memory_space<hbm>>
      %dma_start3A_1077 = arith.constant 0 : i32
      %dma_start3A_1078 = tpu.memref_slice %arg4[%add3A_1051, %dma_start3A_1077] : memref<32768x1024xf32, #tpu.memory_space<hbm>> -> memref<8x1024xf32, #tpu.memory_space<hbm>>
      %dma_start3A_1079 = arith.constant 8 : i32
      %dma_start3A_1080 = arith.constant 0 : i32
      %dma_start3A_1081 = tpu.memref_slice %arg5[%dma_start3A_1079, %dma_start3A_1080] : memref<32x1024xf32, #tpu.memory_space<vmem>> -> memref<8x1024xf32, #tpu.memory_space<vmem>>
      tpu.enqueue_dma source(%dma_start3A_1081 : memref<8x1024xf32, #tpu.memory_space<vmem>>) target(%dma_start3A_1078 : memref<8x1024xf32, #tpu.memory_space<hbm>>) target_semaphore(%arg14 : memref<!tpu.dma_semaphore, #tpu.memory_space<semaphore_mem>>)
      %dma_start3A_1082 = arith.constant 16 : i32
      %dma_start3A_1083 = arith.constant 0 : i32
      %dma_start3A_1084 = tpu.memref_slice %arg5[%dma_start3A_1082, %dma_start3A_1083] : memref<32x1024xf32, #tpu.memory_space<vmem>> -> memref<8x1024xf32, #tpu.memory_space<vmem>>
      %dma_start3A_1085 = arith.constant 0 : i32
      %dma_start3A_1086 = tpu.memref_slice %arg4[%add3A_1056, %dma_start3A_1085] : memref<32768x1024xf32, #tpu.memory_space<hbm>> -> memref<8x1024xf32, #tpu.memory_space<hbm>>
      %dma_start3A_1087 = arith.constant 0 : i32
      %dma_start3A_1088 = tpu.memref_slice %arg4[%add3A_1056, %dma_start3A_1087] : memref<32768x1024xf32, #tpu.memory_space<hbm>> -> memref<8x1024xf32, #tpu.memory_space<hbm>>
      %dma_start3A_1089 = arith.constant 16 : i32
      %dma_start3A_1090 = arith.constant 0 : i32
      %dma_start3A_1091 = tpu.memref_slice %arg5[%dma_start3A_1089, %dma_start3A_1090] : memref<32x1024xf32, #tpu.memory_space<vmem>> -> memref<8x1024xf32, #tpu.memory_space<vmem>>
      tpu.enqueue_dma source(%dma_start3A_1091 : memref<8x1024xf32, #tpu.memory_space<vmem>>) target(%dma_start3A_1088 : memref<8x1024xf32, #tpu.memory_space<hbm>>) target_semaphore(%arg14 : memref<!tpu.dma_semaphore, #tpu.memory_space<semaphore_mem>>)
      %dma_start3A_1092 = arith.constant 24 : i32
      %dma_start3A_1093 = arith.constant 0 : i32
      %dma_start3A_1094 = tpu.memref_slice %arg5[%dma_start3A_1092, %dma_start3A_1093] : memref<32x1024xf32, #tpu.memory_space<vmem>> -> memref<8x1024xf32, #tpu.memory_space<vmem>>
      %dma_start3A_1095 = arith.constant 0 : i32
      %dma_start3A_1096 = tpu.memref_slice %arg4[%add3A_1061, %dma_start3A_1095] : memref<32768x1024xf32, #tpu.memory_space<hbm>> -> memref<8x1024xf32, #tpu.memory_space<hbm>>
      %dma_start3A_1097 = arith.constant 0 : i32
      %dma_start3A_1098 = tpu.memref_slice %arg4[%add3A_1061, %dma_start3A_1097] : memref<32768x1024xf32, #tpu.memory_space<hbm>> -> memref<8x1024xf32, #tpu.memory_space<hbm>>
      %dma_start3A_1099 = arith.constant 24 : i32
      %dma_start3A_1100 = arith.constant 0 : i32
      %dma_start3A_1101 = tpu.memref_slice %arg5[%dma_start3A_1099, %dma_start3A_1100] : memref<32x1024xf32, #tpu.memory_space<vmem>> -> memref<8x1024xf32, #tpu.memory_space<vmem>>
      tpu.enqueue_dma source(%dma_start3A_1101 : memref<8x1024xf32, #tpu.memory_space<vmem>>) target(%dma_start3A_1098 : memref<8x1024xf32, #tpu.memory_space<hbm>>) target_semaphore(%arg14 : memref<!tpu.dma_semaphore, #tpu.memory_space<semaphore_mem>>)
      %add3A_1102 = arith.constant 2 : i32
      %add3A_1103 = arith.addi %add3A_962, %add3A_1102 : i32
      %lt3A_1104 = arith.constant 32 : i32
      %lt3A_1105 = arith.cmpi slt, %add3A_1103, %lt3A_1104 : i32
      %convert_element_type3A_1106 = arith.extui %lt3A_1105 : i1 to i32
      %cond3A_1107 = arith.constant 0 : i32
      %cond3A_1108 = arith.cmpi ne, %convert_element_type3A_1106, %cond3A_1107 : i32
      scf.if %cond3A_1108 {
        %sub3A = arith.constant 1 : i32
        %sub3A_1109 = arith.subi %add3A_962, %sub3A : i32
        %add3A_1110 = arith.constant 0 : i32
        %add3A_1111 = arith.addi %add3A_1110, %mul3A_2 : i32
        %mul3A_1112 = arith.constant 8 : i32
        %mul3A_1113 = arith.muli %sub3A_1109, %mul3A_1112 : i32
        %add3A_1114 = arith.addi %add3A_1111, %mul3A_1113 : i32
        %add3A_1115 = arith.constant 8192 : i32
        %add3A_1116 = arith.addi %add3A_1115, %mul3A_2 : i32
        %mul3A_1117 = arith.constant 8 : i32
        %mul3A_1118 = arith.muli %sub3A_1109, %mul3A_1117 : i32
        %add3A_1119 = arith.addi %add3A_1116, %mul3A_1118 : i32
        %add3A_1120 = arith.constant 16384 : i32
        %add3A_1121 = arith.addi %add3A_1120, %mul3A_2 : i32
        %mul3A_1122 = arith.constant 8 : i32
        %mul3A_1123 = arith.muli %sub3A_1109, %mul3A_1122 : i32
        %add3A_1124 = arith.addi %add3A_1121, %mul3A_1123 : i32
        %add3A_1125 = arith.constant 24576 : i32
        %add3A_1126 = arith.addi %add3A_1125, %mul3A_2 : i32
        %mul3A_1127 = arith.constant 8 : i32
        %mul3A_1128 = arith.muli %sub3A_1109, %mul3A_1127 : i32
        %add3A_1129 = arith.addi %add3A_1126, %mul3A_1128 : i32
        %dma_wait3A_1130 = arith.constant 0 : i32
        %dma_wait3A_1131 = arith.constant 0 : i32
        %dma_wait3A_1132 = tpu.memref_slice %arg7[%dma_wait3A_1130, %dma_wait3A_1131] : memref<32x1024xf32, #tpu.memory_space<vmem>> -> memref<8x1024xf32, #tpu.memory_space<vmem>>
        %dma_wait3A_1133 = arith.constant 0 : i32
        %dma_wait3A_1134 = tpu.memref_slice %arg4[%add3A_1114, %dma_wait3A_1133] : memref<32768x1024xf32, #tpu.memory_space<hbm>> -> memref<8x1024xf32, #tpu.memory_space<hbm>>
        %dma_wait3A_1135 = arith.constant 0 : i32
        %dma_wait3A_1136 = tpu.memref_slice %arg4[%add3A_1114, %dma_wait3A_1135] : memref<32768x1024xf32, #tpu.memory_space<hbm>> -> memref<8x1024xf32, #tpu.memory_space<hbm>>
        %dma_wait3A_1137 = arith.constant 0 : i32
        %dma_wait3A_1138 = arith.constant 0 : i32
        %dma_wait3A_1139 = tpu.memref_slice %arg7[%dma_wait3A_1137, %dma_wait3A_1138] : memref<32x1024xf32, #tpu.memory_space<vmem>> -> memref<8x1024xf32, #tpu.memory_space<vmem>>
        tpu.wait_dma2 semaphore(%arg16 : memref<!tpu.dma_semaphore, #tpu.memory_space<semaphore_mem>>) src(%dma_wait3A_1139 : memref<8x1024xf32, #tpu.memory_space<vmem>>) dst(%dma_wait3A_1136 : memref<8x1024xf32, #tpu.memory_space<hbm>>)
        %dma_wait3A_1140 = arith.constant 8 : i32
        %dma_wait3A_1141 = arith.constant 0 : i32
        %dma_wait3A_1142 = tpu.memref_slice %arg7[%dma_wait3A_1140, %dma_wait3A_1141] : memref<32x1024xf32, #tpu.memory_space<vmem>> -> memref<8x1024xf32, #tpu.memory_space<vmem>>
        %dma_wait3A_1143 = arith.constant 0 : i32
        %dma_wait3A_1144 = tpu.memref_slice %arg4[%add3A_1119, %dma_wait3A_1143] : memref<32768x1024xf32, #tpu.memory_space<hbm>> -> memref<8x1024xf32, #tpu.memory_space<hbm>>
        %dma_wait3A_1145 = arith.constant 0 : i32
        %dma_wait3A_1146 = tpu.memref_slice %arg4[%add3A_1119, %dma_wait3A_1145] : memref<32768x1024xf32, #tpu.memory_space<hbm>> -> memref<8x1024xf32, #tpu.memory_space<hbm>>
        %dma_wait3A_1147 = arith.constant 8 : i32
        %dma_wait3A_1148 = arith.constant 0 : i32
        %dma_wait3A_1149 = tpu.memref_slice %arg7[%dma_wait3A_1147, %dma_wait3A_1148] : memref<32x1024xf32, #tpu.memory_space<vmem>> -> memref<8x1024xf32, #tpu.memory_space<vmem>>
        tpu.wait_dma2 semaphore(%arg16 : memref<!tpu.dma_semaphore, #tpu.memory_space<semaphore_mem>>) src(%dma_wait3A_1149 : memref<8x1024xf32, #tpu.memory_space<vmem>>) dst(%dma_wait3A_1146 : memref<8x1024xf32, #tpu.memory_space<hbm>>)
        %dma_wait3A_1150 = arith.constant 16 : i32
        %dma_wait3A_1151 = arith.constant 0 : i32
        %dma_wait3A_1152 = tpu.memref_slice %arg7[%dma_wait3A_1150, %dma_wait3A_1151] : memref<32x1024xf32, #tpu.memory_space<vmem>> -> memref<8x1024xf32, #tpu.memory_space<vmem>>
        %dma_wait3A_1153 = arith.constant 0 : i32
        %dma_wait3A_1154 = tpu.memref_slice %arg4[%add3A_1124, %dma_wait3A_1153] : memref<32768x1024xf32, #tpu.memory_space<hbm>> -> memref<8x1024xf32, #tpu.memory_space<hbm>>
        %dma_wait3A_1155 = arith.constant 0 : i32
        %dma_wait3A_1156 = tpu.memref_slice %arg4[%add3A_1124, %dma_wait3A_1155] : memref<32768x1024xf32, #tpu.memory_space<hbm>> -> memref<8x1024xf32, #tpu.memory_space<hbm>>
        %dma_wait3A_1157 = arith.constant 16 : i32
        %dma_wait3A_1158 = arith.constant 0 : i32
        %dma_wait3A_1159 = tpu.memref_slice %arg7[%dma_wait3A_1157, %dma_wait3A_1158] : memref<32x1024xf32, #tpu.memory_space<vmem>> -> memref<8x1024xf32, #tpu.memory_space<vmem>>
        tpu.wait_dma2 semaphore(%arg16 : memref<!tpu.dma_semaphore, #tpu.memory_space<semaphore_mem>>) src(%dma_wait3A_1159 : memref<8x1024xf32, #tpu.memory_space<vmem>>) dst(%dma_wait3A_1156 : memref<8x1024xf32, #tpu.memory_space<hbm>>)
        %dma_wait3A_1160 = arith.constant 24 : i32
        %dma_wait3A_1161 = arith.constant 0 : i32
        %dma_wait3A_1162 = tpu.memref_slice %arg7[%dma_wait3A_1160, %dma_wait3A_1161] : memref<32x1024xf32, #tpu.memory_space<vmem>> -> memref<8x1024xf32, #tpu.memory_space<vmem>>
        %dma_wait3A_1163 = arith.constant 0 : i32
        %dma_wait3A_1164 = tpu.memref_slice %arg4[%add3A_1129, %dma_wait3A_1163] : memref<32768x1024xf32, #tpu.memory_space<hbm>> -> memref<8x1024xf32, #tpu.memory_space<hbm>>
        %dma_wait3A_1165 = arith.constant 0 : i32
        %dma_wait3A_1166 = tpu.memref_slice %arg4[%add3A_1129, %dma_wait3A_1165] : memref<32768x1024xf32, #tpu.memory_space<hbm>> -> memref<8x1024xf32, #tpu.memory_space<hbm>>
        %dma_wait3A_1167 = arith.constant 24 : i32
        %dma_wait3A_1168 = arith.constant 0 : i32
        %dma_wait3A_1169 = tpu.memref_slice %arg7[%dma_wait3A_1167, %dma_wait3A_1168] : memref<32x1024xf32, #tpu.memory_space<vmem>> -> memref<8x1024xf32, #tpu.memory_space<vmem>>
        tpu.wait_dma2 semaphore(%arg16 : memref<!tpu.dma_semaphore, #tpu.memory_space<semaphore_mem>>) src(%dma_wait3A_1169 : memref<8x1024xf32, #tpu.memory_space<vmem>>) dst(%dma_wait3A_1166 : memref<8x1024xf32, #tpu.memory_space<hbm>>)
        %add3A_1170 = arith.constant 2 : i32
        %add3A_1171 = arith.addi %add3A_962, %add3A_1170 : i32
        %add3A_1172 = arith.constant 0 : i32
        %add3A_1173 = arith.addi %add3A_1172, %mul3A_2 : i32
        %mul3A_1174 = arith.constant 8 : i32
        %mul3A_1175 = arith.muli %add3A_1171, %mul3A_1174 : i32
        %add3A_1176 = arith.addi %add3A_1173, %mul3A_1175 : i32
        %add3A_1177 = arith.constant 8192 : i32
        %add3A_1178 = arith.addi %add3A_1177, %mul3A_2 : i32
        %mul3A_1179 = arith.constant 8 : i32
        %mul3A_1180 = arith.muli %add3A_1171, %mul3A_1179 : i32
        %add3A_1181 = arith.addi %add3A_1178, %mul3A_1180 : i32
        %add3A_1182 = arith.constant 16384 : i32
        %add3A_1183 = arith.addi %add3A_1182, %mul3A_2 : i32
        %mul3A_1184 = arith.constant 8 : i32
        %mul3A_1185 = arith.muli %add3A_1171, %mul3A_1184 : i32
        %add3A_1186 = arith.addi %add3A_1183, %mul3A_1185 : i32
        %add3A_1187 = arith.constant 24576 : i32
        %add3A_1188 = arith.addi %add3A_1187, %mul3A_2 : i32
        %mul3A_1189 = arith.constant 8 : i32
        %mul3A_1190 = arith.muli %add3A_1171, %mul3A_1189 : i32
        %add3A_1191 = arith.addi %add3A_1188, %mul3A_1190 : i32
        %dma_start3A_1192 = arith.constant 0 : i32
        %dma_start3A_1193 = arith.constant 0 : i32
        %dma_start3A_1194 = tpu.memref_slice %arg7[%dma_start3A_1192, %dma_start3A_1193] : memref<32x1024xf32, #tpu.memory_space<vmem>> -> memref<8x1024xf32, #tpu.memory_space<vmem>>
        %dma_start3A_1195 = arith.constant 0 : i32
        %dma_start3A_1196 = tpu.memref_slice %arg2[%add3A_1176, %dma_start3A_1195] : memref<32768x1024xf32, #tpu.memory_space<hbm>> -> memref<8x1024xf32, #tpu.memory_space<hbm>>
        %dma_start3A_1197 = arith.constant 0 : i32
        %dma_start3A_1198 = arith.constant 0 : i32
        %dma_start3A_1199 = tpu.memref_slice %arg7[%dma_start3A_1197, %dma_start3A_1198] : memref<32x1024xf32, #tpu.memory_space<vmem>> -> memref<8x1024xf32, #tpu.memory_space<vmem>>
        %dma_start3A_1200 = arith.constant 0 : i32
        %dma_start3A_1201 = tpu.memref_slice %arg2[%add3A_1176, %dma_start3A_1200] : memref<32768x1024xf32, #tpu.memory_space<hbm>> -> memref<8x1024xf32, #tpu.memory_space<hbm>>
        tpu.enqueue_dma source(%dma_start3A_1201 : memref<8x1024xf32, #tpu.memory_space<hbm>>) target(%dma_start3A_1199 : memref<8x1024xf32, #tpu.memory_space<vmem>>) target_semaphore(%arg13 : memref<!tpu.dma_semaphore, #tpu.memory_space<semaphore_mem>>)
        %dma_start3A_1202 = arith.constant 8 : i32
        %dma_start3A_1203 = arith.constant 0 : i32
        %dma_start3A_1204 = tpu.memref_slice %arg7[%dma_start3A_1202, %dma_start3A_1203] : memref<32x1024xf32, #tpu.memory_space<vmem>> -> memref<8x1024xf32, #tpu.memory_space<vmem>>
        %dma_start3A_1205 = arith.constant 0 : i32
        %dma_start3A_1206 = tpu.memref_slice %arg2[%add3A_1181, %dma_start3A_1205] : memref<32768x1024xf32, #tpu.memory_space<hbm>> -> memref<8x1024xf32, #tpu.memory_space<hbm>>
        %dma_start3A_1207 = arith.constant 8 : i32
        %dma_start3A_1208 = arith.constant 0 : i32
        %dma_start3A_1209 = tpu.memref_slice %arg7[%dma_start3A_1207, %dma_start3A_1208] : memref<32x1024xf32, #tpu.memory_space<vmem>> -> memref<8x1024xf32, #tpu.memory_space<vmem>>
        %dma_start3A_1210 = arith.constant 0 : i32
        %dma_start3A_1211 = tpu.memref_slice %arg2[%add3A_1181, %dma_start3A_1210] : memref<32768x1024xf32, #tpu.memory_space<hbm>> -> memref<8x1024xf32, #tpu.memory_space<hbm>>
        tpu.enqueue_dma source(%dma_start3A_1211 : memref<8x1024xf32, #tpu.memory_space<hbm>>) target(%dma_start3A_1209 : memref<8x1024xf32, #tpu.memory_space<vmem>>) target_semaphore(%arg13 : memref<!tpu.dma_semaphore, #tpu.memory_space<semaphore_mem>>)
        %dma_start3A_1212 = arith.constant 16 : i32
        %dma_start3A_1213 = arith.constant 0 : i32
        %dma_start3A_1214 = tpu.memref_slice %arg7[%dma_start3A_1212, %dma_start3A_1213] : memref<32x1024xf32, #tpu.memory_space<vmem>> -> memref<8x1024xf32, #tpu.memory_space<vmem>>
        %dma_start3A_1215 = arith.constant 0 : i32
        %dma_start3A_1216 = tpu.memref_slice %arg2[%add3A_1186, %dma_start3A_1215] : memref<32768x1024xf32, #tpu.memory_space<hbm>> -> memref<8x1024xf32, #tpu.memory_space<hbm>>
        %dma_start3A_1217 = arith.constant 16 : i32
        %dma_start3A_1218 = arith.constant 0 : i32
        %dma_start3A_1219 = tpu.memref_slice %arg7[%dma_start3A_1217, %dma_start3A_1218] : memref<32x1024xf32, #tpu.memory_space<vmem>> -> memref<8x1024xf32, #tpu.memory_space<vmem>>
        %dma_start3A_1220 = arith.constant 0 : i32
        %dma_start3A_1221 = tpu.memref_slice %arg2[%add3A_1186, %dma_start3A_1220] : memref<32768x1024xf32, #tpu.memory_space<hbm>> -> memref<8x1024xf32, #tpu.memory_space<hbm>>
        tpu.enqueue_dma source(%dma_start3A_1221 : memref<8x1024xf32, #tpu.memory_space<hbm>>) target(%dma_start3A_1219 : memref<8x1024xf32, #tpu.memory_space<vmem>>) target_semaphore(%arg13 : memref<!tpu.dma_semaphore, #tpu.memory_space<semaphore_mem>>)
        %dma_start3A_1222 = arith.constant 24 : i32
        %dma_start3A_1223 = arith.constant 0 : i32
        %dma_start3A_1224 = tpu.memref_slice %arg7[%dma_start3A_1222, %dma_start3A_1223] : memref<32x1024xf32, #tpu.memory_space<vmem>> -> memref<8x1024xf32, #tpu.memory_space<vmem>>
        %dma_start3A_1225 = arith.constant 0 : i32
        %dma_start3A_1226 = tpu.memref_slice %arg2[%add3A_1191, %dma_start3A_1225] : memref<32768x1024xf32, #tpu.memory_space<hbm>> -> memref<8x1024xf32, #tpu.memory_space<hbm>>
        %dma_start3A_1227 = arith.constant 24 : i32
        %dma_start3A_1228 = arith.constant 0 : i32
        %dma_start3A_1229 = tpu.memref_slice %arg7[%dma_start3A_1227, %dma_start3A_1228] : memref<32x1024xf32, #tpu.memory_space<vmem>> -> memref<8x1024xf32, #tpu.memory_space<vmem>>
        %dma_start3A_1230 = arith.constant 0 : i32
        %dma_start3A_1231 = tpu.memref_slice %arg2[%add3A_1191, %dma_start3A_1230] : memref<32768x1024xf32, #tpu.memory_space<hbm>> -> memref<8x1024xf32, #tpu.memory_space<hbm>>
        tpu.enqueue_dma source(%dma_start3A_1231 : memref<8x1024xf32, #tpu.memory_space<hbm>>) target(%dma_start3A_1229 : memref<8x1024xf32, #tpu.memory_space<vmem>>) target_semaphore(%arg13 : memref<!tpu.dma_semaphore, #tpu.memory_space<semaphore_mem>>)
      } else {
      }
    }
    %scan3A_323 = arith.constant 10 : i32
    %mul3A_324 = arith.constant 31 : i32
    %mul3A_325 = arith.constant 8 : i32
    %mul3A_326 = arith.muli %mul3A_324, %mul3A_325 : i32
    %add3A_327 = arith.addi %mul3A_2, %mul3A_326 : i32
    %dma_wait3A_328 = arith.constant 0 : i32
    %dma_wait3A_329 = tpu.memref_slice %arg3[%add3A_327, %dma_wait3A_328] : memref<8192x1024xf32, #tpu.memory_space<hbm>> -> memref<8x1024xf32, #tpu.memory_space<hbm>>
    %dma_wait3A_330 = arith.constant 0 : i32
    %dma_wait3A_331 = tpu.memref_slice %arg3[%add3A_327, %dma_wait3A_330] : memref<8192x1024xf32, #tpu.memory_space<hbm>> -> memref<8x1024xf32, #tpu.memory_space<hbm>>
    tpu.wait_dma2 semaphore(%arg18 : memref<!tpu.dma_semaphore, #tpu.memory_space<semaphore_mem>>) src(%dma_wait3A_331 : memref<8x1024xf32, #tpu.memory_space<hbm>>) dst(%arg9 : memref<8x1024xf32, #tpu.memory_space<vmem>>)
    %add3A_332 = arith.constant 0 : i32
    %add3A_333 = arith.addi %add3A_332, %mul3A_2 : i32
    %mul3A_334 = arith.constant 31 : i32
    %mul3A_335 = arith.constant 8 : i32
    %mul3A_336 = arith.muli %mul3A_334, %mul3A_335 : i32
    %add3A_337 = arith.addi %add3A_333, %mul3A_336 : i32
    %add3A_338 = arith.constant 8192 : i32
    %add3A_339 = arith.addi %add3A_338, %mul3A_2 : i32
    %mul3A_340 = arith.constant 31 : i32
    %mul3A_341 = arith.constant 8 : i32
    %mul3A_342 = arith.muli %mul3A_340, %mul3A_341 : i32
    %add3A_343 = arith.addi %add3A_339, %mul3A_342 : i32
    %add3A_344 = arith.constant 16384 : i32
    %add3A_345 = arith.addi %add3A_344, %mul3A_2 : i32
    %mul3A_346 = arith.constant 31 : i32
    %mul3A_347 = arith.constant 8 : i32
    %mul3A_348 = arith.muli %mul3A_346, %mul3A_347 : i32
    %add3A_349 = arith.addi %add3A_345, %mul3A_348 : i32
    %add3A_350 = arith.constant 24576 : i32
    %add3A_351 = arith.addi %add3A_350, %mul3A_2 : i32
    %mul3A_352 = arith.constant 31 : i32
    %mul3A_353 = arith.constant 8 : i32
    %mul3A_354 = arith.muli %mul3A_352, %mul3A_353 : i32
    %add3A_355 = arith.addi %add3A_351, %mul3A_354 : i32
    %dma_wait3A_356 = arith.constant 0 : i32
    %dma_wait3A_357 = arith.constant 0 : i32
    %dma_wait3A_358 = tpu.memref_slice %arg6[%dma_wait3A_356, %dma_wait3A_357] : memref<32x1024xf32, #tpu.memory_space<vmem>> -> memref<8x1024xf32, #tpu.memory_space<vmem>>
    %dma_wait3A_359 = arith.constant 0 : i32
    %dma_wait3A_360 = tpu.memref_slice %arg2[%add3A_337, %dma_wait3A_359] : memref<32768x1024xf32, #tpu.memory_space<hbm>> -> memref<8x1024xf32, #tpu.memory_space<hbm>>
    %dma_wait3A_361 = arith.constant 0 : i32
    %dma_wait3A_362 = arith.constant 0 : i32
    %dma_wait3A_363 = tpu.memref_slice %arg6[%dma_wait3A_361, %dma_wait3A_362] : memref<32x1024xf32, #tpu.memory_space<vmem>> -> memref<8x1024xf32, #tpu.memory_space<vmem>>
    %dma_wait3A_364 = arith.constant 0 : i32
    %dma_wait3A_365 = tpu.memref_slice %arg2[%add3A_337, %dma_wait3A_364] : memref<32768x1024xf32, #tpu.memory_space<hbm>> -> memref<8x1024xf32, #tpu.memory_space<hbm>>
    tpu.wait_dma2 semaphore(%arg12 : memref<!tpu.dma_semaphore, #tpu.memory_space<semaphore_mem>>) src(%dma_wait3A_365 : memref<8x1024xf32, #tpu.memory_space<hbm>>) dst(%dma_wait3A_363 : memref<8x1024xf32, #tpu.memory_space<vmem>>)
    %dma_wait3A_366 = arith.constant 8 : i32
    %dma_wait3A_367 = arith.constant 0 : i32
    %dma_wait3A_368 = tpu.memref_slice %arg6[%dma_wait3A_366, %dma_wait3A_367] : memref<32x1024xf32, #tpu.memory_space<vmem>> -> memref<8x1024xf32, #tpu.memory_space<vmem>>
    %dma_wait3A_369 = arith.constant 0 : i32
    %dma_wait3A_370 = tpu.memref_slice %arg2[%add3A_343, %dma_wait3A_369] : memref<32768x1024xf32, #tpu.memory_space<hbm>> -> memref<8x1024xf32, #tpu.memory_space<hbm>>
    %dma_wait3A_371 = arith.constant 8 : i32
    %dma_wait3A_372 = arith.constant 0 : i32
    %dma_wait3A_373 = tpu.memref_slice %arg6[%dma_wait3A_371, %dma_wait3A_372] : memref<32x1024xf32, #tpu.memory_space<vmem>> -> memref<8x1024xf32, #tpu.memory_space<vmem>>
    %dma_wait3A_374 = arith.constant 0 : i32
    %dma_wait3A_375 = tpu.memref_slice %arg2[%add3A_343, %dma_wait3A_374] : memref<32768x1024xf32, #tpu.memory_space<hbm>> -> memref<8x1024xf32, #tpu.memory_space<hbm>>
    tpu.wait_dma2 semaphore(%arg12 : memref<!tpu.dma_semaphore, #tpu.memory_space<semaphore_mem>>) src(%dma_wait3A_375 : memref<8x1024xf32, #tpu.memory_space<hbm>>) dst(%dma_wait3A_373 : memref<8x1024xf32, #tpu.memory_space<vmem>>)
    %dma_wait3A_376 = arith.constant 16 : i32
    %dma_wait3A_377 = arith.constant 0 : i32
    %dma_wait3A_378 = tpu.memref_slice %arg6[%dma_wait3A_376, %dma_wait3A_377] : memref<32x1024xf32, #tpu.memory_space<vmem>> -> memref<8x1024xf32, #tpu.memory_space<vmem>>
    %dma_wait3A_379 = arith.constant 0 : i32
    %dma_wait3A_380 = tpu.memref_slice %arg2[%add3A_349, %dma_wait3A_379] : memref<32768x1024xf32, #tpu.memory_space<hbm>> -> memref<8x1024xf32, #tpu.memory_space<hbm>>
    %dma_wait3A_381 = arith.constant 16 : i32
    %dma_wait3A_382 = arith.constant 0 : i32
    %dma_wait3A_383 = tpu.memref_slice %arg6[%dma_wait3A_381, %dma_wait3A_382] : memref<32x1024xf32, #tpu.memory_space<vmem>> -> memref<8x1024xf32, #tpu.memory_space<vmem>>
    %dma_wait3A_384 = arith.constant 0 : i32
    %dma_wait3A_385 = tpu.memref_slice %arg2[%add3A_349, %dma_wait3A_384] : memref<32768x1024xf32, #tpu.memory_space<hbm>> -> memref<8x1024xf32, #tpu.memory_space<hbm>>
    tpu.wait_dma2 semaphore(%arg12 : memref<!tpu.dma_semaphore, #tpu.memory_space<semaphore_mem>>) src(%dma_wait3A_385 : memref<8x1024xf32, #tpu.memory_space<hbm>>) dst(%dma_wait3A_383 : memref<8x1024xf32, #tpu.memory_space<vmem>>)
    %dma_wait3A_386 = arith.constant 24 : i32
    %dma_wait3A_387 = arith.constant 0 : i32
    %dma_wait3A_388 = tpu.memref_slice %arg6[%dma_wait3A_386, %dma_wait3A_387] : memref<32x1024xf32, #tpu.memory_space<vmem>> -> memref<8x1024xf32, #tpu.memory_space<vmem>>
    %dma_wait3A_389 = arith.constant 0 : i32
    %dma_wait3A_390 = tpu.memref_slice %arg2[%add3A_355, %dma_wait3A_389] : memref<32768x1024xf32, #tpu.memory_space<hbm>> -> memref<8x1024xf32, #tpu.memory_space<hbm>>
    %dma_wait3A_391 = arith.constant 24 : i32
    %dma_wait3A_392 = arith.constant 0 : i32
    %dma_wait3A_393 = tpu.memref_slice %arg6[%dma_wait3A_391, %dma_wait3A_392] : memref<32x1024xf32, #tpu.memory_space<vmem>> -> memref<8x1024xf32, #tpu.memory_space<vmem>>
    %dma_wait3A_394 = arith.constant 0 : i32
    %dma_wait3A_395 = tpu.memref_slice %arg2[%add3A_355, %dma_wait3A_394] : memref<32768x1024xf32, #tpu.memory_space<hbm>> -> memref<8x1024xf32, #tpu.memory_space<hbm>>
    tpu.wait_dma2 semaphore(%arg12 : memref<!tpu.dma_semaphore, #tpu.memory_space<semaphore_mem>>) src(%dma_wait3A_395 : memref<8x1024xf32, #tpu.memory_space<hbm>>) dst(%dma_wait3A_393 : memref<8x1024xf32, #tpu.memory_space<vmem>>)
    %parallel_loop3A_396 = arith.constant 0 : i32
    %parallel_loop3A_397 = arith.constant 8192 : i32
    %parallel_loop3A_398 = arith.constant 16 : i32
    scf.for %parallel_loop3A_655 = %parallel_loop3A_396 to %parallel_loop3A_397 step %parallel_loop3A_398  : i32 {
      %parallel_loop3A_656 = arith.constant 1024 : i32
      %parallel_loop3A_657 = arith.divsi %parallel_loop3A_655, %parallel_loop3A_656 : i32
      %parallel_loop3A_658 = arith.constant 0 : i32
      %parallel_loop3A_659 = arith.cmpi sgt, %parallel_loop3A_655, %parallel_loop3A_658 : i32
      %parallel_loop3A_660 = arith.extui %parallel_loop3A_659 : i1 to i32
      %parallel_loop3A_661 = arith.constant 0 : i32
      %parallel_loop3A_662 = arith.cmpi slt, %parallel_loop3A_655, %parallel_loop3A_661 : i32
      %parallel_loop3A_663 = arith.extui %parallel_loop3A_662 : i1 to i32
      %parallel_loop3A_664 = arith.subi %parallel_loop3A_660, %parallel_loop3A_663 : i32
      %parallel_loop3A_665 = arith.constant 0 : i32
      %parallel_loop3A_666 = arith.cmpi sgt, %parallel_loop3A_656, %parallel_loop3A_665 : i32
      %parallel_loop3A_667 = arith.extui %parallel_loop3A_666 : i1 to i32
      %parallel_loop3A_668 = arith.constant 0 : i32
      %parallel_loop3A_669 = arith.cmpi slt, %parallel_loop3A_656, %parallel_loop3A_668 : i32
      %parallel_loop3A_670 = arith.extui %parallel_loop3A_669 : i1 to i32
      %parallel_loop3A_671 = arith.subi %parallel_loop3A_667, %parallel_loop3A_670 : i32
      %parallel_loop3A_672 = arith.cmpi ne, %parallel_loop3A_664, %parallel_loop3A_671 : i32
      %parallel_loop3A_673 = arith.remsi %parallel_loop3A_655, %parallel_loop3A_656 : i32
      %parallel_loop3A_674 = arith.constant 0 : i32
      %parallel_loop3A_675 = arith.cmpi ne, %parallel_loop3A_673, %parallel_loop3A_674 : i32
      %parallel_loop3A_676 = arith.andi %parallel_loop3A_672, %parallel_loop3A_675 : i1
      %parallel_loop3A_677 = arith.constant 1 : i32
      %parallel_loop3A_678 = arith.subi %parallel_loop3A_657, %parallel_loop3A_677 : i32
      %parallel_loop3A_679 = arith.select %parallel_loop3A_676, %parallel_loop3A_678, %parallel_loop3A_657 : i32
      %parallel_loop3A_680 = arith.constant 1024 : i32
      %parallel_loop3A_681 = arith.constant 0 : i32
      %parallel_loop3A_682 = arith.cmpi eq, %parallel_loop3A_680, %parallel_loop3A_681 : i32
      %parallel_loop3A_683 = arith.constant 1 : i32
      %parallel_loop3A_684 = arith.select %parallel_loop3A_682, %parallel_loop3A_683, %parallel_loop3A_680 : i32
      %parallel_loop3A_685 = arith.remsi %parallel_loop3A_655, %parallel_loop3A_684 : i32
      %parallel_loop3A_686 = arith.constant 0 : i32
      %parallel_loop3A_687 = arith.cmpi ne, %parallel_loop3A_685, %parallel_loop3A_686 : i32
      %parallel_loop3A_688 = arith.constant 0 : i32
      %parallel_loop3A_689 = arith.cmpi slt, %parallel_loop3A_685, %parallel_loop3A_688 : i32
      %parallel_loop3A_690 = arith.constant 0 : i32
      %parallel_loop3A_691 = arith.cmpi slt, %parallel_loop3A_684, %parallel_loop3A_690 : i32
      %parallel_loop3A_692 = arith.xori %parallel_loop3A_689, %parallel_loop3A_691 : i1
      %parallel_loop3A_693 = arith.andi %parallel_loop3A_692, %parallel_loop3A_687 : i1
      %parallel_loop3A_694 = arith.addi %parallel_loop3A_685, %parallel_loop3A_684 : i32
      %parallel_loop3A_695 = arith.select %parallel_loop3A_693, %parallel_loop3A_694, %parallel_loop3A_685 : i32
      %parallel_loop3A_696 = arith.index_cast %parallel_loop3A_679 : i32 to index
      %parallel_loop3A_697 = arith.index_cast %parallel_loop3A_695 : i32 to index
      %parallel_loop3A_698 = tpu.vector_load %arg9[%parallel_loop3A_696, %parallel_loop3A_697] {strides = array<i32>} : memref<8x1024xf32, #tpu.memory_space<vmem>>, vector<1x16xf32>,
      %parallel_loop3A_699 = vector.shape_cast %parallel_loop3A_698 : vector<1x16xf32> to vector<16xf32>
      %parallel_loop3A_700 = arith.constant 0 : i32
      %parallel_loop3A_701 = arith.addi %parallel_loop3A_700, %parallel_loop3A_679 : i32
      %parallel_loop3A_702 = arith.index_cast %parallel_loop3A_701 : i32 to index
      %parallel_loop3A_703 = arith.index_cast %parallel_loop3A_695 : i32 to index
      %parallel_loop3A_704 = tpu.vector_load %arg6[%parallel_loop3A_702, %parallel_loop3A_703] {strides = array<i32>} : memref<32x1024xf32, #tpu.memory_space<vmem>>, vector<1x16xf32>,
      %parallel_loop3A_705 = vector.shape_cast %parallel_loop3A_704 : vector<1x16xf32> to vector<16xf32>
      %parallel_loop3A_706 = vector.shape_cast %parallel_loop3A_699 : vector<16xf32> to vector<1x16xf32>
      tpu.vector_store %arg6[%parallel_loop3A_702, %parallel_loop3A_703], %parallel_loop3A_706 {add = true, strides = array<i32>} : memref<32x1024xf32, #tpu.memory_space<vmem>>, vector<1x16xf32>,
      %parallel_loop3A_707 = arith.constant 8 : i32
      %parallel_loop3A_708 = arith.addi %parallel_loop3A_707, %parallel_loop3A_679 : i32
      %parallel_loop3A_709 = arith.index_cast %parallel_loop3A_708 : i32 to index
      %parallel_loop3A_710 = arith.index_cast %parallel_loop3A_695 : i32 to index
      %parallel_loop3A_711 = tpu.vector_load %arg6[%parallel_loop3A_709, %parallel_loop3A_710] {strides = array<i32>} : memref<32x1024xf32, #tpu.memory_space<vmem>>, vector<1x16xf32>,
      %parallel_loop3A_712 = vector.shape_cast %parallel_loop3A_711 : vector<1x16xf32> to vector<16xf32>
      %parallel_loop3A_713 = vector.shape_cast %parallel_loop3A_699 : vector<16xf32> to vector<1x16xf32>
      tpu.vector_store %arg6[%parallel_loop3A_709, %parallel_loop3A_710], %parallel_loop3A_713 {add = true, strides = array<i32>} : memref<32x1024xf32, #tpu.memory_space<vmem>>, vector<1x16xf32>,
      %parallel_loop3A_714 = arith.constant 16 : i32
      %parallel_loop3A_715 = arith.addi %parallel_loop3A_714, %parallel_loop3A_679 : i32
      %parallel_loop3A_716 = arith.index_cast %parallel_loop3A_715 : i32 to index
      %parallel_loop3A_717 = arith.index_cast %parallel_loop3A_695 : i32 to index
      %parallel_loop3A_718 = tpu.vector_load %arg6[%parallel_loop3A_716, %parallel_loop3A_717] {strides = array<i32>} : memref<32x1024xf32, #tpu.memory_space<vmem>>, vector<1x16xf32>,
      %parallel_loop3A_719 = vector.shape_cast %parallel_loop3A_718 : vector<1x16xf32> to vector<16xf32>
      %parallel_loop3A_720 = vector.shape_cast %parallel_loop3A_699 : vector<16xf32> to vector<1x16xf32>
      tpu.vector_store %arg6[%parallel_loop3A_716, %parallel_loop3A_717], %parallel_loop3A_720 {add = true, strides = array<i32>} : memref<32x1024xf32, #tpu.memory_space<vmem>>, vector<1x16xf32>,
      %parallel_loop3A_721 = arith.constant 24 : i32
      %parallel_loop3A_722 = arith.addi %parallel_loop3A_721, %parallel_loop3A_679 : i32
      %parallel_loop3A_723 = arith.index_cast %parallel_loop3A_722 : i32 to index
      %parallel_loop3A_724 = arith.index_cast %parallel_loop3A_695 : i32 to index
      %parallel_loop3A_725 = tpu.vector_load %arg6[%parallel_loop3A_723, %parallel_loop3A_724] {strides = array<i32>} : memref<32x1024xf32, #tpu.memory_space<vmem>>, vector<1x16xf32>,
      %parallel_loop3A_726 = vector.shape_cast %parallel_loop3A_725 : vector<1x16xf32> to vector<16xf32>
      %parallel_loop3A_727 = vector.shape_cast %parallel_loop3A_699 : vector<16xf32> to vector<1x16xf32>
      tpu.vector_store %arg6[%parallel_loop3A_723, %parallel_loop3A_724], %parallel_loop3A_727 {add = true, strides = array<i32>} : memref<32x1024xf32, #tpu.memory_space<vmem>>, vector<1x16xf32>,
    } {sc.loop_unroll_factor = 4 : i64, sc.parallel_access}
    %add3A_399 = arith.constant 0 : i32
    %add3A_400 = arith.addi %add3A_399, %mul3A_2 : i32
    %mul3A_401 = arith.constant 31 : i32
    %mul3A_402 = arith.constant 8 : i32
    %mul3A_403 = arith.muli %mul3A_401, %mul3A_402 : i32
    %add3A_404 = arith.addi %add3A_400, %mul3A_403 : i32
    %add3A_405 = arith.constant 8192 : i32
    %add3A_406 = arith.addi %add3A_405, %mul3A_2 : i32
    %mul3A_407 = arith.constant 31 : i32
    %mul3A_408 = arith.constant 8 : i32
    %mul3A_409 = arith.muli %mul3A_407, %mul3A_408 : i32
    %add3A_410 = arith.addi %add3A_406, %mul3A_409 : i32
    %add3A_411 = arith.constant 16384 : i32
    %add3A_412 = arith.addi %add3A_411, %mul3A_2 : i32
    %mul3A_413 = arith.constant 31 : i32
    %mul3A_414 = arith.constant 8 : i32
    %mul3A_415 = arith.muli %mul3A_413, %mul3A_414 : i32
    %add3A_416 = arith.addi %add3A_412, %mul3A_415 : i32
    %add3A_417 = arith.constant 24576 : i32
    %add3A_418 = arith.addi %add3A_417, %mul3A_2 : i32
    %mul3A_419 = arith.constant 31 : i32
    %mul3A_420 = arith.constant 8 : i32
    %mul3A_421 = arith.muli %mul3A_419, %mul3A_420 : i32
    %add3A_422 = arith.addi %add3A_418, %mul3A_421 : i32
    %dma_start3A_423 = arith.constant 0 : i32
    %dma_start3A_424 = arith.constant 0 : i32
    %dma_start3A_425 = tpu.memref_slice %arg6[%dma_start3A_423, %dma_start3A_424] : memref<32x1024xf32, #tpu.memory_space<vmem>> -> memref<8x1024xf32, #tpu.memory_space<vmem>>
    %dma_start3A_426 = arith.constant 0 : i32
    %dma_start3A_427 = tpu.memref_slice %arg4[%add3A_404, %dma_start3A_426] : memref<32768x1024xf32, #tpu.memory_space<hbm>> -> memref<8x1024xf32, #tpu.memory_space<hbm>>
    %dma_start3A_428 = arith.constant 0 : i32
    %dma_start3A_429 = tpu.memref_slice %arg4[%add3A_404, %dma_start3A_428] : memref<32768x1024xf32, #tpu.memory_space<hbm>> -> memref<8x1024xf32, #tpu.memory_space<hbm>>
    %dma_start3A_430 = arith.constant 0 : i32
    %dma_start3A_431 = arith.constant 0 : i32
    %dma_start3A_432 = tpu.memref_slice %arg6[%dma_start3A_430, %dma_start3A_431] : memref<32x1024xf32, #tpu.memory_space<vmem>> -> memref<8x1024xf32, #tpu.memory_space<vmem>>
    tpu.enqueue_dma source(%dma_start3A_432 : memref<8x1024xf32, #tpu.memory_space<vmem>>) target(%dma_start3A_429 : memref<8x1024xf32, #tpu.memory_space<hbm>>) target_semaphore(%arg15 : memref<!tpu.dma_semaphore, #tpu.memory_space<semaphore_mem>>)
    %dma_start3A_433 = arith.constant 8 : i32
    %dma_start3A_434 = arith.constant 0 : i32
    %dma_start3A_435 = tpu.memref_slice %arg6[%dma_start3A_433, %dma_start3A_434] : memref<32x1024xf32, #tpu.memory_space<vmem>> -> memref<8x1024xf32, #tpu.memory_space<vmem>>
    %dma_start3A_436 = arith.constant 0 : i32
    %dma_start3A_437 = tpu.memref_slice %arg4[%add3A_410, %dma_start3A_436] : memref<32768x1024xf32, #tpu.memory_space<hbm>> -> memref<8x1024xf32, #tpu.memory_space<hbm>>
    %dma_start3A_438 = arith.constant 0 : i32
    %dma_start3A_439 = tpu.memref_slice %arg4[%add3A_410, %dma_start3A_438] : memref<32768x1024xf32, #tpu.memory_space<hbm>> -> memref<8x1024xf32, #tpu.memory_space<hbm>>
    %dma_start3A_440 = arith.constant 8 : i32
    %dma_start3A_441 = arith.constant 0 : i32
    %dma_start3A_442 = tpu.memref_slice %arg6[%dma_start3A_440, %dma_start3A_441] : memref<32x1024xf32, #tpu.memory_space<vmem>> -> memref<8x1024xf32, #tpu.memory_space<vmem>>
    tpu.enqueue_dma source(%dma_start3A_442 : memref<8x1024xf32, #tpu.memory_space<vmem>>) target(%dma_start3A_439 : memref<8x1024xf32, #tpu.memory_space<hbm>>) target_semaphore(%arg15 : memref<!tpu.dma_semaphore, #tpu.memory_space<semaphore_mem>>)
    %dma_start3A_443 = arith.constant 16 : i32
    %dma_start3A_444 = arith.constant 0 : i32
    %dma_start3A_445 = tpu.memref_slice %arg6[%dma_start3A_443, %dma_start3A_444] : memref<32x1024xf32, #tpu.memory_space<vmem>> -> memref<8x1024xf32, #tpu.memory_space<vmem>>
    %dma_start3A_446 = arith.constant 0 : i32
    %dma_start3A_447 = tpu.memref_slice %arg4[%add3A_416, %dma_start3A_446] : memref<32768x1024xf32, #tpu.memory_space<hbm>> -> memref<8x1024xf32, #tpu.memory_space<hbm>>
    %dma_start3A_448 = arith.constant 0 : i32
    %dma_start3A_449 = tpu.memref_slice %arg4[%add3A_416, %dma_start3A_448] : memref<32768x1024xf32, #tpu.memory_space<hbm>> -> memref<8x1024xf32, #tpu.memory_space<hbm>>
    %dma_start3A_450 = arith.constant 16 : i32
    %dma_start3A_451 = arith.constant 0 : i32
    %dma_start3A_452 = tpu.memref_slice %arg6[%dma_start3A_450, %dma_start3A_451] : memref<32x1024xf32, #tpu.memory_space<vmem>> -> memref<8x1024xf32, #tpu.memory_space<vmem>>
    tpu.enqueue_dma source(%dma_start3A_452 : memref<8x1024xf32, #tpu.memory_space<vmem>>) target(%dma_start3A_449 : memref<8x1024xf32, #tpu.memory_space<hbm>>) target_semaphore(%arg15 : memref<!tpu.dma_semaphore, #tpu.memory_space<semaphore_mem>>)
    %dma_start3A_453 = arith.constant 24 : i32
    %dma_start3A_454 = arith.constant 0 : i32
    %dma_start3A_455 = tpu.memref_slice %arg6[%dma_start3A_453, %dma_start3A_454] : memref<32x1024xf32, #tpu.memory_space<vmem>> -> memref<8x1024xf32, #tpu.memory_space<vmem>>
    %dma_start3A_456 = arith.constant 0 : i32
    %dma_start3A_457 = tpu.memref_slice %arg4[%add3A_422, %dma_start3A_456] : memref<32768x1024xf32, #tpu.memory_space<hbm>> -> memref<8x1024xf32, #tpu.memory_space<hbm>>
    %dma_start3A_458 = arith.constant 0 : i32
    %dma_start3A_459 = tpu.memref_slice %arg4[%add3A_422, %dma_start3A_458] : memref<32768x1024xf32, #tpu.memory_space<hbm>> -> memref<8x1024xf32, #tpu.memory_space<hbm>>
    %dma_start3A_460 = arith.constant 24 : i32
    %dma_start3A_461 = arith.constant 0 : i32
    %dma_start3A_462 = tpu.memref_slice %arg6[%dma_start3A_460, %dma_start3A_461] : memref<32x1024xf32, #tpu.memory_space<vmem>> -> memref<8x1024xf32, #tpu.memory_space<vmem>>
    tpu.enqueue_dma source(%dma_start3A_462 : memref<8x1024xf32, #tpu.memory_space<vmem>>) target(%dma_start3A_459 : memref<8x1024xf32, #tpu.memory_space<hbm>>) target_semaphore(%arg15 : memref<!tpu.dma_semaphore, #tpu.memory_space<semaphore_mem>>)
    %add3A_463 = arith.constant 0 : i32
    %add3A_464 = arith.addi %add3A_463, %mul3A_2 : i32
    %mul3A_465 = arith.constant 29 : i32
    %mul3A_466 = arith.constant 8 : i32
    %mul3A_467 = arith.muli %mul3A_465, %mul3A_466 : i32
    %add3A_468 = arith.addi %add3A_464, %mul3A_467 : i32
    %add3A_469 = arith.constant 8192 : i32
    %add3A_470 = arith.addi %add3A_469, %mul3A_2 : i32
    %mul3A_471 = arith.constant 29 : i32
    %mul3A_472 = arith.constant 8 : i32
    %mul3A_473 = arith.muli %mul3A_471, %mul3A_472 : i32
    %add3A_474 = arith.addi %add3A_470, %mul3A_473 : i32
    %add3A_475 = arith.constant 16384 : i32
    %add3A_476 = arith.addi %add3A_475, %mul3A_2 : i32
    %mul3A_477 = arith.constant 29 : i32
    %mul3A_478 = arith.constant 8 : i32
    %mul3A_479 = arith.muli %mul3A_477, %mul3A_478 : i32
    %add3A_480 = arith.addi %add3A_476, %mul3A_479 : i32
    %add3A_481 = arith.constant 24576 : i32
    %add3A_482 = arith.addi %add3A_481, %mul3A_2 : i32
    %mul3A_483 = arith.constant 29 : i32
    %mul3A_484 = arith.constant 8 : i32
    %mul3A_485 = arith.muli %mul3A_483, %mul3A_484 : i32
    %add3A_486 = arith.addi %add3A_482, %mul3A_485 : i32
    %dma_wait3A_487 = arith.constant 0 : i32
    %dma_wait3A_488 = arith.constant 0 : i32
    %dma_wait3A_489 = tpu.memref_slice %arg7[%dma_wait3A_487, %dma_wait3A_488] : memref<32x1024xf32, #tpu.memory_space<vmem>> -> memref<8x1024xf32, #tpu.memory_space<vmem>>
    %dma_wait3A_490 = arith.constant 0 : i32
    %dma_wait3A_491 = tpu.memref_slice %arg4[%add3A_468, %dma_wait3A_490] : memref<32768x1024xf32, #tpu.memory_space<hbm>> -> memref<8x1024xf32, #tpu.memory_space<hbm>>
    %dma_wait3A_492 = arith.constant 0 : i32
    %dma_wait3A_493 = tpu.memref_slice %arg4[%add3A_468, %dma_wait3A_492] : memref<32768x1024xf32, #tpu.memory_space<hbm>> -> memref<8x1024xf32, #tpu.memory_space<hbm>>
    %dma_wait3A_494 = arith.constant 0 : i32
    %dma_wait3A_495 = arith.constant 0 : i32
    %dma_wait3A_496 = tpu.memref_slice %arg7[%dma_wait3A_494, %dma_wait3A_495] : memref<32x1024xf32, #tpu.memory_space<vmem>> -> memref<8x1024xf32, #tpu.memory_space<vmem>>
    tpu.wait_dma2 semaphore(%arg16 : memref<!tpu.dma_semaphore, #tpu.memory_space<semaphore_mem>>) src(%dma_wait3A_496 : memref<8x1024xf32, #tpu.memory_space<vmem>>) dst(%dma_wait3A_493 : memref<8x1024xf32, #tpu.memory_space<hbm>>)
    %dma_wait3A_497 = arith.constant 8 : i32
    %dma_wait3A_498 = arith.constant 0 : i32
    %dma_wait3A_499 = tpu.memref_slice %arg7[%dma_wait3A_497, %dma_wait3A_498] : memref<32x1024xf32, #tpu.memory_space<vmem>> -> memref<8x1024xf32, #tpu.memory_space<vmem>>
    %dma_wait3A_500 = arith.constant 0 : i32
    %dma_wait3A_501 = tpu.memref_slice %arg4[%add3A_474, %dma_wait3A_500] : memref<32768x1024xf32, #tpu.memory_space<hbm>> -> memref<8x1024xf32, #tpu.memory_space<hbm>>
    %dma_wait3A_502 = arith.constant 0 : i32
    %dma_wait3A_503 = tpu.memref_slice %arg4[%add3A_474, %dma_wait3A_502] : memref<32768x1024xf32, #tpu.memory_space<hbm>> -> memref<8x1024xf32, #tpu.memory_space<hbm>>
    %dma_wait3A_504 = arith.constant 8 : i32
    %dma_wait3A_505 = arith.constant 0 : i32
    %dma_wait3A_506 = tpu.memref_slice %arg7[%dma_wait3A_504, %dma_wait3A_505] : memref<32x1024xf32, #tpu.memory_space<vmem>> -> memref<8x1024xf32, #tpu.memory_space<vmem>>
    tpu.wait_dma2 semaphore(%arg16 : memref<!tpu.dma_semaphore, #tpu.memory_space<semaphore_mem>>) src(%dma_wait3A_506 : memref<8x1024xf32, #tpu.memory_space<vmem>>) dst(%dma_wait3A_503 : memref<8x1024xf32, #tpu.memory_space<hbm>>)
    %dma_wait3A_507 = arith.constant 16 : i32
    %dma_wait3A_508 = arith.constant 0 : i32
    %dma_wait3A_509 = tpu.memref_slice %arg7[%dma_wait3A_507, %dma_wait3A_508] : memref<32x1024xf32, #tpu.memory_space<vmem>> -> memref<8x1024xf32, #tpu.memory_space<vmem>>
    %dma_wait3A_510 = arith.constant 0 : i32
    %dma_wait3A_511 = tpu.memref_slice %arg4[%add3A_480, %dma_wait3A_510] : memref<32768x1024xf32, #tpu.memory_space<hbm>> -> memref<8x1024xf32, #tpu.memory_space<hbm>>
    %dma_wait3A_512 = arith.constant 0 : i32
    %dma_wait3A_513 = tpu.memref_slice %arg4[%add3A_480, %dma_wait3A_512] : memref<32768x1024xf32, #tpu.memory_space<hbm>> -> memref<8x1024xf32, #tpu.memory_space<hbm>>
    %dma_wait3A_514 = arith.constant 16 : i32
    %dma_wait3A_515 = arith.constant 0 : i32
    %dma_wait3A_516 = tpu.memref_slice %arg7[%dma_wait3A_514, %dma_wait3A_515] : memref<32x1024xf32, #tpu.memory_space<vmem>> -> memref<8x1024xf32, #tpu.memory_space<vmem>>
    tpu.wait_dma2 semaphore(%arg16 : memref<!tpu.dma_semaphore, #tpu.memory_space<semaphore_mem>>) src(%dma_wait3A_516 : memref<8x1024xf32, #tpu.memory_space<vmem>>) dst(%dma_wait3A_513 : memref<8x1024xf32, #tpu.memory_space<hbm>>)
    %dma_wait3A_517 = arith.constant 24 : i32
    %dma_wait3A_518 = arith.constant 0 : i32
    %dma_wait3A_519 = tpu.memref_slice %arg7[%dma_wait3A_517, %dma_wait3A_518] : memref<32x1024xf32, #tpu.memory_space<vmem>> -> memref<8x1024xf32, #tpu.memory_space<vmem>>
    %dma_wait3A_520 = arith.constant 0 : i32
    %dma_wait3A_521 = tpu.memref_slice %arg4[%add3A_486, %dma_wait3A_520] : memref<32768x1024xf32, #tpu.memory_space<hbm>> -> memref<8x1024xf32, #tpu.memory_space<hbm>>
    %dma_wait3A_522 = arith.constant 0 : i32
    %dma_wait3A_523 = tpu.memref_slice %arg4[%add3A_486, %dma_wait3A_522] : memref<32768x1024xf32, #tpu.memory_space<hbm>> -> memref<8x1024xf32, #tpu.memory_space<hbm>>
    %dma_wait3A_524 = arith.constant 24 : i32
    %dma_wait3A_525 = arith.constant 0 : i32
    %dma_wait3A_526 = tpu.memref_slice %arg7[%dma_wait3A_524, %dma_wait3A_525] : memref<32x1024xf32, #tpu.memory_space<vmem>> -> memref<8x1024xf32, #tpu.memory_space<vmem>>
    tpu.wait_dma2 semaphore(%arg16 : memref<!tpu.dma_semaphore, #tpu.memory_space<semaphore_mem>>) src(%dma_wait3A_526 : memref<8x1024xf32, #tpu.memory_space<vmem>>) dst(%dma_wait3A_523 : memref<8x1024xf32, #tpu.memory_space<hbm>>)
    %add3A_527 = arith.constant 0 : i32
    %add3A_528 = arith.addi %add3A_527, %mul3A_2 : i32
    %mul3A_529 = arith.constant 30 : i32
    %mul3A_530 = arith.constant 8 : i32
    %mul3A_531 = arith.muli %mul3A_529, %mul3A_530 : i32
    %add3A_532 = arith.addi %add3A_528, %mul3A_531 : i32
    %add3A_533 = arith.constant 8192 : i32
    %add3A_534 = arith.addi %add3A_533, %mul3A_2 : i32
    %mul3A_535 = arith.constant 30 : i32
    %mul3A_536 = arith.constant 8 : i32
    %mul3A_537 = arith.muli %mul3A_535, %mul3A_536 : i32
    %add3A_538 = arith.addi %add3A_534, %mul3A_537 : i32
    %add3A_539 = arith.constant 16384 : i32
    %add3A_540 = arith.addi %add3A_539, %mul3A_2 : i32
    %mul3A_541 = arith.constant 30 : i32
    %mul3A_542 = arith.constant 8 : i32
    %mul3A_543 = arith.muli %mul3A_541, %mul3A_542 : i32
    %add3A_544 = arith.addi %add3A_540, %mul3A_543 : i32
    %add3A_545 = arith.constant 24576 : i32
    %add3A_546 = arith.addi %add3A_545, %mul3A_2 : i32
    %mul3A_547 = arith.constant 30 : i32
    %mul3A_548 = arith.constant 8 : i32
    %mul3A_549 = arith.muli %mul3A_547, %mul3A_548 : i32
    %add3A_550 = arith.addi %add3A_546, %mul3A_549 : i32
    %dma_wait3A_551 = arith.constant 0 : i32
    %dma_wait3A_552 = arith.constant 0 : i32
    %dma_wait3A_553 = tpu.memref_slice %arg5[%dma_wait3A_551, %dma_wait3A_552] : memref<32x1024xf32, #tpu.memory_space<vmem>> -> memref<8x1024xf32, #tpu.memory_space<vmem>>
    %dma_wait3A_554 = arith.constant 0 : i32
    %dma_wait3A_555 = tpu.memref_slice %arg4[%add3A_532, %dma_wait3A_554] : memref<32768x1024xf32, #tpu.memory_space<hbm>> -> memref<8x1024xf32, #tpu.memory_space<hbm>>
    %dma_wait3A_556 = arith.constant 0 : i32
    %dma_wait3A_557 = tpu.memref_slice %arg4[%add3A_532, %dma_wait3A_556] : memref<32768x1024xf32, #tpu.memory_space<hbm>> -> memref<8x1024xf32, #tpu.memory_space<hbm>>
    %dma_wait3A_558 = arith.constant 0 : i32
    %dma_wait3A_559 = arith.constant 0 : i32
    %dma_wait3A_560 = tpu.memref_slice %arg5[%dma_wait3A_558, %dma_wait3A_559] : memref<32x1024xf32, #tpu.memory_space<vmem>> -> memref<8x1024xf32, #tpu.memory_space<vmem>>
    tpu.wait_dma2 semaphore(%arg14 : memref<!tpu.dma_semaphore, #tpu.memory_space<semaphore_mem>>) src(%dma_wait3A_560 : memref<8x1024xf32, #tpu.memory_space<vmem>>) dst(%dma_wait3A_557 : memref<8x1024xf32, #tpu.memory_space<hbm>>)
    %dma_wait3A_561 = arith.constant 8 : i32
    %dma_wait3A_562 = arith.constant 0 : i32
    %dma_wait3A_563 = tpu.memref_slice %arg5[%dma_wait3A_561, %dma_wait3A_562] : memref<32x1024xf32, #tpu.memory_space<vmem>> -> memref<8x1024xf32, #tpu.memory_space<vmem>>
    %dma_wait3A_564 = arith.constant 0 : i32
    %dma_wait3A_565 = tpu.memref_slice %arg4[%add3A_538, %dma_wait3A_564] : memref<32768x1024xf32, #tpu.memory_space<hbm>> -> memref<8x1024xf32, #tpu.memory_space<hbm>>
    %dma_wait3A_566 = arith.constant 0 : i32
    %dma_wait3A_567 = tpu.memref_slice %arg4[%add3A_538, %dma_wait3A_566] : memref<32768x1024xf32, #tpu.memory_space<hbm>> -> memref<8x1024xf32, #tpu.memory_space<hbm>>
    %dma_wait3A_568 = arith.constant 8 : i32
    %dma_wait3A_569 = arith.constant 0 : i32
    %dma_wait3A_570 = tpu.memref_slice %arg5[%dma_wait3A_568, %dma_wait3A_569] : memref<32x1024xf32, #tpu.memory_space<vmem>> -> memref<8x1024xf32, #tpu.memory_space<vmem>>
    tpu.wait_dma2 semaphore(%arg14 : memref<!tpu.dma_semaphore, #tpu.memory_space<semaphore_mem>>) src(%dma_wait3A_570 : memref<8x1024xf32, #tpu.memory_space<vmem>>) dst(%dma_wait3A_567 : memref<8x1024xf32, #tpu.memory_space<hbm>>)
    %dma_wait3A_571 = arith.constant 16 : i32
    %dma_wait3A_572 = arith.constant 0 : i32
    %dma_wait3A_573 = tpu.memref_slice %arg5[%dma_wait3A_571, %dma_wait3A_572] : memref<32x1024xf32, #tpu.memory_space<vmem>> -> memref<8x1024xf32, #tpu.memory_space<vmem>>
    %dma_wait3A_574 = arith.constant 0 : i32
    %dma_wait3A_575 = tpu.memref_slice %arg4[%add3A_544, %dma_wait3A_574] : memref<32768x1024xf32, #tpu.memory_space<hbm>> -> memref<8x1024xf32, #tpu.memory_space<hbm>>
    %dma_wait3A_576 = arith.constant 0 : i32
    %dma_wait3A_577 = tpu.memref_slice %arg4[%add3A_544, %dma_wait3A_576] : memref<32768x1024xf32, #tpu.memory_space<hbm>> -> memref<8x1024xf32, #tpu.memory_space<hbm>>
    %dma_wait3A_578 = arith.constant 16 : i32
    %dma_wait3A_579 = arith.constant 0 : i32
    %dma_wait3A_580 = tpu.memref_slice %arg5[%dma_wait3A_578, %dma_wait3A_579] : memref<32x1024xf32, #tpu.memory_space<vmem>> -> memref<8x1024xf32, #tpu.memory_space<vmem>>
    tpu.wait_dma2 semaphore(%arg14 : memref<!tpu.dma_semaphore, #tpu.memory_space<semaphore_mem>>) src(%dma_wait3A_580 : memref<8x1024xf32, #tpu.memory_space<vmem>>) dst(%dma_wait3A_577 : memref<8x1024xf32, #tpu.memory_space<hbm>>)
    %dma_wait3A_581 = arith.constant 24 : i32
    %dma_wait3A_582 = arith.constant 0 : i32
    %dma_wait3A_583 = tpu.memref_slice %arg5[%dma_wait3A_581, %dma_wait3A_582] : memref<32x1024xf32, #tpu.memory_space<vmem>> -> memref<8x1024xf32, #tpu.memory_space<vmem>>
    %dma_wait3A_584 = arith.constant 0 : i32
    %dma_wait3A_585 = tpu.memref_slice %arg4[%add3A_550, %dma_wait3A_584] : memref<32768x1024xf32, #tpu.memory_space<hbm>> -> memref<8x1024xf32, #tpu.memory_space<hbm>>
    %dma_wait3A_586 = arith.constant 0 : i32
    %dma_wait3A_587 = tpu.memref_slice %arg4[%add3A_550, %dma_wait3A_586] : memref<32768x1024xf32, #tpu.memory_space<hbm>> -> memref<8x1024xf32, #tpu.memory_space<hbm>>
    %dma_wait3A_588 = arith.constant 24 : i32
    %dma_wait3A_589 = arith.constant 0 : i32
    %dma_wait3A_590 = tpu.memref_slice %arg5[%dma_wait3A_588, %dma_wait3A_589] : memref<32x1024xf32, #tpu.memory_space<vmem>> -> memref<8x1024xf32, #tpu.memory_space<vmem>>
    tpu.wait_dma2 semaphore(%arg14 : memref<!tpu.dma_semaphore, #tpu.memory_space<semaphore_mem>>) src(%dma_wait3A_590 : memref<8x1024xf32, #tpu.memory_space<vmem>>) dst(%dma_wait3A_587 : memref<8x1024xf32, #tpu.memory_space<hbm>>)
    %add3A_591 = arith.constant 0 : i32
    %add3A_592 = arith.addi %add3A_591, %mul3A_2 : i32
    %mul3A_593 = arith.constant 31 : i32
    %mul3A_594 = arith.constant 8 : i32
    %mul3A_595 = arith.muli %mul3A_593, %mul3A_594 : i32
    %add3A_596 = arith.addi %add3A_592, %mul3A_595 : i32
    %add3A_597 = arith.constant 8192 : i32
    %add3A_598 = arith.addi %add3A_597, %mul3A_2 : i32
    %mul3A_599 = arith.constant 31 : i32
    %mul3A_600 = arith.constant 8 : i32
    %mul3A_601 = arith.muli %mul3A_599, %mul3A_600 : i32
    %add3A_602 = arith.addi %add3A_598, %mul3A_601 : i32
    %add3A_603 = arith.constant 16384 : i32
    %add3A_604 = arith.addi %add3A_603, %mul3A_2 : i32
    %mul3A_605 = arith.constant 31 : i32
    %mul3A_606 = arith.constant 8 : i32
    %mul3A_607 = arith.muli %mul3A_605, %mul3A_606 : i32
    %add3A_608 = arith.addi %add3A_604, %mul3A_607 : i32
    %add3A_609 = arith.constant 24576 : i32
    %add3A_610 = arith.addi %add3A_609, %mul3A_2 : i32
    %mul3A_611 = arith.constant 31 : i32
    %mul3A_612 = arith.constant 8 : i32
    %mul3A_613 = arith.muli %mul3A_611, %mul3A_612 : i32
    %add3A_614 = arith.addi %add3A_610, %mul3A_613 : i32
    %dma_wait3A_615 = arith.constant 0 : i32
    %dma_wait3A_616 = arith.constant 0 : i32
    %dma_wait3A_617 = tpu.memref_slice %arg6[%dma_wait3A_615, %dma_wait3A_616] : memref<32x1024xf32, #tpu.memory_space<vmem>> -> memref<8x1024xf32, #tpu.memory_space<vmem>>
    %dma_wait3A_618 = arith.constant 0 : i32
    %dma_wait3A_619 = tpu.memref_slice %arg4[%add3A_596, %dma_wait3A_618] : memref<32768x1024xf32, #tpu.memory_space<hbm>> -> memref<8x1024xf32, #tpu.memory_space<hbm>>
    %dma_wait3A_620 = arith.constant 0 : i32
    %dma_wait3A_621 = tpu.memref_slice %arg4[%add3A_596, %dma_wait3A_620] : memref<32768x1024xf32, #tpu.memory_space<hbm>> -> memref<8x1024xf32, #tpu.memory_space<hbm>>
    %dma_wait3A_622 = arith.constant 0 : i32
    %dma_wait3A_623 = arith.constant 0 : i32
    %dma_wait3A_624 = tpu.memref_slice %arg6[%dma_wait3A_622, %dma_wait3A_623] : memref<32x1024xf32, #tpu.memory_space<vmem>> -> memref<8x1024xf32, #tpu.memory_space<vmem>>
    tpu.wait_dma2 semaphore(%arg15 : memref<!tpu.dma_semaphore, #tpu.memory_space<semaphore_mem>>) src(%dma_wait3A_624 : memref<8x1024xf32, #tpu.memory_space<vmem>>) dst(%dma_wait3A_621 : memref<8x1024xf32, #tpu.memory_space<hbm>>)
    %dma_wait3A_625 = arith.constant 8 : i32
    %dma_wait3A_626 = arith.constant 0 : i32
    %dma_wait3A_627 = tpu.memref_slice %arg6[%dma_wait3A_625, %dma_wait3A_626] : memref<32x1024xf32, #tpu.memory_space<vmem>> -> memref<8x1024xf32, #tpu.memory_space<vmem>>
    %dma_wait3A_628 = arith.constant 0 : i32
    %dma_wait3A_629 = tpu.memref_slice %arg4[%add3A_602, %dma_wait3A_628] : memref<32768x1024xf32, #tpu.memory_space<hbm>> -> memref<8x1024xf32, #tpu.memory_space<hbm>>
    %dma_wait3A_630 = arith.constant 0 : i32
    %dma_wait3A_631 = tpu.memref_slice %arg4[%add3A_602, %dma_wait3A_630] : memref<32768x1024xf32, #tpu.memory_space<hbm>> -> memref<8x1024xf32, #tpu.memory_space<hbm>>
    %dma_wait3A_632 = arith.constant 8 : i32
    %dma_wait3A_633 = arith.constant 0 : i32
    %dma_wait3A_634 = tpu.memref_slice %arg6[%dma_wait3A_632, %dma_wait3A_633] : memref<32x1024xf32, #tpu.memory_space<vmem>> -> memref<8x1024xf32, #tpu.memory_space<vmem>>
    tpu.wait_dma2 semaphore(%arg15 : memref<!tpu.dma_semaphore, #tpu.memory_space<semaphore_mem>>) src(%dma_wait3A_634 : memref<8x1024xf32, #tpu.memory_space<vmem>>) dst(%dma_wait3A_631 : memref<8x1024xf32, #tpu.memory_space<hbm>>)
    %dma_wait3A_635 = arith.constant 16 : i32
    %dma_wait3A_636 = arith.constant 0 : i32
    %dma_wait3A_637 = tpu.memref_slice %arg6[%dma_wait3A_635, %dma_wait3A_636] : memref<32x1024xf32, #tpu.memory_space<vmem>> -> memref<8x1024xf32, #tpu.memory_space<vmem>>
    %dma_wait3A_638 = arith.constant 0 : i32
    %dma_wait3A_639 = tpu.memref_slice %arg4[%add3A_608, %dma_wait3A_638] : memref<32768x1024xf32, #tpu.memory_space<hbm>> -> memref<8x1024xf32, #tpu.memory_space<hbm>>
    %dma_wait3A_640 = arith.constant 0 : i32
    %dma_wait3A_641 = tpu.memref_slice %arg4[%add3A_608, %dma_wait3A_640] : memref<32768x1024xf32, #tpu.memory_space<hbm>> -> memref<8x1024xf32, #tpu.memory_space<hbm>>
    %dma_wait3A_642 = arith.constant 16 : i32
    %dma_wait3A_643 = arith.constant 0 : i32
    %dma_wait3A_644 = tpu.memref_slice %arg6[%dma_wait3A_642, %dma_wait3A_643] : memref<32x1024xf32, #tpu.memory_space<vmem>> -> memref<8x1024xf32, #tpu.memory_space<vmem>>
    tpu.wait_dma2 semaphore(%arg15 : memref<!tpu.dma_semaphore, #tpu.memory_space<semaphore_mem>>) src(%dma_wait3A_644 : memref<8x1024xf32, #tpu.memory_space<vmem>>) dst(%dma_wait3A_641 : memref<8x1024xf32, #tpu.memory_space<hbm>>)
    %dma_wait3A_645 = arith.constant 24 : i32
    %dma_wait3A_646 = arith.constant 0 : i32
    %dma_wait3A_647 = tpu.memref_slice %arg6[%dma_wait3A_645, %dma_wait3A_646] : memref<32x1024xf32, #tpu.memory_space<vmem>> -> memref<8x1024xf32, #tpu.memory_space<vmem>>
    %dma_wait3A_648 = arith.constant 0 : i32
    %dma_wait3A_649 = tpu.memref_slice %arg4[%add3A_614, %dma_wait3A_648] : memref<32768x1024xf32, #tpu.memory_space<hbm>> -> memref<8x1024xf32, #tpu.memory_space<hbm>>
    %dma_wait3A_650 = arith.constant 0 : i32
    %dma_wait3A_651 = tpu.memref_slice %arg4[%add3A_614, %dma_wait3A_650] : memref<32768x1024xf32, #tpu.memory_space<hbm>> -> memref<8x1024xf32, #tpu.memory_space<hbm>>
    %dma_wait3A_652 = arith.constant 24 : i32
    %dma_wait3A_653 = arith.constant 0 : i32
    %dma_wait3A_654 = tpu.memref_slice %arg6[%dma_wait3A_652, %dma_wait3A_653] : memref<32x1024xf32, #tpu.memory_space<vmem>> -> memref<8x1024xf32, #tpu.memory_space<vmem>>
    tpu.wait_dma2 semaphore(%arg15 : memref<!tpu.dma_semaphore, #tpu.memory_space<semaphore_mem>>) src(%dma_wait3A_654 : memref<8x1024xf32, #tpu.memory_space<vmem>>) dst(%dma_wait3A_651 : memref<8x1024xf32, #tpu.memory_space<hbm>>)
    return
  }
}

</mosaic_0001>

<sc_bundles>
// kernel: kernel.3.cloned.1.call-start
scs
__scs_entry_jumppad:
0x0: {  	(pc) =	sbr.rel $0x88, $3  }
0x1: {  	(tag) =	ssettag $0x0;
	lr =	simm.s32 $0x1  }
0x2: {  	[smem:$0x3F9F] =	sst lr;
	_ =	strace $0xD0000000  }
0x3: {  	_ = 	snop  }
0x4: {  	_ = 	snop  }
0x5: {  	_ = 	snop  }
0x6: {  	_ = 	snop  }
0x7: {  	_ = 	snop  }
__scs_overlays_trampoline_lowered:
0x8: {  	[smem:$0x3FAE] =	sst s0  }
0x9: {  	[smem:$0x3FAF] =	sst s1  }
0xa: {  	[smem:$0x3FB0] =	sst s2  }
0xb: {  	[smem:$0x3FB1] =	sst s3  }
0xc: {  	[smem:$0x3FB2] =	sst s4  }
0xd: {  	[smem:$0x3FB3] =	sst s5  }
0xe: {  	[smem:$0x3FB4] =	sst s6  }
0xf: {  	[smem:$0x3FB5] =	sst s7  }
0x10: {  	[smem:$0x3FB6] =	sst s8  }
0x11: {  	[smem:$0x3FB7] =	sst s9;
	s0 =	simm.s32 @!p0 $0x0  }
0x12: {  	s1 =	sld [smem:$0x3F9D];
	s0 =	simm.s32 @p0 $0x1  }
0x13: {  	[smem:$0x3FB8] =	sst s0;
	s0 =	simm.s32 @!p1 $0x0  }
0x14: {  	s2 =	sld [smem:$0x3F9C];
	s0 =	simm.s32 @p1 $0x1  }
0x15: {  	[smem:$0x3FB9] =	sst s0;
	s0 =	simm.s32 @!p2 $0x0  }
0x16: {  	s3 =	sld [smem:$0x3FDB];
	s0 =	simm.s32 @p2 $0x1  }
0x17: {  	s4 =	simm.s32 $0x1BF5;
	[smem:$0x3FBB] =	sst s0  }
0x18: {  	s0 =	sld [smem:$0x3F9E];
	_ =	swait.ge [sflag:s4], $0x0  }
0x19: {  	s7 =	sld [smem:$0x3F9F]  }
0x1a: {  	s8 =	sadd.s32 $0xFFFFE003, lr  }
0x1b: {  	s9 =	sadd.s32 $0xFFFFFEF7, lr;
	s5 =	simm.s32 $0xFFFFFFFF;
	p2 =	slt.u32 s8, $0xFFFFF086  }
0x1c: {  	p1 =	slt.u32 s9, $0xF7A;
	s5 =	simm.s32 @!p2 $0x0  }
0x1d: {  	s5 =	simm.s32 @p1 $0x1;
	p0 =	seq.s32 s7, s2  }
0x1e: {  	s7 =	smul.u32 @!p0 $0xF7A, s2;
	p2 =	seq.s32 @!p0 s5, $0x0  }
0x1f: {  	s9 =	smul.u32 $0xF7A, s1;
	s8 =	simm.s32 @!p0 $0x1BF5;
	p2 =	por !p2, p0  }
0x20: {  	[sflag:s8] =	ssyncset.s32 @!p0 $0xFFFFF086;
	s6 =	sadd.s32 @!p0 s3, s7;
	s7 =	simm.s32 @!p0 $0x108  }
0x21: {  	s3 =	sadd.s32 s3, s9;
	s6 =	sadd.s32 @!p0 $0x88, s6;
	s7 =	simm.s32 @p2 $0x1082  }
0x22: {  	[simem:s7], [sflag:s8] =	dma.local @!p0 [hbm:s6], $0xF7A  }
0x23: {  	s9 =	sor.u32 $0xD0000000, s2;
	s6 =	simm.s32 $0x108;
	_ =	swait.ge @!p0 [sflag:s8], $0x0  }
0x24: {  	s3 =	sadd.s32 $0x88, s3;
	s6 =	simm.s32 @!p1 $0x1082;
	[sflag:s4] =	ssyncset.s32 $0xFFFFF086  }
0x25: {  	[simem:s6], [sflag:s4] =	dma.local [hbm:s3], $0xF7A  }
0x26: {  	[smem:$0x3F9F] =	sst s1;
	(tag) =	ssettag s2;
	_ =	strace s9  }
0x27: {  	s1 =	sld [smem:$0x3FAF]  }
0x28: {  	s2 =	sld [smem:$0x3FB0]  }
0x29: {  	s4 =	sld [smem:$0x3FB2]  }
0x2a: {  	p0 =	seq.s32 s5, $0x0;
	s5 =	sld [smem:$0x3FB3]  }
0x2b: {  	s6 =	sld [smem:$0x3FB4]  }
0x2c: {  	s7 =	sld [smem:$0x3FB5]  }
0x2d: {  	s3 =	simm.s32 $0x108;
	s8 =	sld [smem:$0x3FB6]  }
0x2e: {  	s3 =	simm.s32 @!p0 $0x1082;
	s9 =	sld [smem:$0x3FB7]  }
0x2f: {  	lr =	sadd.s32 s0, s3;
	s0 =	sld [smem:$0x3FAE]  }
0x30: {  	s3 =	sld [smem:$0x3FB1]  }
0x31: {  	[smem:$0x3FBA] =	sst s10  }
0x32: {  	s10 =	sld [smem:$0x3FB8];
	_ =	sdelay $0x3  }
0x33: {  	p0 =	seq.s32 s10, $0x1;
	s10 =	sld [smem:$0x3FBA];
	_ =	sdelay $0x3  }
0x34: {  	[smem:$0x3FBA] =	sst s10  }
0x35: {  	s10 =	sld [smem:$0x3FB9];
	_ =	sdelay $0x3  }
0x36: {  	p1 =	seq.s32 s10, $0x1;
	s10 =	sld [smem:$0x3FBA];
	_ =	sdelay $0x3  }
0x37: {  	[smem:$0x3FBA] =	sst s10  }
0x38: {  	s10 =	sld [smem:$0x3FBB]  }
0x39: {  	_ = 	snop;
	(pc) =	sbr.ind lr, $3  }
0x3a: {  	_ = 	snop  }
0x3b: {  	_ = 	snop  }
0x3c: {  	p2 =	seq.s32 s10, $0x1;
	s10 =	sld [smem:$0x3FBA]  }
0x3d: {  	_ =	shalt  }
0x3e: {  	_ =	shalt  }
0x3f: {  	_ =	shalt  }
0x40: {  	_ =	shalt  }
0x41: {  	_ =	shalt  }
0x42: {  	_ =	shalt  }
0x43: {  	_ =	shalt  }
0x44: {  	_ =	shalt  }
0x45: {  	_ =	shalt  }
0x46: {  	_ =	shalt  }
0x47: {  	_ =	shalt  }
0x48: {  	_ =	shalt  }
0x49: {  	_ =	shalt  }
0x4a: {  	_ =	shalt  }
0x4b: {  	_ =	shalt  }
0x4c: {  	_ =	shalt  }
0x4d: {  	_ =	shalt  }
0x4e: {  	_ =	shalt  }
0x4f: {  	_ =	shalt  }
0x50: {  	_ =	shalt  }
0x51: {  	_ =	shalt  }
0x52: {  	_ =	shalt  }
0x53: {  	_ =	shalt  }
0x54: {  	_ =	shalt  }
0x55: {  	_ =	shalt  }
0x56: {  	_ =	shalt  }
0x57: {  	_ =	shalt  }
0x58: {  	_ =	shalt  }
0x59: {  	_ =	shalt  }
0x5a: {  	_ =	shalt  }
0x5b: {  	_ =	shalt  }
0x5c: {  	_ =	shalt  }
0x5d: {  	_ =	shalt  }
0x5e: {  	_ =	shalt  }
0x5f: {  	_ =	shalt  }
0x60: {  	_ =	shalt  }
0x61: {  	_ =	shalt  }
0x62: {  	_ =	shalt  }
0x63: {  	_ =	shalt  }
0x64: {  	_ =	shalt  }
0x65: {  	_ =	shalt  }
0x66: {  	_ =	shalt  }
0x67: {  	_ =	shalt  }
0x68: {  	_ =	shalt  }
0x69: {  	_ =	shalt  }
0x6a: {  	_ =	shalt  }
0x6b: {  	_ =	shalt  }
0x6c: {  	_ =	shalt  }
0x6d: {  	_ =	shalt  }
0x6e: {  	_ =	shalt  }
0x6f: {  	_ =	shalt  }
0x70: {  	_ =	shalt  }
0x71: {  	_ =	shalt  }
0x72: {  	_ =	shalt  }
0x73: {  	_ =	shalt  }
0x74: {  	_ =	shalt  }
0x75: {  	_ =	shalt  }
0x76: {  	_ =	shalt  }
0x77: {  	_ =	shalt  }
0x78: {  	_ =	shalt  }
0x79: {  	_ =	shalt  }
0x7a: {  	_ =	shalt  }
0x7b: {  	_ =	shalt  }
0x7c: {  	_ =	shalt  }
0x7d: {  	_ =	shalt  }
0x7e: {  	_ =	shalt  }
0x7f: {  	_ =	shalt  }
0x80: {  	_ =	shalt  }
0x81: {  	_ =	shalt  }
0x82: {  	_ =	shalt  }
0x83: {  	_ =	shalt  }
0x84: {  	_ =	shalt  }
0x85: {  	_ =	shalt  }
0x86: {  	_ =	shalt  }
0x87: {  	_ =	shalt  }
.Lfunc_end0:
.L_simem_size_0:
called_computation_lowered:
.L_overlay_start_0:
0x88: {  	s2 =	sld [smem:$0x3FD9]  }
0x89: {  	s3 =	sld [smem:$0x3FFE];
	_ =	sdelay $0x1  }
0x8a: {  	s1 =	srdreg.scid  }
0x8b: {  	s0 =	sand.u32 $0x1, s1  }
0x8c: {  	s18 =	sshll.u32 s0, $0xA;
	s2 =	sadd.s32 s3, s2  }
0x8d: {  	s2 =	sadd.s32 s2, s18  }
0x8e: {  	[smem:$0x3FC6] =	sst s2  }
0x8f: {  	_ = 	snop  }
0x90: {  	s2 =	sld [smem:$0x3FC9]  }
0x91: {  	s19 =	sld [smem:$0x3FC8]  }
0x92: {  	s4 =	sld [smem:$0x3FD0];
	(tm) =	ssettm $0x1  }
0x93: {  	s5 =	sld [smem:$0x3FFB];
	_ =	sdelay $0x3  }
0x94: {  	_ =	strace s5  }
0x95: {  	s5 =	sld [smem:$0x3FFC];
	_ =	sdelay $0x3  }
0x96: {  	_ =	strace s5  }
0x97: {  	s5 =	sld [smem:$0x3FFD];
	_ =	sdelay $0x3  }
0x98: {  	_ =	strace s5  }
0x99: {  	_ =	strace $0x8FFFFFFF  }
0x9a: {  	s20 =	sld [smem:$0x3FDB];
	_ =	sdelay $0x1  }
0x9b: {  	s6 =	simm.s32 $_scs_section_size  }
0x9c: {  	s7 =	simm.s32 $_size__tile_overlayer_lowered;
	s8 =	simm.s32 $_tile_overlayer_lowered  }
0x9d: {  	s23 =	simm.s32 $0x1BFF;
	s22 =	sshll.u32 s8, $0x1;
	s5 =	sadd.s32 s6, s20  }
0x9e: {  	s9 =	simm.s32 $0x0;
	s21 =	sshll.u32 s7, $0x1;
	s7 =	sadd.s32 s22, s5  }
0x9f: {  	[timem:s9], [sflag:s23] =	dma.local [hbm:s7], s21  }
0xa0: {  	_ =	swait.ge [sflag:s23], s21  }
0xa1: {  	s6 =	ssub.s32 $0x0, s21;
	[sflag:s23] =	ssyncset.done $0x0  }
0xa2: {  	[sflag:s23] =	ssyncadd.s32 s6;
	_ =	sdelay $0x1  }
0xa3: {  	s24 =	simm.s32 $0x1B8B  }
0xa4: {  	_ =	swait.ge [sflag:s24], $0x1  }
0xa5: {  	[sflag:s24] =	ssyncset.done $0x0  }
0xa6: {  	s25 =	simm.s32 $0x1B8E;
	[sflag:s24] =	ssyncadd.s32 $0xFFFFFFFF  }
0xa7: {  	s26 =	simm.s32 $execute0_lowered;
	[smem:$0x3FD2] =	sst s25  }
0xa8: {  	s6 =	sshll.u32 s26, $0x1;
	_ =	strace $0x80000046;
	[dreg:$0x1] =	wrdreg $0xFFFFFFFF  }
0xa9: {  	s28 =	simm.s32 $_size_execute0_lowered;
	s5 =	sadd.s32 s5, s6;
	[dreg:$0x0] =	wrdreg $0x0  }
0xaa: {  	s6 =	sshll.u32 s28, $0x1;
	[dreg:$0x2] =	wrdreg s5  }
0xab: {  	[dreg:$0x3] =	wrdreg s6  }
0xac: {  	[dreg:$0x4] =	wrdreg $0xC0  }
0xad: {  	_ =	task [dreg:s9], $0x5FFFF  }
0xae: {  	[dreg:$0x1] =	wrdreg $0xFFFFFFFF  }
0xaf: {  	[dreg:$0x0] =	wrdreg $0x60  }
0xb0: {  	[dreg:$0x2] =	wrdreg s2  }
0xb1: {  	[dreg:$0x3] =	wrdreg s19  }
0xb2: {  	[dreg:$0x4] =	wrdreg s4  }
0xb3: {  	[dreg:$0x5] =	wrdreg $0x9  }
0xb4: {  	_ =	task.clear_ibuf [dreg:s9], $0x6FFFF;
	_ =	strace $0x90000046  }
0xb5: {  	s29 =	simm.s32 $0x9;
	_ =	strace $0x80000048  }
0xb6: {  	_ =	swait.ge [sflag:s29], $0x1  }
0xb7: {  	[sflag:s29] =	ssyncadd.s32 $0xFFFFFFFF  }
0xb8: {  	_ =	strace $0x90000048  }
0xb9: {  	_ =	sfence  }
0xba: {  	s30 =	sld [smem:$0x0];
	_ =	sdelay $0x2  }
0xbb: {  	s31 =	sshll.u32 s1, $0xD;
	s1 =	sshrl.u32 s1, $0x2  }
0xbc: {  	s3 =	sand.u32 $0x4000, s31;
	s1 =	sadd.s32 s1, s30  }
0xbd: {  	s0 =	sor.u32 s3, s0;
	s1 =	sshll.u32 s1, $0x11  }
0xbe: {  	s0 =	sor.u32 s1, s0  }
0xbf: {  	s0 =	sadd.s32 $0x8F2B, s0  }
0xc0: {  	[sflag:s0] =	ssyncadd.remote.s32 $0x1  }
0xc1: {  	_ =	sfence.sel $0xFFFF  }
0xc2: {  	[dreg:$0x0] =	wrdreg $0xFFFFFFFF;
	(pc) =	sbr.abs _section_cstart, $3  }
0xc3: {  	[dreg:$0x1] =	wrdreg $0xFFFFFFFF  }
0xc4: {  	_ =	task.clear_ibuf [dreg:s9], $0x2FFFF;
	_ =	strace $0x9FFFFFFF  }
0xc5: {  	(tm) =	ssettm $0x7FFFFFFF  }
tec
execute0_lowered:
.L_overlay_start_1:
0x0: {  	(tag) =	ssettag $0x1  }
0x1: {  	s2 =	rddreg [dreg:$0x0]  }
0x2: {  	s4 =	rddreg [dreg:$0x1];
	s0 =	srdreg.scid  }
0x3: {  	s5 =	rddreg [dreg:$0x2];
	s1 =	stileid.u32;
	s0 =	sand.u32 $0x1, s0  }
0x4: {  	s24 =	simm.s32 $0x0;
	s1 =	sshll.u32 s1, $0x9;
	s3 =	sshll.u32 s0, $0x8  }
0x5: {  	[smem:$0x7FF] =	sst s24;
	s10 =	sor.u32 s3, s1  }
0x6: {  	_ =	strace $0x80000047;
	s29 =	sor.u32 $0x2000, s10;
	[dreg:$0x4] =	wrdreg s10  }
0x7: {  	s0 =	ssub.s32 $0x2, s0;
	s6 =	sor.u32 $0x4000, s10;
	[dreg:$0x6] =	wrdreg s29  }
0x8: {  	s26 =	sshrl.u32 s0, $0x1;
	s8 =	sor.u32 $0x6000, s10;
	[dreg:$0x7] =	wrdreg s6  }
0x9: {  	s3 =	sshll.u32 s10, $0x7;
	s25 =	sshrl.u32 s10, $0x3;
	[dreg:$0x8] =	wrdreg s8  }
0xa: {  	s0 =	ssub.s32 s0, s26;
	s28 =	sadd.s32 s4, s3;
	[dreg:$0x1b] =	wrdreg s25  }
0xb: {  	s0 =	smax.u32 s0, $0x1;
	[dreg:$0x5] =	wrdreg s28  }
0xc: {  	s9 =	sadd.s32 s2, s3;
	[dreg:$0x17] =	wrdreg s0  }
0xd: {  	s1 =	sshll.u32 s29, $0x7;
	s17 =	sadd.s32 s5, s3;
	[dreg:$0x9] =	wrdreg s9  }
0xe: {  	s7 =	sshll.u32 s6, $0x7;
	s30 =	sadd.s32 s2, s1;
	[dreg:$0x12] =	wrdreg s17  }
0xf: {  	s11 =	sadd.s32 s2, s7;
	[dreg:$0xa] =	wrdreg s30  }
0x10: {  	s13 =	sadd.s32 $0x100400, s9;
	[dreg:$0xb] =	wrdreg s11  }
0x11: {  	s14 =	sadd.s32 $0x200400, s9;
	[dreg:$0xd] =	wrdreg s13  }
0x12: {  	s15 =	sadd.s32 $0x300400, s9;
	[dreg:$0xf] =	wrdreg s14  }
0x13: {  	s1 =	sadd.s32 s5, s1;
	[dreg:$0x10] =	wrdreg s15  }
0x14: {  	s18 =	sadd.s32 s5, s7;
	[dreg:$0x13] =	wrdreg s1  }
0x15: {  	s20 =	sadd.s32 $0x800, s9;
	[dreg:$0x14] =	wrdreg s18  }
0x16: {  	s21 =	sadd.s32 $0x100800, s9;
	[dreg:$0x16] =	wrdreg s20  }
0x17: {  	s22 =	sadd.s32 $0x200800, s9;
	[dreg:$0x18] =	wrdreg s21  }
0x18: {  	s23 =	sadd.s32 $0x300800, s9;
	[dreg:$0x19] =	wrdreg s22  }
0x19: {  	s31 =	simm.s32 $0x6;
	s26 =	sadd.s32 $0x107C00, s17;
	[dreg:$0x1a] =	wrdreg s23  }
0x1a: {  	s6 =	simm.s32 $0xC000;
	s28 =	sadd.s32 $0x7C00, s17;
	[dreg:$0x1c] =	wrdreg s26  }
0x1b: {  	s29 =	sadd.s32 $0x207C00, s17;
	s7 =	simm.s32 $0xE000;
	[dreg:$0x1d] =	wrdreg s28  }
0x1c: {  	s0 =	simm.s32 $0x2;
	s11 =	sshll.u32 s8, $0x7;
	[dreg:$0x1e] =	wrdreg s29  }
0x1d: {  	s30 =	sadd.s32 $0x307C00, s17;
	s23 =	simm.s32 $0x1;
	s1 =	simm.s32 $0x4  }
0x1e: {  	s20 =	simm.s32 $0x3;
	s12 =	sadd.s32 s2, s11;
	[dreg:$0x1f] =	wrdreg s30  }
0x1f: {  	s19 =	sadd.s32 s5, s11;
	[dreg:$0xc] =	wrdreg s12;
	s12 =	sor.u32 $0x400, s3  }
0x20: {  	s5 =	simm.s32 $0xA000;
	[dreg:$0x15] =	wrdreg s19;
	s2 =	sadd.s32 s2, s12  }
0x21: {  	s11 =	simm.s32 $0x5;
	s16 =	sadd.s32 s4, s12;
	[dreg:$0xe] =	wrdreg s2  }
0x22: {  	s3 =	simm.s32 $0x0;
	s4 =	simm.s32 $0x8000;
	[dreg:$0x11] =	wrdreg s16  }
.LBB2_1:
0x23: {  	[smem:$0x7FD] =	sst s3  }
0x24: {  	s2 =	rddreg [dreg:$0x5];
	s17 =	simm.s32 $0x18000  }
0x25: {  	[tilespmem:s17], [sflag:$0x7] =	stream.linear.gather [hbm4b:s2+s24], $0x2000, $0x38;
	[tilespmem:$0x1E000] =	vst v63  }
0x26: {  	s18 =	rddreg [dreg:$0x9]  }
0x27: {  	[tilespmem:s24], [sflag:$0x1] =	stream.linear.gather [hbm4b:s18+s24], $0x2000, $0x38;
	[tilespmem:$0x1E000] =	vst v63  }
0x28: {  	s19 =	rddreg [dreg:$0xa];
	s21 =	simm.s32 $0x2000  }
0x29: {  	[tilespmem:s21], [sflag:$0x1] =	stream.linear.gather [hbm4b:s19+s24], $0x2000, $0x38;
	[tilespmem:$0x1E000] =	vst v63  }
0x2a: {  	s22 =	rddreg [dreg:$0xb];
	s25 =	simm.s32 $0x4000  }
0x2b: {  	[tilespmem:s25], [sflag:$0x1] =	stream.linear.gather [hbm4b:s22+s24], $0x2000, $0x38;
	[tilespmem:$0x1E000] =	vst v63  }
0x2c: {  	s26 =	rddreg [dreg:$0xc];
	s28 =	simm.s32 $0x6000  }
0x2d: {  	[tilespmem:s28], [sflag:$0x1] =	stream.linear.gather [hbm4b:s26+s24], $0x2000, $0x38;
	[tilespmem:$0x1E000] =	vst v63  }
0x2e: {  	s29 =	rddreg [dreg:$0xe]  }
0x2f: {  	[tilespmem:s4], [sflag:$0x2] =	stream.linear.gather [hbm4b:s29+s24], $0x2000, $0x38;
	[tilespmem:$0x1E000] =	vst v63  }
0x30: {  	s30 =	rddreg [dreg:$0xd]  }
0x31: {  	[tilespmem:s5], [sflag:$0x2] =	stream.linear.gather [hbm4b:s30+s24], $0x2000, $0x38;
	[tilespmem:$0x1E000] =	vst v63  }
0x32: {  	s3 =	rddreg [dreg:$0xf]  }
0x33: {  	[tilespmem:s6], [sflag:$0x2] =	stream.linear.gather [hbm4b:s3+s24], $0x2000, $0x38;
	[tilespmem:$0x1E000] =	vst v63  }
0x34: {  	s4 =	rddreg [dreg:$0x10];
	s5 =	simm.s32 $0x7  }
0x35: {  	[tilespmem:s7], [sflag:$0x2] =	stream.linear.gather [hbm4b:s4+s24], $0x2000, $0x38;
	[tilespmem:$0x1E000] =	vst v63  }
0x36: {  	_ =	swait.ge [sflag:s5], $0x2000  }
0x37: {  	[sflag:s5] =	ssyncset.done $0x0  }
0x38: {  	s7 =	simm.s32 $0x1A000;
	s6 =	rddreg [dreg:$0x11];
	[sflag:s5] =	ssyncadd.s32 $0xFFFFE000  }
0x39: {  	[tilespmem:s7], [sflag:$0x8] =	stream.linear.gather [hbm4b:s6+s24], $0x2000, $0x38;
	[tilespmem:$0x1E000] =	vst v63  }
0x3a: {  	_ =	swait.ge [sflag:s23], $0x2000  }
0x3b: {  	[sflag:s23] =	ssyncset.done $0x0  }
0x3c: {  	[sflag:s23] =	ssyncadd.s32 $0xFFFFE000  }
0x3d: {  	_ =	swait.ge [sflag:s23], $0x2000  }
0x3e: {  	[sflag:s23] =	ssyncset.done $0x0  }
0x3f: {  	[sflag:s23] =	ssyncadd.s32 $0xFFFFE000  }
0x40: {  	_ =	swait.ge [sflag:s23], $0x2000  }
0x41: {  	s12 =	simm.s32 $0x0;
	[sflag:s23] =	ssyncset.done $0x0  }
0x42: {  	s8 =	simm.s32 $0x0;
	s13 =	sand.u32 $0x1C00, s24;
	[sflag:s23] =	ssyncadd.s32 $0xFFFFE000  }
0x43: {  	s9 =	sand.u32 $0x40, s12;
	s3 =	sand.u32 $0x1FFFFF80, s8;
	_ =	swait.ge [sflag:s23], $0x2000  }
0x44: {  	s21 =	sor.u32 $0x30, s9;
	s3 =	sadd.s32 s13, s3;
	[sflag:s23] =	ssyncset.done $0x0  }
0x45: {  	s14 =	sor.u32 s21, s3;
	[sflag:s23] =	ssyncadd.s32 $0xFFFFE000  }
0x46: {  	s18 =	sor.u32 $0x10, s9;
	s15 =	sor.u32 s9, s3;
	v1 =	vld [tilespmem:s14+$0x18000]  }
0x47: {  	s19 =	sor.u32 s18, s3;
	v2 =	vld [tilespmem:s15+$0x18000]  }
0x48: {  	v0 =	vld [tilespmem:s19+$0x18000];
	_ =	sdelay $0x2  }
0x49: {  	[tilespmem:s14+$0x0] =	vst.add.f32.msk $0xffff, v1  }
0x4a: {  	s16 =	sadd.s32 $0x2000, s3;
	[tilespmem:s15+$0x0] =	vst.add.f32.msk $0xffff, v2  }
0x4b: {  	s22 =	sor.u32 s21, s16;
	[tilespmem:s19+$0x0] =	vst.add.f32.msk $0xffff, v0  }
0x4c: {  	s17 =	sadd.s32 $0x4000, s3;
	s25 =	sadd.s32 $0x6000, s3;
	s26 =	sor.u32 s9, s16;
	[tilespmem:s22+$0x0] =	vst.add.f32.msk $0xffff, v1  }
0x4d: {  	s13 =	sor.u32 s21, s25;
	s24 =	sor.u32 s21, s17;
	s21 =	sor.u32 s18, s16;
	[tilespmem:s26+$0x0] =	vst.add.f32.msk $0xffff, v2  }
0x4e: {  	[tilespmem:s21+$0x0] =	vst.add.f32.msk $0xffff, v0  }
0x4f: {  	s28 =	sor.u32 $0x20, s9;
	[tilespmem:s24+$0x0] =	vst.add.f32.msk $0xffff, v1  }
0x50: {  	[tilespmem:s13+$0x0] =	vst.add.f32.msk $0xffff, v1;
	s13 =	sor.u32 s28, s3  }
0x51: {  	s29 =	sor.u32 s9, s17;
	s30 =	sor.u32 s9, s25;
	v1 =	vld [tilespmem:s13+$0x18000]  }
0x52: {  	s7 =	sor.u32 s18, s17;
	s16 =	sor.u32 s28, s16;
	s17 =	sor.u32 s28, s17;
	[tilespmem:s29+$0x0] =	vst.add.f32.msk $0xffff, v2  }
0x53: {  	s15 =	sor.u32 s28, s25;
	s14 =	simm.s32 $0x0;
	[tilespmem:s30+$0x0] =	vst.add.f32.msk $0xffff, v2;
	s3 =	sor.u32 s18, s25  }
.LBB2_2:
0x54: {  	s12 =	sadd.s32 $0x40, s12;
	[tilespmem:s7+$0x0] =	vst.add.f32.msk $0xffff, v0  }
0x55: {  	s14 =	sadd.s32 $0x200, s14;
	s7 =	sshrl.u32 s12, $0x3;
	[tilespmem:s3+$0x0] =	vst.add.f32.msk $0xffff, v0  }
0x56: {  	s3 =	sand.u32 $0x40, s12;
	s18 =	sand.u32 $0x1C00, s14;
	s7 =	sand.u32 $0x1FFFFF80, s7;
	[tilespmem:s13+$0x0] =	vst.add.f32.msk $0xffff, v1  }
0x57: {  	s19 =	sor.u32 $0x30, s3;
	s7 =	sadd.s32 s18, s7;
	s18 =	sor.u32 $0x10, s3;
	[tilespmem:s16+$0x0] =	vst.add.f32.msk $0xffff, v1  }
0x58: {  	s22 =	sor.u32 $0x20, s3;
	s21 =	sor.u32 s3, s7;
	s16 =	sor.u32 s19, s7;
	[tilespmem:s17+$0x0] =	vst.add.f32.msk $0xffff, v1  }
0x59: {  	p0 =	slt.u32 s12, $0x1FC0;
	s24 =	sor.u32 s18, s7;
	s13 =	sor.u32 s22, s7;
	v2 =	vld [tilespmem:s16+$0x18000]  }
0x5a: {  	v3 =	vld [tilespmem:s21+$0x18000]  }
0x5b: {  	v0 =	vld [tilespmem:s24+$0x18000]  }
0x5c: {  	v4 =	vld [tilespmem:s13+$0x18000]  }
0x5d: {  	s17 =	sadd.s32 $0x2000, s7;
	[tilespmem:s15+$0x0] =	vst.add.f32.msk $0xffff, v1  }
0x5e: {  	s25 =	sor.u32 s3, s17;
	s15 =	sadd.s32 $0x4000, s7;
	[tilespmem:s16+$0x0] =	vst.add.f32.msk $0xffff, v2;
	s16 =	sor.u32 s19, s17  }
0x5f: {  	s28 =	sadd.s32 $0x6000, s7;
	s26 =	sor.u32 s3, s15;
	s7 =	sor.u32 s19, s15;
	[tilespmem:s16+$0x0] =	vst.add.f32.msk $0xffff, v2  }
0x60: {  	s30 =	sor.u32 s3, s28;
	s29 =	sor.u32 s18, s17;
	s19 =	sor.u32 s19, s28;
	[tilespmem:s7+$0x0] =	vst.add.f32.msk $0xffff, v2  }
0x61: {  	s3 =	sor.u32 s18, s28;
	s16 =	sor.u32 s22, s17;
	s7 =	sor.u32 s18, s15;
	[tilespmem:s19+$0x0] =	vst.add.f32.msk $0xffff, v2;
	v1 =	vmov v4  }
0x62: {  	s17 =	sor.u32 s22, s15;
	s15 =	sor.u32 s22, s28;
	[tilespmem:s21+$0x0] =	vst.add.f32.msk $0xffff, v3  }
.Ltmp0:
0x63: {  	[tilespmem:s25+$0x0] =	vst.add.f32.msk $0xffff, v3;
	(pc) =	sbr.rel @p0 .LBB2_2-.Ltmp0, $4  }
0x64: {  	[tilespmem:s26+$0x0] =	vst.add.f32.msk $0xffff, v3  }
0x65: {  	[tilespmem:s30+$0x0] =	vst.add.f32.msk $0xffff, v3  }
0x66: {  	[tilespmem:s24+$0x0] =	vst.add.f32.msk $0xffff, v0  }
0x67: {  	[tilespmem:s29+$0x0] =	vst.add.f32.msk $0xffff, v0  }
0x68: {  	[tilespmem:s7+$0x0] =	vst.add.f32.msk $0xffff, v0  }
0x69: {  	[tilespmem:s13+$0x0] =	vst.add.f32.msk $0xffff, v1  }
0x6a: {  	[tilespmem:s3+$0x0] =	vst.add.f32.msk $0xffff, v0  }
0x6b: {  	[tilespmem:s16+$0x0] =	vst.add.f32.msk $0xffff, v1  }
0x6c: {  	[tilespmem:s17+$0x0] =	vst.add.f32.msk $0xffff, v1  }
0x6d: {  	[tilespmem:s15+$0x0] =	vst.add.f32.msk $0xffff, v1  }
0x6e: {  	s4 =	simm.s32 $0x0;
	s2 =	rddreg [dreg:$0x12]  }
0x6f: {  	[hbm4b:s2+s4] =	stream.linear.scatter [tilespmem:s4], [sflag:$0x4], $0x2000, $0x38;
	[tilespmem:$0x1E000] =	vst v63  }
0x70: {  	s15 =	simm.s32 $0x2000;
	s14 =	rddreg [dreg:$0x13]  }
0x71: {  	[hbm4b:s14+s4] =	stream.linear.scatter [tilespmem:s15], [sflag:$0x4], $0x2000, $0x38;
	[tilespmem:$0x1E000] =	vst v63  }
0x72: {  	s17 =	simm.s32 $0x4000;
	s16 =	rddreg [dreg:$0x14]  }
0x73: {  	[hbm4b:s16+s4] =	stream.linear.scatter [tilespmem:s17], [sflag:$0x4], $0x2000, $0x38;
	[tilespmem:$0x1E000] =	vst v63  }
0x74: {  	s19 =	simm.s32 $0x6000;
	s18 =	rddreg [dreg:$0x15]  }
0x75: {  	[hbm4b:s18+s4] =	stream.linear.scatter [tilespmem:s19], [sflag:$0x4], $0x2000, $0x38;
	[tilespmem:$0x1E000] =	vst v63  }
0x76: {  	s22 =	simm.s32 $0x10000;
	s21 =	rddreg [dreg:$0x16]  }
0x77: {  	[tilespmem:s22], [sflag:$0x3] =	stream.linear.gather [hbm4b:s21+s4], $0x2000, $0x38;
	[tilespmem:$0x1E000] =	vst v63  }
0x78: {  	s25 =	simm.s32 $0x12000;
	s24 =	rddreg [dreg:$0x18]  }
0x79: {  	[tilespmem:s25], [sflag:$0x3] =	stream.linear.gather [hbm4b:s24+s4], $0x2000, $0x38;
	[tilespmem:$0x1E000] =	vst v63  }
0x7a: {  	s28 =	simm.s32 $0x14000;
	s26 =	rddreg [dreg:$0x19]  }
0x7b: {  	[tilespmem:s28], [sflag:$0x3] =	stream.linear.gather [hbm4b:s26+s4], $0x2000, $0x38;
	[tilespmem:$0x1E000] =	vst v63  }
0x7c: {  	s30 =	simm.s32 $0x16000;
	s29 =	rddreg [dreg:$0x1a];
	s22 =	simm.s32 $0x0  }
0x7d: {  	[tilespmem:s30], [sflag:$0x3] =	stream.linear.gather [hbm4b:s29+s4], $0x2000, $0x38;
	[tilespmem:$0x1E000] =	vst v63  }
.LBB2_4:
0x7e: {  	s30 =	smul.u32 $0x18, s22;
	s2 =	simm.s32 $0x8  }
0x7f: {  	_ =	swait.ge [sflag:s2], $0x2000  }
0x80: {  	s26 =	sadd.s32 $0x10, s30;
	[sflag:s2] =	ssyncset.done $0x0  }
0x81: {  	s3 =	sadd.s32 s10, s26;
	[sflag:s2] =	ssyncadd.s32 $0xFFFFE000  }
0x82: {  	s14 =	sshll.u32 s3, $0x7;
	s2 =	rddreg [dreg:$0x1]  }
0x83: {  	s29 =	simm.s32 $0x1C000;
	s4 =	simm.s32 $0x0;
	s3 =	sadd.s32 s2, s14  }
0x84: {  	[tilespmem:s29], [sflag:$0x9] =	stream.linear.gather [hbm4b:s3+s4], $0x2000, $0x38;
	[tilespmem:$0x1E000] =	vst v63  }
0x85: {  	_ =	swait.ge [sflag:s0], $0x2000  }
0x86: {  	[sflag:s0] =	ssyncset.done $0x0  }
0x87: {  	[sflag:s0] =	ssyncadd.s32 $0xFFFFE000  }
0x88: {  	_ =	swait.ge [sflag:s0], $0x2000  }
0x89: {  	[sflag:s0] =	ssyncset.done $0x0  }
0x8a: {  	[sflag:s0] =	ssyncadd.s32 $0xFFFFE000  }
0x8b: {  	_ =	swait.ge [sflag:s0], $0x2000  }
0x8c: {  	s13 =	simm.s32 $0x0;
	[sflag:s0] =	ssyncset.done $0x0  }
0x8d: {  	s7 =	sand.u32 $0x40, s13;
	s2 =	simm.s32 $0x0;
	[sflag:s0] =	ssyncadd.s32 $0xFFFFE000  }
0x8e: {  	s15 =	sand.u32 $0x1C00, s4;
	s3 =	sand.u32 $0x1FFFFF80, s2;
	_ =	swait.ge [sflag:s0], $0x2000  }
0x8f: {  	s16 =	sor.u32 $0x30, s7;
	s3 =	sadd.s32 s15, s3;
	[sflag:s0] =	ssyncset.done $0x0  }
0x90: {  	s17 =	sor.u32 s16, s3;
	[sflag:s0] =	ssyncadd.s32 $0xFFFFE000  }
0x91: {  	s18 =	sor.u32 $0x10, s7;
	s19 =	sor.u32 s7, s3;
	v2 =	vld [tilespmem:s17+$0x1A000]  }
0x92: {  	s24 =	sor.u32 s18, s3;
	v3 =	vld [tilespmem:s19+$0x1A000]  }
0x93: {  	s21 =	sor.u32 $0x20, s7;
	v1 =	vld [tilespmem:s24+$0x1A000]  }
0x94: {  	s15 =	sor.u32 s21, s3  }
0x95: {  	v0 =	vld [tilespmem:s15+$0x1A000]  }
0x96: {  	[tilespmem:s17+$0x8000] =	vst.add.f32.msk $0xffff, v2  }
0x97: {  	s25 =	sadd.s32 $0xA000, s3;
	[tilespmem:s19+$0x8000] =	vst.add.f32.msk $0xffff, v3  }
0x98: {  	s4 =	sor.u32 s16, s25;
	[tilespmem:s24+$0x8000] =	vst.add.f32.msk $0xffff, v1  }
0x99: {  	s28 =	sadd.s32 $0xC000, s3;
	s29 =	sadd.s32 $0xE000, s3;
	s8 =	sor.u32 s7, s25;
	[tilespmem:s4+$0x0] =	vst.add.f32.msk $0xffff, v2  }
0x9a: {  	s5 =	sor.u32 s16, s28;
	s6 =	sor.u32 s16, s29;
	s16 =	sor.u32 s18, s25;
	[tilespmem:s8+$0x0] =	vst.add.f32.msk $0xffff, v3  }
0x9b: {  	[tilespmem:s16+$0x0] =	vst.add.f32.msk $0xffff, v1  }
0x9c: {  	s9 =	sor.u32 s7, s28;
	[tilespmem:s5+$0x0] =	vst.add.f32.msk $0xffff, v2  }
0x9d: {  	s12 =	sor.u32 s7, s29;
	[tilespmem:s9+$0x0] =	vst.add.f32.msk $0xffff, v3  }
0x9e: {  	s3 =	sor.u32 s18, s29;
	s19 =	sor.u32 s18, s28;
	s18 =	sor.u32 s21, s25;
	[tilespmem:s6+$0x0] =	vst.add.f32.msk $0xffff, v2  }
0x9f: {  	s24 =	sor.u32 s21, s28;
	s17 =	sor.u32 s21, s29;
	s16 =	simm.s32 $0x0;
	[tilespmem:s12+$0x0] =	vst.add.f32.msk $0xffff, v3  }
.LBB2_5:
0xa0: {  	s13 =	sadd.s32 $0x40, s13;
	[tilespmem:s19+$0x0] =	vst.add.f32.msk $0xffff, v1  }
0xa1: {  	s16 =	sadd.s32 $0x200, s16;
	s7 =	sshrl.u32 s13, $0x3;
	[tilespmem:s3+$0x0] =	vst.add.f32.msk $0xffff, v1  }
0xa2: {  	s3 =	sand.u32 $0x40, s13;
	s19 =	sand.u32 $0x1C00, s16;
	s7 =	sand.u32 $0x1FFFFF80, s7;
	[tilespmem:s15+$0x8000] =	vst.add.f32.msk $0xffff, v0  }
0xa3: {  	s21 =	sor.u32 $0x10, s3;
	s7 =	sadd.s32 s19, s7;
	s19 =	sor.u32 $0x30, s3;
	[tilespmem:s18+$0x0] =	vst.add.f32.msk $0xffff, v0  }
0xa4: {  	s28 =	sor.u32 $0x20, s3;
	s25 =	sor.u32 s3, s7;
	s18 =	sor.u32 s19, s7;
	[tilespmem:s24+$0x0] =	vst.add.f32.msk $0xffff, v0  }
0xa5: {  	p0 =	slt.u32 s13, $0x1FC0;
	s29 =	sor.u32 s21, s7;
	s15 =	sor.u32 s28, s7;
	v2 =	vld [tilespmem:s18+$0x1A000]  }
0xa6: {  	v3 =	vld [tilespmem:s25+$0x1A000]  }
0xa7: {  	v1 =	vld [tilespmem:s29+$0x1A000]  }
0xa8: {  	v4 =	vld [tilespmem:s15+$0x1A000]  }
0xa9: {  	s24 =	sadd.s32 $0xA000, s7;
	[tilespmem:s17+$0x0] =	vst.add.f32.msk $0xffff, v0  }
0xaa: {  	s12 =	sor.u32 s3, s24;
	s17 =	sadd.s32 $0xC000, s7;
	[tilespmem:s18+$0x8000] =	vst.add.f32.msk $0xffff, v2;
	s18 =	sor.u32 s19, s24  }
0xab: {  	s7 =	sadd.s32 $0xE000, s7;
	s5 =	sor.u32 s3, s17;
	[tilespmem:s18+$0x0] =	vst.add.f32.msk $0xffff, v2;
	s18 =	sor.u32 s19, s17  }
0xac: {  	s8 =	sor.u32 s21, s24;
	s6 =	sor.u32 s3, s7;
	s9 =	sor.u32 s19, s7;
	[tilespmem:s18+$0x0] =	vst.add.f32.msk $0xffff, v2  }
0xad: {  	s3 =	sor.u32 s21, s7;
	s19 =	sor.u32 s21, s17;
	s18 =	sor.u32 s28, s24;
	[tilespmem:s9+$0x0] =	vst.add.f32.msk $0xffff, v2;
	v0 =	vmov v4  }
0xae: {  	s24 =	sor.u32 s28, s17;
	s17 =	sor.u32 s28, s7;
	[tilespmem:s25+$0x8000] =	vst.add.f32.msk $0xffff, v3  }
.Ltmp1:
0xaf: {  	[tilespmem:s12+$0x0] =	vst.add.f32.msk $0xffff, v3;
	(pc) =	sbr.rel @p0 .LBB2_5-.Ltmp1, $4  }
0xb0: {  	[tilespmem:s5+$0x0] =	vst.add.f32.msk $0xffff, v3  }
0xb1: {  	[tilespmem:s6+$0x0] =	vst.add.f32.msk $0xffff, v3  }
0xb2: {  	[tilespmem:s29+$0x8000] =	vst.add.f32.msk $0xffff, v1  }
0xb3: {  	[tilespmem:s8+$0x0] =	vst.add.f32.msk $0xffff, v1  }
0xb4: {  	[tilespmem:s19+$0x0] =	vst.add.f32.msk $0xffff, v1  }
0xb5: {  	[tilespmem:s15+$0x8000] =	vst.add.f32.msk $0xffff, v0  }
0xb6: {  	[tilespmem:s3+$0x0] =	vst.add.f32.msk $0xffff, v1  }
0xb7: {  	s16 =	sadd.s32 $0x8, s30;
	[tilespmem:s18+$0x0] =	vst.add.f32.msk $0xffff, v0  }
0xb8: {  	s5 =	sadd.s32 s10, s16;
	[tilespmem:s24+$0x0] =	vst.add.f32.msk $0xffff, v0  }
0xb9: {  	s2 =	rddreg [dreg:$0x2];
	s15 =	simm.s32 $0x0;
	s5 =	sshll.u32 s5, $0x7;
	[tilespmem:s17+$0x0] =	vst.add.f32.msk $0xffff, v0  }
0xba: {  	s7 =	simm.s32 $0x8000;
	s5 =	sadd.s32 s2, s5;
	s4 =	rddreg [dreg:$0x6]  }
0xbb: {  	[hbm4b:s5+s15] =	stream.linear.scatter [tilespmem:s7], [sflag:$0x5], $0x2000, $0x38;
	[tilespmem:$0x1E000] =	vst v63  }
0xbc: {  	s6 =	sadd.s32 s4, s16  }
0xbd: {  	s21 =	rddreg [dreg:$0x7];
	s19 =	sshll.u32 s6, $0x7  }
0xbe: {  	s8 =	simm.s32 $0xA000;
	s24 =	sadd.s32 s21, s16;
	s5 =	sadd.s32 s2, s19  }
0xbf: {  	[hbm4b:s5+s15] =	stream.linear.scatter [tilespmem:s8], [sflag:$0x5], $0x2000, $0x38;
	[tilespmem:$0x1E000] =	vst v63  }
0xc0: {  	s25 =	sshll.u32 s24, $0x7;
	s8 =	rddreg [dreg:$0x8]  }
0xc1: {  	s29 =	simm.s32 $0xC000;
	s5 =	sadd.s32 s2, s25;
	s3 =	sadd.s32 s8, s16  }
0xc2: {  	[hbm4b:s5+s15] =	stream.linear.scatter [tilespmem:s29], [sflag:$0x5], $0x2000, $0x38;
	[tilespmem:$0x1E000] =	vst v63  }
0xc3: {  	s3 =	sshll.u32 s3, $0x7  }
0xc4: {  	s6 =	simm.s32 $0xE000;
	s3 =	sadd.s32 s2, s3  }
0xc5: {  	[hbm4b:s3+s15] =	stream.linear.scatter [tilespmem:s6], [sflag:$0x5], $0x2000, $0x38;
	[tilespmem:$0x1E000] =	vst v63  }
0xc6: {  	_ =	swait.ge [sflag:s1], $0x2000  }
0xc7: {  	[sflag:s1] =	ssyncset.done $0x0  }
0xc8: {  	[sflag:s1] =	ssyncadd.s32 $0xFFFFE000  }
0xc9: {  	_ =	swait.ge [sflag:s1], $0x2000  }
0xca: {  	[sflag:s1] =	ssyncset.done $0x0  }
0xcb: {  	[sflag:s1] =	ssyncadd.s32 $0xFFFFE000  }
0xcc: {  	_ =	swait.ge [sflag:s1], $0x2000  }
0xcd: {  	[sflag:s1] =	ssyncset.done $0x0  }
0xce: {  	[sflag:s1] =	ssyncadd.s32 $0xFFFFE000  }
0xcf: {  	_ =	swait.ge [sflag:s1], $0x2000  }
0xd0: {  	s9 =	sadd.s32 $0x18, s30;
	[sflag:s1] =	ssyncset.done $0x0  }
0xd1: {  	s12 =	sadd.s32 s10, s9;
	s13 =	sadd.s32 s4, s9;
	[sflag:s1] =	ssyncadd.s32 $0xFFFFE000  }
0xd2: {  	s18 =	sadd.s32 s21, s9;
	s24 =	sshll.u32 s12, $0x7;
	s16 =	rddreg [dreg:$0x0]  }
0xd3: {  	s21 =	simm.s32 $0x2000;
	s25 =	sshll.u32 s13, $0x7;
	s17 =	sadd.s32 s16, s24  }
0xd4: {  	[tilespmem:s15], [sflag:$0x1] =	stream.linear.gather [hbm4b:s17+s15], $0x2000, $0x38;
	[tilespmem:$0x1E000] =	vst v63  }
0xd5: {  	s28 =	sshll.u32 s18, $0x7;
	s3 =	sadd.s32 s8, s9;
	s19 =	sadd.s32 s16, s25  }
0xd6: {  	[tilespmem:s21], [sflag:$0x1] =	stream.linear.gather [hbm4b:s19+s15], $0x2000, $0x38;
	[tilespmem:$0x1E000] =	vst v63  }
0xd7: {  	s29 =	simm.s32 $0x4000;
	s13 =	sshll.u32 s3, $0x7;
	s5 =	sadd.s32 s16, s28  }
0xd8: {  	[tilespmem:s29], [sflag:$0x1] =	stream.linear.gather [hbm4b:s5+s15], $0x2000, $0x38;
	[tilespmem:$0x1E000] =	vst v63  }
0xd9: {  	s7 =	simm.s32 $0x9;
	s6 =	simm.s32 $0x6000;
	s3 =	sadd.s32 s16, s13  }
0xda: {  	[tilespmem:s6], [sflag:$0x1] =	stream.linear.gather [hbm4b:s3+s15], $0x2000, $0x38;
	[tilespmem:$0x1E000] =	vst v63  }
0xdb: {  	_ =	swait.ge [sflag:s7], $0x2000  }
0xdc: {  	[sflag:s7] =	ssyncset.done $0x0  }
0xdd: {  	[sflag:s7] =	ssyncadd.s32 $0xFFFFE000  }
0xde: {  	s2 =	rddreg [dreg:$0x1]  }
0xdf: {  	s9 =	simm.s32 $0x18000;
	s8 =	sadd.s32 s2, s24  }
0xe0: {  	[tilespmem:s9], [sflag:$0x7] =	stream.linear.gather [hbm4b:s8+s15], $0x2000, $0x38;
	[tilespmem:$0x1E000] =	vst v63  }
0xe1: {  	_ =	swait.ge [sflag:s20], $0x2000  }
0xe2: {  	[sflag:s20] =	ssyncset.done $0x0  }
0xe3: {  	[sflag:s20] =	ssyncadd.s32 $0xFFFFE000  }
0xe4: {  	_ =	swait.ge [sflag:s20], $0x2000  }
0xe5: {  	[sflag:s20] =	ssyncset.done $0x0  }
0xe6: {  	[sflag:s20] =	ssyncadd.s32 $0xFFFFE000  }
0xe7: {  	_ =	swait.ge [sflag:s20], $0x2000  }
0xe8: {  	s10 =	simm.s32 $0x0;
	[sflag:s20] =	ssyncset.done $0x0  }
0xe9: {  	s12 =	sand.u32 $0x1C00, s15;
	s16 =	simm.s32 $0x0;
	[sflag:s20] =	ssyncadd.s32 $0xFFFFE000  }
0xea: {  	s5 =	sand.u32 $0x40, s16;
	s3 =	sand.u32 $0x1FFFFF80, s10;
	_ =	swait.ge [sflag:s20], $0x2000  }
0xeb: {  	s17 =	sor.u32 $0x30, s5;
	s3 =	sadd.s32 s12, s3;
	[sflag:s20] =	ssyncset.done $0x0  }
0xec: {  	s19 =	sor.u32 s17, s3;
	[sflag:s20] =	ssyncadd.s32 $0xFFFFE000  }
0xed: {  	s21 =	sor.u32 s5, s3;
	v0 =	vld [tilespmem:s19+$0x1C000]  }
0xee: {  	v1 =	vld [tilespmem:s21+$0x1C000];
	_ =	sdelay $0x3  }
0xef: {  	s9 =	sadd.s32 $0x12000, s3;
	[tilespmem:s19+$0x10000] =	vst.add.f32.msk $0xffff, v0  }
0xf0: {  	s12 =	sadd.s32 $0x14000, s3;
	s29 =	sor.u32 s17, s9;
	[tilespmem:s21+$0x10000] =	vst.add.f32.msk $0xffff, v1  }
0xf1: {  	s18 =	sadd.s32 $0x16000, s3;
	s2 =	sor.u32 s17, s12;
	[tilespmem:s29+$0x0] =	vst.add.f32.msk $0xffff, v0  }
0xf2: {  	s4 =	sor.u32 $0x10, s5;
	s6 =	sor.u32 s17, s18;
	[tilespmem:s2+$0x0] =	vst.add.f32.msk $0xffff, v0  }
0xf3: {  	s10 =	sor.u32 s4, s3;
	[tilespmem:s6+$0x0] =	vst.add.f32.msk $0xffff, v0  }
0xf4: {  	s17 =	sor.u32 s5, s9;
	v0 =	vld [tilespmem:s10+$0x1C000]  }
0xf5: {  	s19 =	sor.u32 s5, s12;
	[tilespmem:s17+$0x0] =	vst.add.f32.msk $0xffff, v1  }
0xf6: {  	s21 =	sor.u32 s5, s18;
	s5 =	sor.u32 $0x20, s5;
	[tilespmem:s19+$0x0] =	vst.add.f32.msk $0xffff, v1  }
0xf7: {  	s17 =	sor.u32 s5, s3;
	[tilespmem:s21+$0x0] =	vst.add.f32.msk $0xffff, v1  }
0xf8: {  	v1 =	vld [tilespmem:s17+$0x1C000]  }
0xf9: {  	s7 =	sor.u32 s4, s18;
	s29 =	sor.u32 s4, s9;
	s3 =	sor.u32 s5, s12;
	[tilespmem:s10+$0x10000] =	vst.add.f32.msk $0xffff, v0  }
0xfa: {  	s18 =	sor.u32 s5, s18;
	s19 =	sor.u32 s5, s9;
	s21 =	sor.u32 s4, s12;
	[tilespmem:s29+$0x0] =	vst.add.f32.msk $0xffff, v0  }
.LBB2_7:
0xfb: {  	s16 =	sadd.s32 $0x40, s16;
	[tilespmem:s21+$0x0] =	vst.add.f32.msk $0xffff, v0  }
0xfc: {  	s15 =	sadd.s32 $0x200, s15;
	s5 =	sshrl.u32 s16, $0x3;
	[tilespmem:s7+$0x0] =	vst.add.f32.msk $0xffff, v0  }
0xfd: {  	s6 =	sand.u32 $0x40, s16;
	s7 =	sand.u32 $0x1C00, s15;
	s5 =	sand.u32 $0x1FFFFF80, s5;
	[tilespmem:s17+$0x10000] =	vst.add.f32.msk $0xffff, v1  }
0xfe: {  	s8 =	sor.u32 $0x30, s6;
	s5 =	sadd.s32 s7, s5;
	s7 =	sor.u32 $0x10, s6;
	[tilespmem:s19+$0x0] =	vst.add.f32.msk $0xffff, v1  }
0xff: {  	s12 =	sor.u32 $0x20, s6;
	s9 =	sor.u32 s6, s5;
	s19 =	sor.u32 s8, s5;
	[tilespmem:s3+$0x0] =	vst.add.f32.msk $0xffff, v1  }
0x100: {  	p0 =	slt.u32 s16, $0x1FC0;
	s29 =	sor.u32 s7, s5;
	s17 =	sor.u32 s12, s5;
	v2 =	vld [tilespmem:s19+$0x1C000]  }
0x101: {  	v3 =	vld [tilespmem:s9+$0x1C000]  }
0x102: {  	v0 =	vld [tilespmem:s29+$0x1C000]  }
0x103: {  	v4 =	vld [tilespmem:s17+$0x1C000]  }
0x104: {  	s3 =	sadd.s32 $0x12000, s5;
	[tilespmem:s18+$0x0] =	vst.add.f32.msk $0xffff, v1  }
0x105: {  	s10 =	sor.u32 s6, s3;
	s18 =	sadd.s32 $0x14000, s5;
	[tilespmem:s19+$0x10000] =	vst.add.f32.msk $0xffff, v2;
	s19 =	sor.u32 s8, s3  }
0x106: {  	s5 =	sadd.s32 $0x16000, s5;
	s2 =	sor.u32 s6, s18;
	[tilespmem:s19+$0x0] =	vst.add.f32.msk $0xffff, v2;
	s19 =	sor.u32 s8, s18  }
0x107: {  	s4 =	sor.u32 s7, s3;
	s6 =	sor.u32 s6, s5;
	s8 =	sor.u32 s8, s5;
	[tilespmem:s19+$0x0] =	vst.add.f32.msk $0xffff, v2  }
0x108: {  	s21 =	sor.u32 s7, s18;
	s7 =	sor.u32 s7, s5;
	s19 =	sor.u32 s12, s3;
	[tilespmem:s8+$0x0] =	vst.add.f32.msk $0xffff, v2;
	v1 =	vmov v4  }
0x109: {  	s3 =	sor.u32 s12, s18;
	s18 =	sor.u32 s12, s5;
	[tilespmem:s9+$0x10000] =	vst.add.f32.msk $0xffff, v3  }
.Ltmp2:
0x10a: {  	[tilespmem:s10+$0x0] =	vst.add.f32.msk $0xffff, v3;
	(pc) =	sbr.rel @p0 .LBB2_7-.Ltmp2, $4  }
0x10b: {  	[tilespmem:s2+$0x0] =	vst.add.f32.msk $0xffff, v3  }
0x10c: {  	[tilespmem:s6+$0x0] =	vst.add.f32.msk $0xffff, v3  }
0x10d: {  	[tilespmem:s29+$0x10000] =	vst.add.f32.msk $0xffff, v0  }
0x10e: {  	[tilespmem:s4+$0x0] =	vst.add.f32.msk $0xffff, v0  }
0x10f: {  	[tilespmem:s21+$0x0] =	vst.add.f32.msk $0xffff, v0  }
0x110: {  	[tilespmem:s17+$0x10000] =	vst.add.f32.msk $0xffff, v1  }
0x111: {  	[tilespmem:s7+$0x0] =	vst.add.f32.msk $0xffff, v0  }
0x112: {  	[tilespmem:s19+$0x0] =	vst.add.f32.msk $0xffff, v1  }
0x113: {  	[tilespmem:s3+$0x0] =	vst.add.f32.msk $0xffff, v1  }
0x114: {  	s4 =	rddreg [dreg:$0x2];
	s6 =	simm.s32 $0x10000;
	[tilespmem:s18+$0x0] =	vst.add.f32.msk $0xffff, v1  }
0x115: {  	s17 =	sadd.s32 s4, s14;
	s14 =	simm.s32 $0x0;
	s5 =	rddreg [dreg:$0x6]  }
0x116: {  	[hbm4b:s17+s14] =	stream.linear.scatter [tilespmem:s6], [sflag:$0x6], $0x2000, $0x38;
	[tilespmem:$0x1E000] =	vst v63  }
0x117: {  	s19 =	simm.s32 $0x12000;
	s7 =	rddreg [dreg:$0x7];
	s2 =	sadd.s32 s5, s26  }
0x118: {  	s8 =	rddreg [dreg:$0x8];
	s18 =	sadd.s32 s7, s26;
	s2 =	sshll.u32 s2, $0x7  }
0x119: {  	s26 =	sadd.s32 s8, s26;
	s21 =	sshll.u32 s18, $0x7;
	s2 =	sadd.s32 s4, s2  }
0x11a: {  	[hbm4b:s2+s14] =	stream.linear.scatter [tilespmem:s19], [sflag:$0x6], $0x2000, $0x38;
	[tilespmem:$0x1E000] =	vst v63  }
0x11b: {  	s29 =	simm.s32 $0x14000;
	s9 =	sshll.u32 s26, $0x7;
	s2 =	sadd.s32 s4, s21  }
0x11c: {  	[hbm4b:s2+s14] =	stream.linear.scatter [tilespmem:s29], [sflag:$0x6], $0x2000, $0x38;
	[tilespmem:$0x1E000] =	vst v63  }
0x11d: {  	s10 =	simm.s32 $0x16000;
	s2 =	sadd.s32 s4, s9  }
0x11e: {  	[hbm4b:s2+s14] =	stream.linear.scatter [tilespmem:s10], [sflag:$0x6], $0x2000, $0x38;
	[tilespmem:$0x1E000] =	vst v63  }
0x11f: {  	_ =	swait.ge [sflag:s11], $0x2000  }
0x120: {  	[sflag:s11] =	ssyncset.done $0x0  }
0x121: {  	[sflag:s11] =	ssyncadd.s32 $0xFFFFE000  }
0x122: {  	_ =	swait.ge [sflag:s11], $0x2000  }
0x123: {  	[sflag:s11] =	ssyncset.done $0x0  }
0x124: {  	[sflag:s11] =	ssyncadd.s32 $0xFFFFE000  }
0x125: {  	_ =	swait.ge [sflag:s11], $0x2000  }
0x126: {  	s12 =	smul.u32 $0x3, s22;
	[sflag:s11] =	ssyncset.done $0x0  }
0x127: {  	[sflag:s11] =	ssyncadd.s32 $0xFFFFE000  }
0x128: {  	s21 =	simm.s32 $0xA000;
	s2 =	sadd.s32 $0x4, s12;
	_ =	swait.ge [sflag:s11], $0x2000  }
0x129: {  	s15 =	sshll.u32 s2, $0x3;
	s16 =	rddreg [dreg:$0x4];
	[sflag:s11] =	ssyncset.done $0x0  }
0x12a: {  	s9 =	simm.s32 $0x8000;
	s4 =	sadd.s32 s16, s15;
	[sflag:s11] =	ssyncadd.s32 $0xFFFFE000  }
0x12b: {  	s5 =	sadd.s32 s5, s15;
	s4 =	sshll.u32 s4, $0x7;
	s17 =	rddreg [dreg:$0x0]  }
0x12c: {  	s19 =	sadd.s32 s7, s15;
	s18 =	sshll.u32 s5, $0x7;
	s4 =	sadd.s32 s17, s4  }
0x12d: {  	[tilespmem:s9], [sflag:$0x2] =	stream.linear.gather [hbm4b:s4+s14], $0x2000, $0x38;
	[tilespmem:$0x1E000] =	vst v63  }
0x12e: {  	s3 =	sadd.s32 s8, s15;
	s26 =	sshll.u32 s19, $0x7;
	s4 =	sadd.s32 s17, s18  }
0x12f: {  	[tilespmem:s21], [sflag:$0x2] =	stream.linear.gather [hbm4b:s4+s14], $0x2000, $0x38;
	[tilespmem:$0x1E000] =	vst v63  }
0x130: {  	s29 =	simm.s32 $0xC000;
	s3 =	sshll.u32 s3, $0x7;
	s4 =	sadd.s32 s17, s26  }
0x131: {  	[tilespmem:s29], [sflag:$0x2] =	stream.linear.gather [hbm4b:s4+s14], $0x2000, $0x38;
	[tilespmem:$0x1E000] =	vst v63  }
0x132: {  	s6 =	simm.s32 $0xE000;
	s7 =	simm.s32 $0x7;
	s3 =	sadd.s32 s17, s3  }
0x133: {  	[tilespmem:s6], [sflag:$0x2] =	stream.linear.gather [hbm4b:s3+s14], $0x2000, $0x38;
	[tilespmem:$0x1E000] =	vst v63  }
0x134: {  	_ =	swait.ge [sflag:s7], $0x2000  }
0x135: {  	s8 =	rddreg [dreg:$0x1b];
	[sflag:s7] =	ssyncset.done $0x0  }
0x136: {  	s2 =	sadd.s32 s8, s2;
	[sflag:s7] =	ssyncadd.s32 $0xFFFFE000  }
0x137: {  	s2 =	sshll.u32 s2, $0xA;
	s9 =	rddreg [dreg:$0x1]  }
0x138: {  	s10 =	simm.s32 $0x1A000;
	s2 =	sadd.s32 s9, s2  }
0x139: {  	[tilespmem:s10], [sflag:$0x8] =	stream.linear.gather [hbm4b:s2+s14], $0x2000, $0x38;
	[tilespmem:$0x1E000] =	vst v63  }
0x13a: {  	_ =	swait.ge [sflag:s23], $0x2000  }
0x13b: {  	[sflag:s23] =	ssyncset.done $0x0  }
0x13c: {  	[sflag:s23] =	ssyncadd.s32 $0xFFFFE000  }
0x13d: {  	_ =	swait.ge [sflag:s23], $0x2000  }
0x13e: {  	[sflag:s23] =	ssyncset.done $0x0  }
0x13f: {  	[sflag:s23] =	ssyncadd.s32 $0xFFFFE000  }
0x140: {  	_ =	swait.ge [sflag:s23], $0x2000  }
0x141: {  	s15 =	simm.s32 $0x0;
	[sflag:s23] =	ssyncset.done $0x0  }
0x142: {  	s12 =	simm.s32 $0x0;
	s16 =	sand.u32 $0x40, s15;
	[sflag:s23] =	ssyncadd.s32 $0xFFFFE000  }
0x143: {  	s18 =	sand.u32 $0x1C00, s14;
	s2 =	sand.u32 $0x1FFFFF80, s12;
	_ =	swait.ge [sflag:s23], $0x2000  }
0x144: {  	s19 =	sor.u32 $0x30, s16;
	s2 =	sadd.s32 s18, s2;
	[sflag:s23] =	ssyncset.done $0x0  }
0x145: {  	s21 =	sor.u32 s19, s2;
	[sflag:s23] =	ssyncadd.s32 $0xFFFFE000  }
0x146: {  	s26 =	sor.u32 s16, s2;
	v0 =	vld [tilespmem:s21+$0x18000]  }
0x147: {  	v1 =	vld [tilespmem:s26+$0x18000];
	_ =	sdelay $0x3  }
0x148: {  	s8 =	sadd.s32 $0x2000, s2;
	[tilespmem:s21+$0x0] =	vst.add.f32.msk $0xffff, v0  }
0x149: {  	s9 =	sadd.s32 $0x4000, s2;
	s29 =	sor.u32 s19, s8;
	[tilespmem:s26+$0x0] =	vst.add.f32.msk $0xffff, v1  }
0x14a: {  	s10 =	sadd.s32 $0x6000, s2;
	s7 =	sor.u32 s19, s9;
	[tilespmem:s29+$0x0] =	vst.add.f32.msk $0xffff, v0  }
0x14b: {  	s12 =	sor.u32 $0x10, s16;
	s4 =	sor.u32 s19, s10;
	[tilespmem:s7+$0x0] =	vst.add.f32.msk $0xffff, v0  }
0x14c: {  	s17 =	sor.u32 s12, s2;
	[tilespmem:s4+$0x0] =	vst.add.f32.msk $0xffff, v0  }
0x14d: {  	s18 =	sor.u32 s16, s8;
	v0 =	vld [tilespmem:s17+$0x18000]  }
0x14e: {  	s19 =	sor.u32 s16, s9;
	[tilespmem:s18+$0x0] =	vst.add.f32.msk $0xffff, v1  }
0x14f: {  	s21 =	sor.u32 s16, s10;
	s26 =	sor.u32 $0x20, s16;
	[tilespmem:s19+$0x0] =	vst.add.f32.msk $0xffff, v1  }
0x150: {  	s16 =	sor.u32 s26, s2;
	[tilespmem:s21+$0x0] =	vst.add.f32.msk $0xffff, v1  }
0x151: {  	v1 =	vld [tilespmem:s16+$0x18000]  }
0x152: {  	s29 =	sor.u32 s12, s8;
	s3 =	sor.u32 s26, s8;
	s18 =	sor.u32 s26, s9;
	[tilespmem:s17+$0x0] =	vst.add.f32.msk $0xffff, v0  }
0x153: {  	s19 =	sor.u32 s12, s9;
	s7 =	sor.u32 s12, s10;
	s17 =	sor.u32 s26, s10;
	[tilespmem:s29+$0x0] =	vst.add.f32.msk $0xffff, v0  }
.LBB2_9:
0x154: {  	s15 =	sadd.s32 $0x40, s15;
	[tilespmem:s19+$0x0] =	vst.add.f32.msk $0xffff, v0  }
0x155: {  	s14 =	sadd.s32 $0x200, s14;
	s2 =	sshrl.u32 s15, $0x3;
	[tilespmem:s7+$0x0] =	vst.add.f32.msk $0xffff, v0  }
0x156: {  	s4 =	sand.u32 $0x40, s15;
	s5 =	sand.u32 $0x1C00, s14;
	s2 =	sand.u32 $0x1FFFFF80, s2;
	[tilespmem:s16+$0x0] =	vst.add.f32.msk $0xffff, v1  }
0x157: {  	s6 =	sor.u32 $0x30, s4;
	s2 =	sadd.s32 s5, s2;
	s5 =	sor.u32 $0x10, s4;
	[tilespmem:s3+$0x0] =	vst.add.f32.msk $0xffff, v1  }
0x158: {  	s9 =	sor.u32 $0x20, s4;
	s8 =	sor.u32 s4, s2;
	s3 =	sor.u32 s6, s2;
	[tilespmem:s18+$0x0] =	vst.add.f32.msk $0xffff, v1  }
0x159: {  	p0 =	slt.u32 s15, $0x1FC0;
	s10 =	sor.u32 s5, s2;
	s16 =	sor.u32 s9, s2;
	v2 =	vld [tilespmem:s3+$0x18000]  }
0x15a: {  	v3 =	vld [tilespmem:s8+$0x18000]  }
0x15b: {  	v0 =	vld [tilespmem:s10+$0x18000]  }
0x15c: {  	v4 =	vld [tilespmem:s16+$0x18000]  }
0x15d: {  	s12 =	sadd.s32 $0x2000, s2;
	[tilespmem:s17+$0x0] =	vst.add.f32.msk $0xffff, v1  }
0x15e: {  	s21 =	sor.u32 s4, s12;
	s17 =	sadd.s32 $0x4000, s2;
	[tilespmem:s3+$0x0] =	vst.add.f32.msk $0xffff, v2;
	s3 =	sor.u32 s6, s12  }
0x15f: {  	s2 =	sadd.s32 $0x6000, s2;
	s26 =	sor.u32 s4, s17;
	[tilespmem:s3+$0x0] =	vst.add.f32.msk $0xffff, v2;
	s3 =	sor.u32 s6, s17  }
0x160: {  	s29 =	sor.u32 s5, s12;
	s4 =	sor.u32 s4, s2;
	s6 =	sor.u32 s6, s2;
	[tilespmem:s3+$0x0] =	vst.add.f32.msk $0xffff, v2  }
0x161: {  	s19 =	sor.u32 s5, s17;
	s7 =	sor.u32 s5, s2;
	s3 =	sor.u32 s9, s12;
	[tilespmem:s6+$0x0] =	vst.add.f32.msk $0xffff, v2;
	v1 =	vmov v4  }
0x162: {  	s18 =	sor.u32 s9, s17;
	s17 =	sor.u32 s9, s2;
	[tilespmem:s8+$0x0] =	vst.add.f32.msk $0xffff, v3  }
.Ltmp3:
0x163: {  	[tilespmem:s21+$0x0] =	vst.add.f32.msk $0xffff, v3;
	(pc) =	sbr.rel @p0 .LBB2_9-.Ltmp3, $4  }
0x164: {  	[tilespmem:s26+$0x0] =	vst.add.f32.msk $0xffff, v3  }
0x165: {  	[tilespmem:s4+$0x0] =	vst.add.f32.msk $0xffff, v3  }
0x166: {  	[tilespmem:s10+$0x0] =	vst.add.f32.msk $0xffff, v0  }
0x167: {  	[tilespmem:s29+$0x0] =	vst.add.f32.msk $0xffff, v0  }
0x168: {  	[tilespmem:s19+$0x0] =	vst.add.f32.msk $0xffff, v0  }
0x169: {  	[tilespmem:s16+$0x0] =	vst.add.f32.msk $0xffff, v1  }
0x16a: {  	[tilespmem:s7+$0x0] =	vst.add.f32.msk $0xffff, v0  }
0x16b: {  	[tilespmem:s3+$0x0] =	vst.add.f32.msk $0xffff, v1  }
0x16c: {  	s19 =	rddreg [dreg:$0x2];
	[tilespmem:s18+$0x0] =	vst.add.f32.msk $0xffff, v1  }
0x16d: {  	s2 =	sadd.s32 s19, s24;
	s24 =	simm.s32 $0x0;
	[tilespmem:s17+$0x0] =	vst.add.f32.msk $0xffff, v1  }
0x16e: {  	[hbm4b:s2+s24] =	stream.linear.scatter [tilespmem:s24], [sflag:$0x4], $0x2000, $0x38;
	[tilespmem:$0x1E000] =	vst v63  }
0x16f: {  	s4 =	simm.s32 $0x2000;
	p0 =	seq.s32 s22, $0x9;
	s21 =	sadd.s32 s19, s25  }
0x170: {  	[hbm4b:s21+s24] =	stream.linear.scatter [tilespmem:s4], [sflag:$0x4], $0x2000, $0x38;
	[tilespmem:$0x1E000] =	vst v63  }
.Ltmp4:
0x171: {  	_ = 	snop;
	(pc) =	sbr.rel @p0 .LBB2_12-.Ltmp4, $4  }
0x172: {  	s26 =	simm.s32 $0x4000;
	s25 =	sadd.s32 s19, s28  }
0x173: {  	[hbm4b:s25+s24] =	stream.linear.scatter [tilespmem:s26], [sflag:$0x4], $0x2000, $0x38;
	[tilespmem:$0x1E000] =	vst v63  }
0x174: {  	s29 =	simm.s32 $0x6000;
	s28 =	sadd.s32 s19, s13  }
0x175: {  	[hbm4b:s28+s24] =	stream.linear.scatter [tilespmem:s29], [sflag:$0x4], $0x2000, $0x38;
	[tilespmem:$0x1E000] =	vst v63  }
0x176: {  	_ =	swait.ge [sflag:s31], $0x2000  }
0x177: {  	[sflag:s31] =	ssyncset.done $0x0  }
0x178: {  	[sflag:s31] =	ssyncadd.s32 $0xFFFFE000  }
0x179: {  	_ =	swait.ge [sflag:s31], $0x2000  }
0x17a: {  	[sflag:s31] =	ssyncset.done $0x0  }
0x17b: {  	[sflag:s31] =	ssyncadd.s32 $0xFFFFE000  }
0x17c: {  	_ =	swait.ge [sflag:s31], $0x2000  }
0x17d: {  	[sflag:s31] =	ssyncset.done $0x0  }
0x17e: {  	[sflag:s31] =	ssyncadd.s32 $0xFFFFE000  }
0x17f: {  	s2 =	sadd.s32 $0x28, s30;
	s6 =	simm.s32 $0x10000;
	_ =	swait.ge [sflag:s31], $0x2000  }
0x180: {  	s25 =	simm.s32 $0x12000;
	s10 =	rddreg [dreg:$0x4];
	[sflag:s31] =	ssyncset.done $0x0  }
0x181: {  	s4 =	rddreg [dreg:$0x6];
	s3 =	sadd.s32 s10, s2;
	[sflag:s31] =	ssyncadd.s32 $0xFFFFE000  }
0x182: {  	s4 =	sadd.s32 s4, s2;
	s3 =	sshll.u32 s3, $0x7;
	s5 =	rddreg [dreg:$0x0]  }
0x183: {  	s21 =	rddreg [dreg:$0x7];
	s19 =	sshll.u32 s4, $0x7;
	s3 =	sadd.s32 s5, s3  }
0x184: {  	[tilespmem:s6], [sflag:$0x3] =	stream.linear.gather [hbm4b:s3+s24], $0x2000, $0x38;
	[tilespmem:$0x1E000] =	vst v63  }
0x185: {  	s28 =	rddreg [dreg:$0x8];
	s4 =	sadd.s32 s21, s2;
	s3 =	sadd.s32 s5, s19  }
0x186: {  	[tilespmem:s25], [sflag:$0x3] =	stream.linear.gather [hbm4b:s3+s24], $0x2000, $0x38;
	[tilespmem:$0x1E000] =	vst v63  }
.Ltmp5:
0x187: {  	s2 =	sadd.s32 s28, s2;
	s26 =	sshll.u32 s4, $0x7;
	(pc) =	sbr.rel .LBB2_4-.Ltmp5, $4  }
0x188: {  	s29 =	simm.s32 $0x14000;
	s2 =	sshll.u32 s2, $0x7;
	s3 =	sadd.s32 s5, s26  }
0x189: {  	[tilespmem:s29], [sflag:$0x3] =	stream.linear.gather [hbm4b:s3+s24], $0x2000, $0x38;
	[tilespmem:$0x1E000] =	vst v63  }
0x18a: {  	s30 =	simm.s32 $0x16000;
	s22 =	sadd.s32 $0x1, s22;
	s2 =	sadd.s32 s5, s2  }
0x18b: {  	[tilespmem:s30], [sflag:$0x3] =	stream.linear.gather [hbm4b:s2+s24], $0x2000, $0x38;
	[tilespmem:$0x1E000] =	vst v63  }
.LBB2_12:
0x18c: {  	s2 =	simm.s32 $0x8  }
0x18d: {  	_ =	swait.ge [sflag:s2], $0x2000  }
0x18e: {  	[sflag:s2] =	ssyncset.done $0x0  }
0x18f: {  	[sflag:s2] =	ssyncadd.s32 $0xFFFFE000  }
0x190: {  	_ =	swait.ge [sflag:s0], $0x2000  }
0x191: {  	[sflag:s0] =	ssyncset.done $0x0  }
0x192: {  	[sflag:s0] =	ssyncadd.s32 $0xFFFFE000  }
0x193: {  	_ =	swait.ge [sflag:s0], $0x2000  }
0x194: {  	[sflag:s0] =	ssyncset.done $0x0  }
0x195: {  	[sflag:s0] =	ssyncadd.s32 $0xFFFFE000  }
0x196: {  	_ =	swait.ge [sflag:s0], $0x2000  }
0x197: {  	s12 =	simm.s32 $0x0;
	s13 =	simm.s32 $0x0;
	[sflag:s0] =	ssyncset.done $0x0  }
0x198: {  	s21 =	simm.s32 $0x0;
	s3 =	sand.u32 $0x40, s13;
	[sflag:s0] =	ssyncadd.s32 $0xFFFFE000  }
0x199: {  	s4 =	sand.u32 $0x1C00, s12;
	s2 =	sand.u32 $0x1FFFFF80, s21;
	_ =	swait.ge [sflag:s0], $0x2000  }
0x19a: {  	s22 =	sor.u32 $0x30, s3;
	s2 =	sadd.s32 s4, s2;
	[sflag:s0] =	ssyncset.done $0x0  }
0x19b: {  	s5 =	sor.u32 s22, s2;
	[sflag:s0] =	ssyncadd.s32 $0xFFFFE000  }
0x19c: {  	s6 =	sor.u32 $0x10, s3;
	s7 =	sor.u32 s3, s2;
	v2 =	vld [tilespmem:s5+$0x1A000]  }
0x19d: {  	s9 =	sor.u32 s6, s2;
	v3 =	vld [tilespmem:s7+$0x1A000]  }
0x19e: {  	s8 =	sor.u32 $0x20, s3;
	v1 =	vld [tilespmem:s9+$0x1A000]  }
0x19f: {  	s14 =	sor.u32 s8, s2  }
0x1a0: {  	v0 =	vld [tilespmem:s14+$0x1A000]  }
0x1a1: {  	[tilespmem:s5+$0x8000] =	vst.add.f32.msk $0xffff, v2  }
0x1a2: {  	s10 =	sadd.s32 $0xA000, s2;
	[tilespmem:s7+$0x8000] =	vst.add.f32.msk $0xffff, v3  }
0x1a3: {  	s25 =	sor.u32 s22, s10;
	[tilespmem:s9+$0x8000] =	vst.add.f32.msk $0xffff, v1  }
0x1a4: {  	s28 =	sor.u32 s3, s10;
	[tilespmem:s25+$0x0] =	vst.add.f32.msk $0xffff, v2  }
0x1a5: {  	s15 =	sadd.s32 $0xC000, s2;
	s30 =	sor.u32 s6, s10;
	[tilespmem:s28+$0x0] =	vst.add.f32.msk $0xffff, v3  }
0x1a6: {  	s26 =	sor.u32 s22, s15;
	[tilespmem:s30+$0x0] =	vst.add.f32.msk $0xffff, v1  }
0x1a7: {  	s2 =	sadd.s32 $0xE000, s2;
	s29 =	sor.u32 s3, s15;
	[tilespmem:s26+$0x0] =	vst.add.f32.msk $0xffff, v2  }
0x1a8: {  	s4 =	sor.u32 s22, s2;
	[tilespmem:s29+$0x0] =	vst.add.f32.msk $0xffff, v3  }
0x1a9: {  	s3 =	sor.u32 s3, s2;
	s17 =	sor.u32 s6, s2;
	s16 =	sor.u32 s8, s15;
	[tilespmem:s4+$0x0] =	vst.add.f32.msk $0xffff, v2  }
0x1aa: {  	s7 =	sor.u32 s6, s15;
	s15 =	sor.u32 s8, s2;
	[tilespmem:s3+$0x0] =	vst.add.f32.msk $0xffff, v3;
	s3 =	sor.u32 s8, s10  }
.LBB2_13:
0x1ab: {  	s13 =	sadd.s32 $0x40, s13;
	[tilespmem:s7+$0x0] =	vst.add.f32.msk $0xffff, v1  }
0x1ac: {  	s12 =	sadd.s32 $0x200, s12;
	s2 =	sshrl.u32 s13, $0x3;
	[tilespmem:s17+$0x0] =	vst.add.f32.msk $0xffff, v1  }
0x1ad: {  	s4 =	sand.u32 $0x40, s13;
	s5 =	sand.u32 $0x1C00, s12;
	s2 =	sand.u32 $0x1FFFFF80, s2;
	[tilespmem:s14+$0x8000] =	vst.add.f32.msk $0xffff, v0  }
0x1ae: {  	s6 =	sor.u32 $0x30, s4;
	s2 =	sadd.s32 s5, s2;
	s5 =	sor.u32 $0x10, s4;
	[tilespmem:s3+$0x0] =	vst.add.f32.msk $0xffff, v0  }
0x1af: {  	s9 =	sor.u32 $0x20, s4;
	s8 =	sor.u32 s4, s2;
	s3 =	sor.u32 s6, s2;
	[tilespmem:s16+$0x0] =	vst.add.f32.msk $0xffff, v0  }
0x1b0: {  	p0 =	slt.u32 s13, $0x1FC0;
	s10 =	sor.u32 s5, s2;
	s14 =	sor.u32 s9, s2;
	v2 =	vld [tilespmem:s3+$0x1A000]  }
0x1b1: {  	v3 =	vld [tilespmem:s8+$0x1A000]  }
0x1b2: {  	v1 =	vld [tilespmem:s10+$0x1A000]  }
0x1b3: {  	v4 =	vld [tilespmem:s14+$0x1A000]  }
0x1b4: {  	s16 =	sadd.s32 $0xA000, s2;
	[tilespmem:s15+$0x0] =	vst.add.f32.msk $0xffff, v0  }
0x1b5: {  	s18 =	sor.u32 s4, s16;
	s15 =	sadd.s32 $0xC000, s2;
	[tilespmem:s3+$0x8000] =	vst.add.f32.msk $0xffff, v2;
	s3 =	sor.u32 s6, s16  }
0x1b6: {  	s2 =	sadd.s32 $0xE000, s2;
	s19 =	sor.u32 s4, s15;
	[tilespmem:s3+$0x0] =	vst.add.f32.msk $0xffff, v2;
	s3 =	sor.u32 s6, s15  }
0x1b7: {  	s21 =	sor.u32 s5, s16;
	s4 =	sor.u32 s4, s2;
	s6 =	sor.u32 s6, s2;
	[tilespmem:s3+$0x0] =	vst.add.f32.msk $0xffff, v2  }
0x1b8: {  	s7 =	sor.u32 s5, s15;
	s17 =	sor.u32 s5, s2;
	s3 =	sor.u32 s9, s16;
	[tilespmem:s6+$0x0] =	vst.add.f32.msk $0xffff, v2;
	v0 =	vmov v4  }
0x1b9: {  	s16 =	sor.u32 s9, s15;
	s15 =	sor.u32 s9, s2;
	[tilespmem:s8+$0x8000] =	vst.add.f32.msk $0xffff, v3  }
.Ltmp6:
0x1ba: {  	[tilespmem:s18+$0x0] =	vst.add.f32.msk $0xffff, v3;
	(pc) =	sbr.rel @p0 .LBB2_13-.Ltmp6, $4  }
0x1bb: {  	[tilespmem:s19+$0x0] =	vst.add.f32.msk $0xffff, v3  }
0x1bc: {  	[tilespmem:s4+$0x0] =	vst.add.f32.msk $0xffff, v3  }
0x1bd: {  	[tilespmem:s10+$0x8000] =	vst.add.f32.msk $0xffff, v1  }
0x1be: {  	[tilespmem:s21+$0x0] =	vst.add.f32.msk $0xffff, v1  }
0x1bf: {  	[tilespmem:s7+$0x0] =	vst.add.f32.msk $0xffff, v1  }
0x1c0: {  	[tilespmem:s14+$0x8000] =	vst.add.f32.msk $0xffff, v0  }
0x1c1: {  	[tilespmem:s17+$0x0] =	vst.add.f32.msk $0xffff, v1  }
0x1c2: {  	[tilespmem:s3+$0x0] =	vst.add.f32.msk $0xffff, v0  }
0x1c3: {  	[tilespmem:s16+$0x0] =	vst.add.f32.msk $0xffff, v0  }
0x1c4: {  	[tilespmem:s15+$0x0] =	vst.add.f32.msk $0xffff, v0  }
0x1c5: {  	s4 =	simm.s32 $0x8000;
	s2 =	rddreg [dreg:$0x1d]  }
0x1c6: {  	[hbm4b:s2+s24] =	stream.linear.scatter [tilespmem:s4], [sflag:$0x5], $0x2000, $0x38;
	[tilespmem:$0x1E000] =	vst v63  }
0x1c7: {  	s5 =	simm.s32 $0xA000;
	s25 =	rddreg [dreg:$0x1c]  }
0x1c8: {  	[hbm4b:s25+s24] =	stream.linear.scatter [tilespmem:s5], [sflag:$0x5], $0x2000, $0x38;
	[tilespmem:$0x1E000] =	vst v63  }
0x1c9: {  	s6 =	simm.s32 $0xC000;
	s26 =	rddreg [dreg:$0x1e]  }
0x1ca: {  	[hbm4b:s26+s24] =	stream.linear.scatter [tilespmem:s6], [sflag:$0x5], $0x2000, $0x38;
	[tilespmem:$0x1E000] =	vst v63  }
0x1cb: {  	s7 =	simm.s32 $0xE000;
	s28 =	rddreg [dreg:$0x1f]  }
0x1cc: {  	[hbm4b:s28+s24] =	stream.linear.scatter [tilespmem:s7], [sflag:$0x5], $0x2000, $0x38;
	[tilespmem:$0x1E000] =	vst v63  }
0x1cd: {  	_ =	swait.ge [sflag:s31], $0x2000  }
0x1ce: {  	[sflag:s31] =	ssyncset.done $0x0  }
0x1cf: {  	[sflag:s31] =	ssyncadd.s32 $0xFFFFE000  }
0x1d0: {  	_ =	swait.ge [sflag:s31], $0x2000  }
0x1d1: {  	[sflag:s31] =	ssyncset.done $0x0  }
0x1d2: {  	[sflag:s31] =	ssyncadd.s32 $0xFFFFE000  }
0x1d3: {  	_ =	swait.ge [sflag:s31], $0x2000  }
0x1d4: {  	[sflag:s31] =	ssyncset.done $0x0  }
0x1d5: {  	[sflag:s31] =	ssyncadd.s32 $0xFFFFE000  }
0x1d6: {  	_ =	swait.ge [sflag:s31], $0x2000  }
0x1d7: {  	[sflag:s31] =	ssyncset.done $0x0  }
0x1d8: {  	[sflag:s31] =	ssyncadd.s32 $0xFFFFE000  }
0x1d9: {  	_ =	swait.ge [sflag:s1], $0x2000  }
0x1da: {  	[sflag:s1] =	ssyncset.done $0x0  }
0x1db: {  	[sflag:s1] =	ssyncadd.s32 $0xFFFFE000  }
0x1dc: {  	_ =	swait.ge [sflag:s1], $0x2000  }
0x1dd: {  	[sflag:s1] =	ssyncset.done $0x0  }
0x1de: {  	[sflag:s1] =	ssyncadd.s32 $0xFFFFE000  }
0x1df: {  	_ =	swait.ge [sflag:s1], $0x2000  }
0x1e0: {  	[sflag:s1] =	ssyncset.done $0x0  }
0x1e1: {  	[sflag:s1] =	ssyncadd.s32 $0xFFFFE000  }
0x1e2: {  	_ =	swait.ge [sflag:s1], $0x2000  }
0x1e3: {  	[sflag:s1] =	ssyncset.done $0x0  }
0x1e4: {  	[sflag:s1] =	ssyncadd.s32 $0xFFFFE000  }
0x1e5: {  	_ =	swait.ge [sflag:s11], $0x2000  }
0x1e6: {  	[sflag:s11] =	ssyncset.done $0x0  }
0x1e7: {  	[sflag:s11] =	ssyncadd.s32 $0xFFFFE000  }
0x1e8: {  	_ =	swait.ge [sflag:s11], $0x2000  }
0x1e9: {  	[sflag:s11] =	ssyncset.done $0x0  }
0x1ea: {  	[sflag:s11] =	ssyncadd.s32 $0xFFFFE000  }
0x1eb: {  	_ =	swait.ge [sflag:s11], $0x2000  }
0x1ec: {  	[sflag:s11] =	ssyncset.done $0x0  }
0x1ed: {  	[sflag:s11] =	ssyncadd.s32 $0xFFFFE000  }
0x1ee: {  	_ =	swait.ge [sflag:s11], $0x2000  }
0x1ef: {  	s29 =	sld [smem:$0x7FD];
	_ =	sdelay $0x2  }
0x1f0: {  	s30 =	rddreg [dreg:$0x17];
	s3 =	sadd.s32 $0x1, s29  }
0x1f1: {  	p0 =	sne.s32 s3, s30  }
.Ltmp7:
0x1f2: {  	_ = 	snop;
	(pc) =	sbr.rel @p0 .LBB2_1-.Ltmp7, $3  }
0x1f3: {  	_ =	sdelay $0x1  }
0x1f4: {  	[sflag:s11] =	ssyncset.done $0x0  }
0x1f5: {  	s10 =	rddreg [dreg:$0x4];
	[sflag:s11] =	ssyncadd.s32 $0xFFFFE000  }
0x1f6: {  	_ =	sfence.sel $0x180000  }
0x1f7: {  	[bflag:$0x0] =	sbarrier.arrive $0xFFFF  }
0x1f8: {  	_ =	strace $0x90000047  }
0x1f9: {  	s0 =	stileid.u32;
	[bflag:$0x2] =	sbarrier.arrive $0xFFFF  }
0x1fa: {  	p0 =	sne.s32 s0, $0x0;
	s0 =	rddreg [dreg:$0x3]  }
0x1fb: {  	s0 =	sadd.s32 @!p0 $0x100000, s0  }
0x1fc: {  	[sflag:s0] =	ssyncadd.tile.s32 @!p0 $0x1;
	_ =	shalt  }
.Lfunc_end2:
_tile_overlayer_lowered:
.L_overlay_start_2:
0x1fd: {  	(tag) =	ssettag $0x2  }
0x1fe: {  	s0 =	rddreg [dreg:$0x0];
	s2 =	stileid.u32  }
0x1ff: {  	s1 =	rddreg [dreg:$0x1];
	p0 =	sne.s32 s2, $0x0  }
0x200: {  	s3 =	rddreg [dreg:$0x2];
	[bflag:$0x3] =	sbarrier.arrive $0xFFFF;
	s2 =	simm.s32 @!p0 $0x1C0A  }
0x201: {  	[timem:s3], [sflag:s2] =	dma.local @!p0 [hbm:s0], s1  }
0x202: {  	s0 =	simm.s32 @!p0 $0xA  }
0x203: {  	_ =	swait.ge @!p0 [sflag:s0], s1  }
0x204: {  	s1 =	ssub.s32 @!p0 $0x0, s1;
	[sflag:s0] =	ssyncset.done @!p0 $0x0  }
0x205: {  	[sflag:s0] =	ssyncadd.s32 @!p0 s1  }
0x206: {  	[bflag:$0x3] =	sbarrier.arrive $0xFFFF  }
0x207: {  	_ =	shalt  }

</sc_bundles>
